<compile_context>
chip_gen: v7x
topology: tpu7x:2x2x1
jax: 0.10.2.dev20260603
libtpu: 0.0.44.dev20260713+nightly
codegen_flags: <defaults>
</compile_context>

<pallas_src>
import functools

import jax
import jax.numpy as jnp
from jax import lax
from jax.experimental import pallas as pl
from jax.experimental.pallas import tpu as pltpu
from jax.experimental.pallas import tpu_sc as plsc

_NC, _NS, _LANES = 2, 16, 16
_NW = _NC * _NS
_G = 8
_NBUF = 2


def _batcher_pairs(n2):
    pairs = []
    p = 1
    while p < n2:
        k = p
        while k >= 1:
            for j in range(k % p, n2 - k, 2 * k):
                for i in range(0, k):
                    if j + i + k < n2 and (i + j) // (p * 2) == (i + j + k) // (p * 2):
                        pairs.append((j + i, j + i + k))
            k //= 2
        p *= 2
    return pairs


def _select_net(n, outs):
    pairs = _batcher_pairs(n)
    needed = set(outs)
    ops = []
    for (i, j) in reversed(pairs):
        ni, nj = i in needed, j in needed
        if not (ni or nj):
            continue
        ops.append(("x" if (ni and nj) else ("n" if ni else "m"), i, j))
        needed.add(i)
        needed.add(j)
    ops.reverse()
    return ops


_SEL16_OPS = _select_net(16, {7, 8})


def _median17(self_val, nbrs):
    w = list(nbrs)
    for kind, i, j in _SEL16_OPS:
        a, b = w[i], w[j]
        if kind == "x":
            w[i] = jnp.minimum(a, b)
            w[j] = jnp.maximum(a, b)
        elif kind == "n":
            w[i] = jnp.minimum(a, b)
        else:
            w[j] = jnp.maximum(a, b)
    return jnp.maximum(w[7], jnp.minimum(self_val, w[8]))


def _mm_body(x_ref, w_ref, o_ref):
    o_ref[...] = jnp.dot(x_ref[...], w_ref[...],
                         preferred_element_type=jnp.float32
                         ).astype(jnp.bfloat16)


def _matmul_bf16(x, w, blk=512):
    n, d = x.shape
    f = w.shape[1]
    return pl.pallas_call(
        _mm_body,
        grid=(n // blk,),
        in_specs=[
            pl.BlockSpec((blk, d), lambda i: (i, 0)),
            pl.BlockSpec((d, f), lambda i: (0, 0)),
        ],
        out_specs=pl.BlockSpec((blk, f), lambda i: (i, 0)),
        out_shape=jax.ShapeDtypeStruct((n, f), jnp.bfloat16),
    )(x, w)


def _make_sc_median(np_, deg, fw, relu):
    npw = np_ // _NW
    ngrp = npw // _G
    nch = fw // _LANES

    mesh = plsc.VectorSubcoreMesh(core_axis_name="c", subcore_axis_name="s",
                                  num_cores=_NC, num_subcores=_NS)

    @functools.partial(
        pl.kernel,
        mesh=mesh,
        out_type=jax.ShapeDtypeStruct((np_, fw), jnp.int32),
        scratch_types=[
            pltpu.VMEM((npw * deg,), jnp.int32),
            pltpu.VMEM((_NBUF, _G * deg, fw), jnp.int32),
            pltpu.VMEM((_NBUF, _G, fw), jnp.int32),
            pltpu.VMEM((_NBUF, _G, fw), jnp.int32),
            pltpu.VMEM_SHARED((np_, fw), jnp.int32),
        ] + [pltpu.SemaphoreType.DMA] * (3 * _NBUF),
    )
    def sc_median(table_hbm, adj_hbm, out_hbm, idx_v, rows_v, self_v, out_v,
                  shared_v, *sems):
        gsem = sems[0:_NBUF]
        ssem = sems[_NBUF:2 * _NBUF]
        osem = sems[2 * _NBUF:3 * _NBUF]
        c = lax.axis_index("c")
        s = lax.axis_index("s")
        wid = s * _NC + c
        base = wid * npw

        pltpu.sync_copy(adj_hbm.at[pl.ds(base * deg, npw * deg)], idx_v)

        stripe = np_ // _NS
        pltpu.sync_copy(table_hbm.at[pl.ds(s * stripe, stripe)],
                        shared_v.at[pl.ds(s * stripe, stripe)])
        plsc.subcore_barrier()

        def issue_gather(g, b):
            node0 = base + g * _G
            pltpu.async_copy(
                shared_v.at[idx_v.at[pl.ds(g * (_G * deg), _G * deg)]],
                rows_v.at[b], gsem[b])
            pltpu.async_copy(shared_v.at[pl.ds(node0, _G)],
                             self_v.at[b], ssem[b])

        def wait_gather(g, b):
            node0 = base + g * _G
            pltpu.make_async_copy(
                shared_v.at[idx_v.at[pl.ds(g * (_G * deg), _G * deg)]],
                rows_v.at[b], gsem[b]).wait()
            pltpu.make_async_copy(shared_v.at[pl.ds(node0, _G)],
                                  self_v.at[b], ssem[b]).wait()

        def issue_out(g, b):
            node0 = base + g * _G
            pltpu.async_copy(out_v.at[b],
                             out_hbm.at[pl.ds(node0, _G)], osem[b])

        def wait_out(g, b):
            node0 = base + g * _G
            pltpu.make_async_copy(out_v.at[b],
                                  out_hbm.at[pl.ds(node0, _G)],
                                  osem[b]).wait()

        def compute(b):
            def f32_even(v):
                return lax.bitcast_convert_type(lax.shift_left(v, 16),
                                                jnp.float32)

            def f32_odd(v):
                return lax.bitcast_convert_type(v, jnp.float32)

            def med_body(t, carry):
                i = t // nch
                w0 = (t % nch) * _LANES
                sv = self_v[b, i, pl.ds(w0, _LANES)]
                vs = [rows_v[b, i * deg + k, pl.ds(w0, _LANES)]
                      for k in range(deg)]
                med_e = _median17(f32_even(sv), [f32_even(v) for v in vs])
                med_o = _median17(f32_odd(sv), [f32_odd(v) for v in vs])
                if relu:
                    med_e = jnp.maximum(med_e, 0.0)
                    med_o = jnp.maximum(med_o, 0.0)
                ei = lax.bitcast_convert_type(med_e, jnp.int32)
                oi = lax.bitcast_convert_type(med_o, jnp.int32)
                out_v[b, i, pl.ds(w0, _LANES)] = (
                    lax.shift_right_logical(ei, 16)
                    | (oi & jnp.int32(-65536)))
                return carry

            lax.fori_loop(0, _G * nch, med_body, 0)

        for b in range(_NBUF):
            issue_gather(jnp.int32(b), b)

        def outer(step, carry):
            for b in range(_NBUF):
                g = step * _NBUF + b
                wait_gather(g, b)

                @pl.when(g >= _NBUF)
                def _():
                    wait_out(g - _NBUF, b)

                compute(b)
                issue_out(g, b)

                @pl.when(g + _NBUF < ngrp)
                def _():
                    issue_gather(g + _NBUF, b)

            return carry

        lax.fori_loop(0, ngrp // _NBUF, outer, 0)

        for g in range((ngrp // _NBUF) * _NBUF, ngrp):
            b = g % _NBUF
            wait_gather(jnp.int32(g), b)
            wait_out(jnp.int32(g - _NBUF), b)
            compute(b)
            issue_out(jnp.int32(g), b)

        for g in range(ngrp - _NBUF, ngrp):
            wait_out(jnp.int32(g), g % _NBUF)

    return sc_median


def _pack_i32(a):
    n, f = a.shape
    return lax.bitcast_convert_type(a.reshape(n, f // 2, 2), jnp.int32)


def _unpack_bf16(a):
    n, fw = a.shape
    return lax.bitcast_convert_type(a, jnp.bfloat16).reshape(n, 2 * fw)


@jax.jit
def kernel(x, adj, W1, W2):
    n, d = x.shape
    deg = adj.shape[1]
    f1 = W1.shape[1]
    f2 = W2.shape[1]

    align = _NW * _G
    np_ = ((n + align - 1) // align) * align

    x_pad = jnp.pad(x, ((0, np_ - n), (0, 0)))
    adj_flat = jnp.pad(adj, ((0, np_ - n), (0, 0))).reshape(-1)

    sc_relu = _make_sc_median(np_, deg, f1 // 2, relu=True)
    sc_plain = _make_sc_median(np_, deg, f2 // 2, relu=False)

    h = _matmul_bf16(x_pad, W1)
    m1 = sc_relu(_pack_i32(h), adj_flat)
    h2 = _matmul_bf16(_unpack_bf16(m1), W2)
    m2 = sc_plain(_pack_i32(h2), adj_flat)
    return _unpack_bf16(m2)[:n].astype(jnp.float32)

# --- scband reference (transcript-rebuilt; emitter-appended) ---
"""Pipeline reference for scband-median-gcn-78426102825056 (READ-ONLY COPY).

The authoritative reference and input builder live on the scoring server;
editing this copy changes nothing except your own understanding.
"""

import jax, jax.numpy as jnp
import numpy as np

N, D, H, O, DEG = 10000, 256, 256, 256, 16

def median_conv(h, nbrs, W):
    # linear transform (bias=False) followed by median aggregation over
    # the closed neighborhood (node itself + its neighbors)
    h = h @ W
    gathered = jnp.concatenate([h[:, None, :], h[nbrs]], axis=1)  # [N, deg+1, F]
    return jnp.median(gathered, axis=1)

def setup_inputs(seed: int = 0) -> dict:
    key = jax.random.key(seed)
    k1, k2, k3, k4 = jax.random.split(key, 4)
    x = jax.random.normal(k1, (N, D), dtype=jnp.float32)
    adj = jax.random.randint(k2, (N, DEG), 0, N)  # int32 neighbor indices, values < N
    W1 = (jax.random.normal(k3, (D, H), dtype=jnp.float32) / np.sqrt(D)).astype(jnp.float32)
    W2 = (jax.random.normal(k4, (H, O), dtype=jnp.float32) / np.sqrt(H)).astype(jnp.float32)
    return {"x": x, "adj": adj, "W1": W1, "W2": W2}

def reference(x, adj, W1, W2):
    # MedianGCN forward in eval mode: Dropout layers are identity.
    # conv = [Dropout, MedianConv(256->256), ReLU, Dropout, MedianConv(256->256)]
    h = median_conv(x, adj, W1)
    h = jax.nn.relu(h)
    h = median_conv(h, adj, W2)
    return h

if __name__ == "__main__":
    import jax
    _d = setup_inputs()
    print(jax.jit(kernel)(*tuple(_d.values())))

</pallas_src>

<mosaic_0001>
#map = affine_map<(d0, d1) -> (0, 0)>
#map1 = affine_map<(d0, d1) -> (0)>
module attributes {stable_mosaic.version = 14 : i64} {
  func.func @sc_median(%arg0: i32, %arg1: i32, %arg2: memref<10240x128xi32, #tpu.memory_space<hbm>>, %arg3: memref<163840xi32, #tpu.memory_space<hbm>>, %arg4: memref<10240x128xi32, #tpu.memory_space<hbm>>, %arg5: memref<5120xi32, #tpu.memory_space<vmem>>, %arg6: memref<2x128x128xi32, #tpu.memory_space<vmem>>, %arg7: memref<2x8x128xi32, #tpu.memory_space<vmem>>, %arg8: memref<2x8x128xi32, #tpu.memory_space<vmem>>, %arg9: memref<10240x128xi32, #tpu.memory_space<vmem_shared>>, %arg10: memref<!tpu.dma_semaphore, #tpu.memory_space<semaphore_mem>>, %arg11: memref<!tpu.dma_semaphore, #tpu.memory_space<semaphore_mem>>, %arg12: memref<!tpu.dma_semaphore, #tpu.memory_space<semaphore_mem>>, %arg13: memref<!tpu.dma_semaphore, #tpu.memory_space<semaphore_mem>>, %arg14: memref<!tpu.dma_semaphore, #tpu.memory_space<semaphore_mem>>, %arg15: memref<!tpu.dma_semaphore, #tpu.memory_space<semaphore_mem>>) attributes {dimension_semantics = [#tpu.dimension_semantics<core_parallel>, #tpu.dimension_semantics<subcore_parallel>], iteration_bounds = array<i64: 2, 16>, scalar_prefetch = 0 : i64, scratch_operands = 11 : i64, tpu.core_type = #tpu.core_type<sc_vector_subcore>, window_params = [{transform_indices = #map}, {transform_indices = #map1}, {transform_indices = #map}]} {
    %mul3A = arith.constant 2 : i32
    %mul3A_0 = arith.muli %arg1, %mul3A : i32
    %add3A = arith.addi %mul3A_0, %arg0 : i32
    %mul3A_1 = arith.constant 320 : i32
    %mul3A_2 = arith.muli %add3A, %mul3A_1 : i32
    %mul3A_3 = arith.constant 16 : i32
    %mul3A_4 = arith.muli %mul3A_2, %mul3A_3 : i32
    "tpu.region"() ({
      %run_scoped3A = tpu.sem_alloc : memref<!tpu.dma_semaphore, #tpu.memory_space<semaphore_mem>>
      %dma_start3A_104 = tpu.memref_slice %arg3[%mul3A_4] : memref<163840xi32, #tpu.memory_space<hbm>> -> memref<5120xi32, #tpu.memory_space<hbm>>
      %dma_start3A_105 = tpu.memref_slice %arg3[%mul3A_4] : memref<163840xi32, #tpu.memory_space<hbm>> -> memref<5120xi32, #tpu.memory_space<hbm>>
      tpu.enqueue_dma source(%dma_start3A_105 : memref<5120xi32, #tpu.memory_space<hbm>>) target(%arg5 : memref<5120xi32, #tpu.memory_space<vmem>>) target_semaphore(%run_scoped3A : memref<!tpu.dma_semaphore, #tpu.memory_space<semaphore_mem>>)
      %dma_wait3A_106 = tpu.memref_slice %arg3[%mul3A_4] : memref<163840xi32, #tpu.memory_space<hbm>> -> memref<5120xi32, #tpu.memory_space<hbm>>
      %dma_wait3A_107 = tpu.memref_slice %arg3[%mul3A_4] : memref<163840xi32, #tpu.memory_space<hbm>> -> memref<5120xi32, #tpu.memory_space<hbm>>
      tpu.wait_dma2 semaphore(%run_scoped3A : memref<!tpu.dma_semaphore, #tpu.memory_space<semaphore_mem>>) src(%dma_wait3A_107 : memref<5120xi32, #tpu.memory_space<hbm>>) dst(%arg5 : memref<5120xi32, #tpu.memory_space<vmem>>)
      tpu.yield
    }) : () -> ()
    %mul3A_5 = arith.constant 640 : i32
    %mul3A_6 = arith.muli %arg1, %mul3A_5 : i32
    %mul3A_7 = arith.constant 640 : i32
    %mul3A_8 = arith.muli %arg1, %mul3A_7 : i32
    "tpu.region"() ({
      %run_scoped3A = tpu.sem_alloc : memref<!tpu.dma_semaphore, #tpu.memory_space<semaphore_mem>>
      %dma_start3A_104 = arith.constant 0 : i32
      %dma_start3A_105 = tpu.memref_slice %arg9[%mul3A_8, %dma_start3A_104] : memref<10240x128xi32, #tpu.memory_space<vmem_shared>> -> memref<640x128xi32, #tpu.memory_space<vmem_shared>>
      %dma_start3A_106 = arith.constant 0 : i32
      %dma_start3A_107 = tpu.memref_slice %arg2[%mul3A_6, %dma_start3A_106] : memref<10240x128xi32, #tpu.memory_space<hbm>> -> memref<640x128xi32, #tpu.memory_space<hbm>>
      tpu.enqueue_dma source(%dma_start3A_107 : memref<640x128xi32, #tpu.memory_space<hbm>>) target(%dma_start3A_105 : memref<640x128xi32, #tpu.memory_space<vmem_shared>>) target_semaphore(%run_scoped3A : memref<!tpu.dma_semaphore, #tpu.memory_space<semaphore_mem>>)
      %dma_wait3A_108 = arith.constant 0 : i32
      %dma_wait3A_109 = tpu.memref_slice %arg9[%mul3A_8, %dma_wait3A_108] : memref<10240x128xi32, #tpu.memory_space<vmem_shared>> -> memref<640x128xi32, #tpu.memory_space<vmem_shared>>
      %dma_wait3A_110 = arith.constant 0 : i32
      %dma_wait3A_111 = tpu.memref_slice %arg2[%mul3A_6, %dma_wait3A_110] : memref<10240x128xi32, #tpu.memory_space<hbm>> -> memref<640x128xi32, #tpu.memory_space<hbm>>
      tpu.wait_dma2 semaphore(%run_scoped3A : memref<!tpu.dma_semaphore, #tpu.memory_space<semaphore_mem>>) src(%dma_wait3A_111 : memref<640x128xi32, #tpu.memory_space<hbm>>) dst(%dma_wait3A_109 : memref<640x128xi32, #tpu.memory_space<vmem_shared>>)
      tpu.yield
    }) : () -> ()
    %barrier3A = arith.constant 0 : index
    tpu.barrier barrier_id(%barrier3A)
    %mul3A_9 = arith.constant 0 : i32
    %mul3A_10 = arith.constant 8 : i32
    %mul3A_11 = arith.muli %mul3A_9, %mul3A_10 : i32
    %add3A_12 = arith.addi %mul3A_2, %mul3A_11 : i32
    %mul3A_13 = arith.constant 0 : i32
    %mul3A_14 = arith.constant 128 : i32
    %mul3A_15 = arith.muli %mul3A_13, %mul3A_14 : i32
    %dma_start3A = arith.constant 0 : i32
    %dma_start3A_16 = arith.constant 0 : i32
    %dma_start3A_17 = arith.constant 0 : i32
    %dma_start3A_18 = tpu.memref_slice %arg6[%dma_start3A, %dma_start3A_16, %dma_start3A_17] : memref<2x128x128xi32, #tpu.memory_space<vmem>> -> memref<1x128x128xi32, #tpu.memory_space<vmem>>
    %dma_start3A_19 = tpu.memref_squeeze %dma_start3A_18 : memref<1x128x128xi32, #tpu.memory_space<vmem>> -> memref<128x128xi32, #tpu.memory_space<vmem>>
    %dma_start3A_20 = tpu.memref_slice %arg5[%mul3A_15] : memref<5120xi32, #tpu.memory_space<vmem>> -> memref<128xi32, #tpu.memory_space<vmem>>
    %dma_start3A_21 = arith.constant 0 : i32
    %dma_start3A_22 = arith.constant 0 : i32
    %dma_start3A_23 = tpu.memref_slice %arg9[%dma_start3A_21, %dma_start3A_22] : memref<10240x128xi32, #tpu.memory_space<vmem_shared>> -> memref<10240x128xi32, #tpu.memory_space<vmem_shared>>
    tpu.enqueue_indirect_dma source(%dma_start3A_23 : memref<10240x128xi32, #tpu.memory_space<vmem_shared>>) target(%dma_start3A_19 : memref<128x128xi32, #tpu.memory_space<vmem>>) offsets(%dma_start3A_20 : memref<128xi32, #tpu.memory_space<vmem>>) semaphore(%arg10 : memref<!tpu.dma_semaphore, #tpu.memory_space<semaphore_mem>>)
    %dma_start3A_24 = arith.constant 0 : i32
    %dma_start3A_25 = arith.constant 0 : i32
    %dma_start3A_26 = arith.constant 0 : i32
    %dma_start3A_27 = tpu.memref_slice %arg7[%dma_start3A_24, %dma_start3A_25, %dma_start3A_26] : memref<2x8x128xi32, #tpu.memory_space<vmem>> -> memref<1x8x128xi32, #tpu.memory_space<vmem>>
    %dma_start3A_28 = tpu.memref_squeeze %dma_start3A_27 : memref<1x8x128xi32, #tpu.memory_space<vmem>> -> memref<8x128xi32, #tpu.memory_space<vmem>>
    %dma_start3A_29 = arith.constant 0 : i32
    %dma_start3A_30 = tpu.memref_slice %arg9[%add3A_12, %dma_start3A_29] : memref<10240x128xi32, #tpu.memory_space<vmem_shared>> -> memref<8x128xi32, #tpu.memory_space<vmem_shared>>
    %dma_start3A_31 = arith.constant 0 : i32
    %dma_start3A_32 = arith.constant 0 : i32
    %dma_start3A_33 = tpu.memref_slice %arg7[%dma_start3A_24, %dma_start3A_31, %dma_start3A_32] : memref<2x8x128xi32, #tpu.memory_space<vmem>> -> memref<1x8x128xi32, #tpu.memory_space<vmem>>
    %dma_start3A_34 = tpu.memref_squeeze %dma_start3A_33 : memref<1x8x128xi32, #tpu.memory_space<vmem>> -> memref<8x128xi32, #tpu.memory_space<vmem>>
    %dma_start3A_35 = arith.constant 0 : i32
    %dma_start3A_36 = tpu.memref_slice %arg9[%add3A_12, %dma_start3A_35] : memref<10240x128xi32, #tpu.memory_space<vmem_shared>> -> memref<8x128xi32, #tpu.memory_space<vmem_shared>>
    tpu.enqueue_dma source(%dma_start3A_36 : memref<8x128xi32, #tpu.memory_space<vmem_shared>>) target(%dma_start3A_34 : memref<8x128xi32, #tpu.memory_space<vmem>>) target_semaphore(%arg12 : memref<!tpu.dma_semaphore, #tpu.memory_space<semaphore_mem>>)
    %mul3A_37 = arith.constant 1 : i32
    %mul3A_38 = arith.constant 8 : i32
    %mul3A_39 = arith.muli %mul3A_37, %mul3A_38 : i32
    %add3A_40 = arith.addi %mul3A_2, %mul3A_39 : i32
    %mul3A_41 = arith.constant 1 : i32
    %mul3A_42 = arith.constant 128 : i32
    %mul3A_43 = arith.muli %mul3A_41, %mul3A_42 : i32
    %dma_start3A_44 = arith.constant 1 : i32
    %dma_start3A_45 = arith.constant 0 : i32
    %dma_start3A_46 = arith.constant 0 : i32
    %dma_start3A_47 = tpu.memref_slice %arg6[%dma_start3A_44, %dma_start3A_45, %dma_start3A_46] : memref<2x128x128xi32, #tpu.memory_space<vmem>> -> memref<1x128x128xi32, #tpu.memory_space<vmem>>
    %dma_start3A_48 = tpu.memref_squeeze %dma_start3A_47 : memref<1x128x128xi32, #tpu.memory_space<vmem>> -> memref<128x128xi32, #tpu.memory_space<vmem>>
    %dma_start3A_49 = tpu.memref_slice %arg5[%mul3A_43] : memref<5120xi32, #tpu.memory_space<vmem>> -> memref<128xi32, #tpu.memory_space<vmem>>
    %dma_start3A_50 = arith.constant 0 : i32
    %dma_start3A_51 = arith.constant 0 : i32
    %dma_start3A_52 = tpu.memref_slice %arg9[%dma_start3A_50, %dma_start3A_51] : memref<10240x128xi32, #tpu.memory_space<vmem_shared>> -> memref<10240x128xi32, #tpu.memory_space<vmem_shared>>
    tpu.enqueue_indirect_dma source(%dma_start3A_52 : memref<10240x128xi32, #tpu.memory_space<vmem_shared>>) target(%dma_start3A_48 : memref<128x128xi32, #tpu.memory_space<vmem>>) offsets(%dma_start3A_49 : memref<128xi32, #tpu.memory_space<vmem>>) semaphore(%arg11 : memref<!tpu.dma_semaphore, #tpu.memory_space<semaphore_mem>>)
    %dma_start3A_53 = arith.constant 1 : i32
    %dma_start3A_54 = arith.constant 0 : i32
    %dma_start3A_55 = arith.constant 0 : i32
    %dma_start3A_56 = tpu.memref_slice %arg7[%dma_start3A_53, %dma_start3A_54, %dma_start3A_55] : memref<2x8x128xi32, #tpu.memory_space<vmem>> -> memref<1x8x128xi32, #tpu.memory_space<vmem>>
    %dma_start3A_57 = tpu.memref_squeeze %dma_start3A_56 : memref<1x8x128xi32, #tpu.memory_space<vmem>> -> memref<8x128xi32, #tpu.memory_space<vmem>>
    %dma_start3A_58 = arith.constant 0 : i32
    %dma_start3A_59 = tpu.memref_slice %arg9[%add3A_40, %dma_start3A_58] : memref<10240x128xi32, #tpu.memory_space<vmem_shared>> -> memref<8x128xi32, #tpu.memory_space<vmem_shared>>
    %dma_start3A_60 = arith.constant 0 : i32
    %dma_start3A_61 = arith.constant 0 : i32
    %dma_start3A_62 = tpu.memref_slice %arg7[%dma_start3A_53, %dma_start3A_60, %dma_start3A_61] : memref<2x8x128xi32, #tpu.memory_space<vmem>> -> memref<1x8x128xi32, #tpu.memory_space<vmem>>
    %dma_start3A_63 = tpu.memref_squeeze %dma_start3A_62 : memref<1x8x128xi32, #tpu.memory_space<vmem>> -> memref<8x128xi32, #tpu.memory_space<vmem>>
    %dma_start3A_64 = arith.constant 0 : i32
    %dma_start3A_65 = tpu.memref_slice %arg9[%add3A_40, %dma_start3A_64] : memref<10240x128xi32, #tpu.memory_space<vmem_shared>> -> memref<8x128xi32, #tpu.memory_space<vmem_shared>>
    tpu.enqueue_dma source(%dma_start3A_65 : memref<8x128xi32, #tpu.memory_space<vmem_shared>>) target(%dma_start3A_63 : memref<8x128xi32, #tpu.memory_space<vmem>>) target_semaphore(%arg13 : memref<!tpu.dma_semaphore, #tpu.memory_space<semaphore_mem>>)
    %scan3A = arith.constant 0 : i32
    %scan3A_66 = arith.constant 0 : i32
    %scan3A_67 = arith.constant 20 : i32
    %scan3A_68 = arith.addi %scan3A_66, %scan3A_67 : i32
    %scan3A_69 = arith.constant 1 : i32
    scf.for %scan3A_104 = %scan3A_66 to %scan3A_68 step %scan3A_69  : i32 {
      %mul3A_105 = arith.constant 2 : i32
      %mul3A_106 = arith.muli %scan3A_104, %mul3A_105 : i32
      %add3A_107 = arith.constant 0 : i32
      %add3A_108 = arith.addi %mul3A_106, %add3A_107 : i32
      %mul3A_109 = arith.constant 8 : i32
      %mul3A_110 = arith.muli %add3A_108, %mul3A_109 : i32
      %add3A_111 = arith.addi %mul3A_2, %mul3A_110 : i32
      %mul3A_112 = arith.constant 128 : i32
      %mul3A_113 = arith.muli %add3A_108, %mul3A_112 : i32
      %dma_wait3A_114 = arith.constant 0 : i32
      %dma_wait3A_115 = arith.constant 0 : i32
      %dma_wait3A_116 = arith.constant 0 : i32
      %dma_wait3A_117 = tpu.memref_slice %arg6[%dma_wait3A_114, %dma_wait3A_115, %dma_wait3A_116] : memref<2x128x128xi32, #tpu.memory_space<vmem>> -> memref<1x128x128xi32, #tpu.memory_space<vmem>>
      %dma_wait3A_118 = tpu.memref_squeeze %dma_wait3A_117 : memref<1x128x128xi32, #tpu.memory_space<vmem>> -> memref<128x128xi32, #tpu.memory_space<vmem>>
      %dma_wait3A_119 = tpu.memref_slice %arg5[%mul3A_113] : memref<5120xi32, #tpu.memory_space<vmem>> -> memref<128xi32, #tpu.memory_space<vmem>>
      %dma_wait3A_120 = arith.constant 0 : i32
      %dma_wait3A_121 = arith.constant 0 : i32
      %dma_wait3A_122 = tpu.memref_slice %arg9[%dma_wait3A_120, %dma_wait3A_121] : memref<10240x128xi32, #tpu.memory_space<vmem_shared>> -> memref<10240x128xi32, #tpu.memory_space<vmem_shared>>
      tpu.wait_indirect_dma semaphore(%arg10 : memref<!tpu.dma_semaphore, #tpu.memory_space<semaphore_mem>>) src(%dma_wait3A_122 : memref<10240x128xi32, #tpu.memory_space<vmem_shared>>) dst(%dma_wait3A_118 : memref<128x128xi32, #tpu.memory_space<vmem>>)
      %dma_wait3A_123 = arith.constant 0 : i32
      %dma_wait3A_124 = arith.constant 0 : i32
      %dma_wait3A_125 = arith.constant 0 : i32
      %dma_wait3A_126 = tpu.memref_slice %arg7[%dma_wait3A_123, %dma_wait3A_124, %dma_wait3A_125] : memref<2x8x128xi32, #tpu.memory_space<vmem>> -> memref<1x8x128xi32, #tpu.memory_space<vmem>>
      %dma_wait3A_127 = tpu.memref_squeeze %dma_wait3A_126 : memref<1x8x128xi32, #tpu.memory_space<vmem>> -> memref<8x128xi32, #tpu.memory_space<vmem>>
      %dma_wait3A_128 = arith.constant 0 : i32
      %dma_wait3A_129 = tpu.memref_slice %arg9[%add3A_111, %dma_wait3A_128] : memref<10240x128xi32, #tpu.memory_space<vmem_shared>> -> memref<8x128xi32, #tpu.memory_space<vmem_shared>>
      %dma_wait3A_130 = arith.constant 0 : i32
      %dma_wait3A_131 = arith.constant 0 : i32
      %dma_wait3A_132 = tpu.memref_slice %arg7[%dma_wait3A_123, %dma_wait3A_130, %dma_wait3A_131] : memref<2x8x128xi32, #tpu.memory_space<vmem>> -> memref<1x8x128xi32, #tpu.memory_space<vmem>>
      %dma_wait3A_133 = tpu.memref_squeeze %dma_wait3A_132 : memref<1x8x128xi32, #tpu.memory_space<vmem>> -> memref<8x128xi32, #tpu.memory_space<vmem>>
      %dma_wait3A_134 = arith.constant 0 : i32
      %dma_wait3A_135 = tpu.memref_slice %arg9[%add3A_111, %dma_wait3A_134] : memref<10240x128xi32, #tpu.memory_space<vmem_shared>> -> memref<8x128xi32, #tpu.memory_space<vmem_shared>>
      tpu.wait_dma2 semaphore(%arg12 : memref<!tpu.dma_semaphore, #tpu.memory_space<semaphore_mem>>) src(%dma_wait3A_135 : memref<8x128xi32, #tpu.memory_space<vmem_shared>>) dst(%dma_wait3A_133 : memref<8x128xi32, #tpu.memory_space<vmem>>)
      %ge3A = arith.constant 2 : i32
      %ge3A_136 = arith.cmpi sge, %add3A_108, %ge3A : i32
      %convert_element_type3A = arith.extui %ge3A_136 : i1 to i32
      %cond3A = arith.constant 0 : i32
      %cond3A_137 = arith.cmpi ne, %convert_element_type3A, %cond3A : i32
      scf.if %cond3A_137 {
        %sub3A = arith.constant 2 : i32
        %sub3A_231 = arith.subi %add3A_108, %sub3A : i32
        %mul3A_232 = arith.constant 8 : i32
        %mul3A_233 = arith.muli %sub3A_231, %mul3A_232 : i32
        %add3A_234 = arith.addi %mul3A_2, %mul3A_233 : i32
        %dma_wait3A_235 = arith.constant 0 : i32
        %dma_wait3A_236 = arith.constant 0 : i32
        %dma_wait3A_237 = arith.constant 0 : i32
        %dma_wait3A_238 = tpu.memref_slice %arg8[%dma_wait3A_235, %dma_wait3A_236, %dma_wait3A_237] : memref<2x8x128xi32, #tpu.memory_space<vmem>> -> memref<1x8x128xi32, #tpu.memory_space<vmem>>
        %dma_wait3A_239 = tpu.memref_squeeze %dma_wait3A_238 : memref<1x8x128xi32, #tpu.memory_space<vmem>> -> memref<8x128xi32, #tpu.memory_space<vmem>>
        %dma_wait3A_240 = arith.constant 0 : i32
        %dma_wait3A_241 = tpu.memref_slice %arg4[%add3A_234, %dma_wait3A_240] : memref<10240x128xi32, #tpu.memory_space<hbm>> -> memref<8x128xi32, #tpu.memory_space<hbm>>
        %dma_wait3A_242 = arith.constant 0 : i32
        %dma_wait3A_243 = tpu.memref_slice %arg4[%add3A_234, %dma_wait3A_242] : memref<10240x128xi32, #tpu.memory_space<hbm>> -> memref<8x128xi32, #tpu.memory_space<hbm>>
        %dma_wait3A_244 = arith.constant 0 : i32
        %dma_wait3A_245 = arith.constant 0 : i32
        %dma_wait3A_246 = tpu.memref_slice %arg8[%dma_wait3A_235, %dma_wait3A_244, %dma_wait3A_245] : memref<2x8x128xi32, #tpu.memory_space<vmem>> -> memref<1x8x128xi32, #tpu.memory_space<vmem>>
        %dma_wait3A_247 = tpu.memref_squeeze %dma_wait3A_246 : memref<1x8x128xi32, #tpu.memory_space<vmem>> -> memref<8x128xi32, #tpu.memory_space<vmem>>
        tpu.wait_dma2 semaphore(%arg14 : memref<!tpu.dma_semaphore, #tpu.memory_space<semaphore_mem>>) src(%dma_wait3A_247 : memref<8x128xi32, #tpu.memory_space<vmem>>) dst(%dma_wait3A_243 : memref<8x128xi32, #tpu.memory_space<hbm>>)
      } else {
      }
      %scan3A_138 = arith.constant 0 : i32
      %scan3A_139 = arith.constant 0 : i32
      %scan3A_140 = arith.constant 64 : i32
      %scan3A_141 = arith.addi %scan3A_139, %scan3A_140 : i32
      %scan3A_142 = arith.constant 1 : i32
      scf.for %scan3A_231 = %scan3A_139 to %scan3A_141 step %scan3A_142  : i32 {
        %jit3A = arith.constant 8 : i32
        %div3A = arith.divsi %scan3A_231, %jit3A : i32
        %sign3A = arith.constant 0 : i32
        %sign3A_232 = arith.cmpi sgt, %scan3A_231, %sign3A : i32
        %sign3A_233 = arith.extui %sign3A_232 : i1 to i32
        %sign3A_234 = arith.constant 0 : i32
        %sign3A_235 = arith.cmpi slt, %scan3A_231, %sign3A_234 : i32
        %sign3A_236 = arith.extui %sign3A_235 : i1 to i32
        %sign3A_237 = arith.subi %sign3A_233, %sign3A_236 : i32
        %sign3A_238 = arith.constant 0 : i32
        %sign3A_239 = arith.cmpi sgt, %jit3A, %sign3A_238 : i32
        %sign3A_240 = arith.extui %sign3A_239 : i1 to i32
        %sign3A_241 = arith.constant 0 : i32
        %sign3A_242 = arith.cmpi slt, %jit3A, %sign3A_241 : i32
        %sign3A_243 = arith.extui %sign3A_242 : i1 to i32
        %sign3A_244 = arith.subi %sign3A_240, %sign3A_243 : i32
        %ne3A = arith.cmpi ne, %sign3A_237, %sign3A_244 : i32
        %rem3A = arith.remsi %scan3A_231, %jit3A : i32
        %ne3A_245 = arith.constant 0 : i32
        %ne3A_246 = arith.cmpi ne, %rem3A, %ne3A_245 : i32
        %and3A = arith.andi %ne3A, %ne3A_246 : i1
        %sub3A = arith.constant 1 : i32
        %sub3A_247 = arith.subi %div3A, %sub3A : i32
        %select_n3A = arith.select %and3A, %sub3A_247, %div3A : i32
        %jit3A_248 = arith.constant 8 : i32
        %eq3A = arith.constant 0 : i32
        %eq3A_249 = arith.cmpi eq, %jit3A_248, %eq3A : i32
        %jit3A_250 = arith.constant 1 : i32
        %select_n3A_251 = arith.select %eq3A_249, %jit3A_250, %jit3A_248 : i32
        %rem3A_252 = arith.remsi %scan3A_231, %select_n3A_251 : i32
        %ne3A_253 = arith.constant 0 : i32
        %ne3A_254 = arith.cmpi ne, %rem3A_252, %ne3A_253 : i32
        %lt3A_255 = arith.constant 0 : i32
        %lt3A_256 = arith.cmpi slt, %rem3A_252, %lt3A_255 : i32
        %lt3A_257 = arith.constant 0 : i32
        %lt3A_258 = arith.cmpi slt, %select_n3A_251, %lt3A_257 : i32
        %ne3A_259 = arith.xori %lt3A_256, %lt3A_258 : i1
        %and3A_260 = arith.andi %ne3A_259, %ne3A_254 : i1
        %add3A_261 = arith.addi %rem3A_252, %select_n3A_251 : i32
        %select_n3A_262 = arith.select %and3A_260, %add3A_261, %rem3A_252 : i32
        %mul3A_263 = arith.constant 16 : i32
        %mul3A_264 = arith.muli %select_n3A_262, %mul3A_263 : i32
        %get3A = arith.constant 0 : i32
        %get3A_265 = arith.index_cast %get3A : i32 to index
        %get3A_266 = arith.index_cast %select_n3A : i32 to index
        %get3A_267 = arith.index_cast %mul3A_264 : i32 to index
        %get3A_268 = tpu.vector_load %arg7[%get3A_265, %get3A_266, %get3A_267] {strides = array<i32>} : memref<2x8x128xi32, #tpu.memory_space<vmem>>, vector<1x1x16xi32>,
        %get3A_269 = vector.shape_cast %get3A_268 : vector<1x1x16xi32> to vector<16xi32>
        %mul3A_270 = arith.constant 16 : i32
        %mul3A_271 = arith.muli %select_n3A, %mul3A_270 : i32
        %add3A_272 = arith.constant 0 : i32
        %add3A_273 = arith.addi %mul3A_271, %add3A_272 : i32
        %get3A_274 = arith.constant 0 : i32
        %get3A_275 = arith.index_cast %get3A_274 : i32 to index
        %get3A_276 = arith.index_cast %add3A_273 : i32 to index
        %get3A_277 = arith.index_cast %mul3A_264 : i32 to index
        %get3A_278 = tpu.vector_load %arg6[%get3A_275, %get3A_276, %get3A_277] {strides = array<i32>} : memref<2x128x128xi32, #tpu.memory_space<vmem>>, vector<1x1x16xi32>,
        %get3A_279 = vector.shape_cast %get3A_278 : vector<1x1x16xi32> to vector<16xi32>
        %mul3A_280 = arith.constant 16 : i32
        %mul3A_281 = arith.muli %select_n3A, %mul3A_280 : i32
        %add3A_282 = arith.constant 1 : i32
        %add3A_283 = arith.addi %mul3A_281, %add3A_282 : i32
        %get3A_284 = arith.constant 0 : i32
        %get3A_285 = arith.index_cast %get3A_284 : i32 to index
        %get3A_286 = arith.index_cast %add3A_283 : i32 to index
        %get3A_287 = arith.index_cast %mul3A_264 : i32 to index
        %get3A_288 = tpu.vector_load %arg6[%get3A_285, %get3A_286, %get3A_287] {strides = array<i32>} : memref<2x128x128xi32, #tpu.memory_space<vmem>>, vector<1x1x16xi32>,
        %get3A_289 = vector.shape_cast %get3A_288 : vector<1x1x16xi32> to vector<16xi32>
        %mul3A_290 = arith.constant 16 : i32
        %mul3A_291 = arith.muli %select_n3A, %mul3A_290 : i32
        %add3A_292 = arith.constant 2 : i32
        %add3A_293 = arith.addi %mul3A_291, %add3A_292 : i32
        %get3A_294 = arith.constant 0 : i32
        %get3A_295 = arith.index_cast %get3A_294 : i32 to index
        %get3A_296 = arith.index_cast %add3A_293 : i32 to index
        %get3A_297 = arith.index_cast %mul3A_264 : i32 to index
        %get3A_298 = tpu.vector_load %arg6[%get3A_295, %get3A_296, %get3A_297] {strides = array<i32>} : memref<2x128x128xi32, #tpu.memory_space<vmem>>, vector<1x1x16xi32>,
        %get3A_299 = vector.shape_cast %get3A_298 : vector<1x1x16xi32> to vector<16xi32>
        %mul3A_300 = arith.constant 16 : i32
        %mul3A_301 = arith.muli %select_n3A, %mul3A_300 : i32
        %add3A_302 = arith.constant 3 : i32
        %add3A_303 = arith.addi %mul3A_301, %add3A_302 : i32
        %get3A_304 = arith.constant 0 : i32
        %get3A_305 = arith.index_cast %get3A_304 : i32 to index
        %get3A_306 = arith.index_cast %add3A_303 : i32 to index
        %get3A_307 = arith.index_cast %mul3A_264 : i32 to index
        %get3A_308 = tpu.vector_load %arg6[%get3A_305, %get3A_306, %get3A_307] {strides = array<i32>} : memref<2x128x128xi32, #tpu.memory_space<vmem>>, vector<1x1x16xi32>,
        %get3A_309 = vector.shape_cast %get3A_308 : vector<1x1x16xi32> to vector<16xi32>
        %mul3A_310 = arith.constant 16 : i32
        %mul3A_311 = arith.muli %select_n3A, %mul3A_310 : i32
        %add3A_312 = arith.constant 4 : i32
        %add3A_313 = arith.addi %mul3A_311, %add3A_312 : i32
        %get3A_314 = arith.constant 0 : i32
        %get3A_315 = arith.index_cast %get3A_314 : i32 to index
        %get3A_316 = arith.index_cast %add3A_313 : i32 to index
        %get3A_317 = arith.index_cast %mul3A_264 : i32 to index
        %get3A_318 = tpu.vector_load %arg6[%get3A_315, %get3A_316, %get3A_317] {strides = array<i32>} : memref<2x128x128xi32, #tpu.memory_space<vmem>>, vector<1x1x16xi32>,
        %get3A_319 = vector.shape_cast %get3A_318 : vector<1x1x16xi32> to vector<16xi32>
        %mul3A_320 = arith.constant 16 : i32
        %mul3A_321 = arith.muli %select_n3A, %mul3A_320 : i32
        %add3A_322 = arith.constant 5 : i32
        %add3A_323 = arith.addi %mul3A_321, %add3A_322 : i32
        %get3A_324 = arith.constant 0 : i32
        %get3A_325 = arith.index_cast %get3A_324 : i32 to index
        %get3A_326 = arith.index_cast %add3A_323 : i32 to index
        %get3A_327 = arith.index_cast %mul3A_264 : i32 to index
        %get3A_328 = tpu.vector_load %arg6[%get3A_325, %get3A_326, %get3A_327] {strides = array<i32>} : memref<2x128x128xi32, #tpu.memory_space<vmem>>, vector<1x1x16xi32>,
        %get3A_329 = vector.shape_cast %get3A_328 : vector<1x1x16xi32> to vector<16xi32>
        %mul3A_330 = arith.constant 16 : i32
        %mul3A_331 = arith.muli %select_n3A, %mul3A_330 : i32
        %add3A_332 = arith.constant 6 : i32
        %add3A_333 = arith.addi %mul3A_331, %add3A_332 : i32
        %get3A_334 = arith.constant 0 : i32
        %get3A_335 = arith.index_cast %get3A_334 : i32 to index
        %get3A_336 = arith.index_cast %add3A_333 : i32 to index
        %get3A_337 = arith.index_cast %mul3A_264 : i32 to index
        %get3A_338 = tpu.vector_load %arg6[%get3A_335, %get3A_336, %get3A_337] {strides = array<i32>} : memref<2x128x128xi32, #tpu.memory_space<vmem>>, vector<1x1x16xi32>,
        %get3A_339 = vector.shape_cast %get3A_338 : vector<1x1x16xi32> to vector<16xi32>
        %mul3A_340 = arith.constant 16 : i32
        %mul3A_341 = arith.muli %select_n3A, %mul3A_340 : i32
        %add3A_342 = arith.constant 7 : i32
        %add3A_343 = arith.addi %mul3A_341, %add3A_342 : i32
        %get3A_344 = arith.constant 0 : i32
        %get3A_345 = arith.index_cast %get3A_344 : i32 to index
        %get3A_346 = arith.index_cast %add3A_343 : i32 to index
        %get3A_347 = arith.index_cast %mul3A_264 : i32 to index
        %get3A_348 = tpu.vector_load %arg6[%get3A_345, %get3A_346, %get3A_347] {strides = array<i32>} : memref<2x128x128xi32, #tpu.memory_space<vmem>>, vector<1x1x16xi32>,
        %get3A_349 = vector.shape_cast %get3A_348 : vector<1x1x16xi32> to vector<16xi32>
        %mul3A_350 = arith.constant 16 : i32
        %mul3A_351 = arith.muli %select_n3A, %mul3A_350 : i32
        %add3A_352 = arith.constant 8 : i32
        %add3A_353 = arith.addi %mul3A_351, %add3A_352 : i32
        %get3A_354 = arith.constant 0 : i32
        %get3A_355 = arith.index_cast %get3A_354 : i32 to index
        %get3A_356 = arith.index_cast %add3A_353 : i32 to index
        %get3A_357 = arith.index_cast %mul3A_264 : i32 to index
        %get3A_358 = tpu.vector_load %arg6[%get3A_355, %get3A_356, %get3A_357] {strides = array<i32>} : memref<2x128x128xi32, #tpu.memory_space<vmem>>, vector<1x1x16xi32>,
        %get3A_359 = vector.shape_cast %get3A_358 : vector<1x1x16xi32> to vector<16xi32>
        %mul3A_360 = arith.constant 16 : i32
        %mul3A_361 = arith.muli %select_n3A, %mul3A_360 : i32
        %add3A_362 = arith.constant 9 : i32
        %add3A_363 = arith.addi %mul3A_361, %add3A_362 : i32
        %get3A_364 = arith.constant 0 : i32
        %get3A_365 = arith.index_cast %get3A_364 : i32 to index
        %get3A_366 = arith.index_cast %add3A_363 : i32 to index
        %get3A_367 = arith.index_cast %mul3A_264 : i32 to index
        %get3A_368 = tpu.vector_load %arg6[%get3A_365, %get3A_366, %get3A_367] {strides = array<i32>} : memref<2x128x128xi32, #tpu.memory_space<vmem>>, vector<1x1x16xi32>,
        %get3A_369 = vector.shape_cast %get3A_368 : vector<1x1x16xi32> to vector<16xi32>
        %mul3A_370 = arith.constant 16 : i32
        %mul3A_371 = arith.muli %select_n3A, %mul3A_370 : i32
        %add3A_372 = arith.constant 10 : i32
        %add3A_373 = arith.addi %mul3A_371, %add3A_372 : i32
        %get3A_374 = arith.constant 0 : i32
        %get3A_375 = arith.index_cast %get3A_374 : i32 to index
        %get3A_376 = arith.index_cast %add3A_373 : i32 to index
        %get3A_377 = arith.index_cast %mul3A_264 : i32 to index
        %get3A_378 = tpu.vector_load %arg6[%get3A_375, %get3A_376, %get3A_377] {strides = array<i32>} : memref<2x128x128xi32, #tpu.memory_space<vmem>>, vector<1x1x16xi32>,
        %get3A_379 = vector.shape_cast %get3A_378 : vector<1x1x16xi32> to vector<16xi32>
        %mul3A_380 = arith.constant 16 : i32
        %mul3A_381 = arith.muli %select_n3A, %mul3A_380 : i32
        %add3A_382 = arith.constant 11 : i32
        %add3A_383 = arith.addi %mul3A_381, %add3A_382 : i32
        %get3A_384 = arith.constant 0 : i32
        %get3A_385 = arith.index_cast %get3A_384 : i32 to index
        %get3A_386 = arith.index_cast %add3A_383 : i32 to index
        %get3A_387 = arith.index_cast %mul3A_264 : i32 to index
        %get3A_388 = tpu.vector_load %arg6[%get3A_385, %get3A_386, %get3A_387] {strides = array<i32>} : memref<2x128x128xi32, #tpu.memory_space<vmem>>, vector<1x1x16xi32>,
        %get3A_389 = vector.shape_cast %get3A_388 : vector<1x1x16xi32> to vector<16xi32>
        %mul3A_390 = arith.constant 16 : i32
        %mul3A_391 = arith.muli %select_n3A, %mul3A_390 : i32
        %add3A_392 = arith.constant 12 : i32
        %add3A_393 = arith.addi %mul3A_391, %add3A_392 : i32
        %get3A_394 = arith.constant 0 : i32
        %get3A_395 = arith.index_cast %get3A_394 : i32 to index
        %get3A_396 = arith.index_cast %add3A_393 : i32 to index
        %get3A_397 = arith.index_cast %mul3A_264 : i32 to index
        %get3A_398 = tpu.vector_load %arg6[%get3A_395, %get3A_396, %get3A_397] {strides = array<i32>} : memref<2x128x128xi32, #tpu.memory_space<vmem>>, vector<1x1x16xi32>,
        %get3A_399 = vector.shape_cast %get3A_398 : vector<1x1x16xi32> to vector<16xi32>
        %mul3A_400 = arith.constant 16 : i32
        %mul3A_401 = arith.muli %select_n3A, %mul3A_400 : i32
        %add3A_402 = arith.constant 13 : i32
        %add3A_403 = arith.addi %mul3A_401, %add3A_402 : i32
        %get3A_404 = arith.constant 0 : i32
        %get3A_405 = arith.index_cast %get3A_404 : i32 to index
        %get3A_406 = arith.index_cast %add3A_403 : i32 to index
        %get3A_407 = arith.index_cast %mul3A_264 : i32 to index
        %get3A_408 = tpu.vector_load %arg6[%get3A_405, %get3A_406, %get3A_407] {strides = array<i32>} : memref<2x128x128xi32, #tpu.memory_space<vmem>>, vector<1x1x16xi32>,
        %get3A_409 = vector.shape_cast %get3A_408 : vector<1x1x16xi32> to vector<16xi32>
        %mul3A_410 = arith.constant 16 : i32
        %mul3A_411 = arith.muli %select_n3A, %mul3A_410 : i32
        %add3A_412 = arith.constant 14 : i32
        %add3A_413 = arith.addi %mul3A_411, %add3A_412 : i32
        %get3A_414 = arith.constant 0 : i32
        %get3A_415 = arith.index_cast %get3A_414 : i32 to index
        %get3A_416 = arith.index_cast %add3A_413 : i32 to index
        %get3A_417 = arith.index_cast %mul3A_264 : i32 to index
        %get3A_418 = tpu.vector_load %arg6[%get3A_415, %get3A_416, %get3A_417] {strides = array<i32>} : memref<2x128x128xi32, #tpu.memory_space<vmem>>, vector<1x1x16xi32>,
        %get3A_419 = vector.shape_cast %get3A_418 : vector<1x1x16xi32> to vector<16xi32>
        %mul3A_420 = arith.constant 16 : i32
        %mul3A_421 = arith.muli %select_n3A, %mul3A_420 : i32
        %add3A_422 = arith.constant 15 : i32
        %add3A_423 = arith.addi %mul3A_421, %add3A_422 : i32
        %get3A_424 = arith.constant 0 : i32
        %get3A_425 = arith.index_cast %get3A_424 : i32 to index
        %get3A_426 = arith.index_cast %add3A_423 : i32 to index
        %get3A_427 = arith.index_cast %mul3A_264 : i32 to index
        %get3A_428 = tpu.vector_load %arg6[%get3A_425, %get3A_426, %get3A_427] {strides = array<i32>} : memref<2x128x128xi32, #tpu.memory_space<vmem>>, vector<1x1x16xi32>,
        %get3A_429 = vector.shape_cast %get3A_428 : vector<1x1x16xi32> to vector<16xi32>
        %shift_left3A = arith.constant 16 : i32
        %shift_left3A_430 = vector.broadcast %shift_left3A : i32 to vector<16xi32>
        %shift_left3A_431 = arith.shli %get3A_269, %shift_left3A_430 : vector<16xi32>
        %bitcast_convert_type3A = tpu.bitcast %shift_left3A_431 : vector<16xi32> -> vector<16xf32>
        %shift_left3A_432 = arith.constant 16 : i32
        %shift_left3A_433 = vector.broadcast %shift_left3A_432 : i32 to vector<16xi32>
        %shift_left3A_434 = arith.shli %get3A_279, %shift_left3A_433 : vector<16xi32>
        %bitcast_convert_type3A_435 = tpu.bitcast %shift_left3A_434 : vector<16xi32> -> vector<16xf32>
        %shift_left3A_436 = arith.constant 16 : i32
        %shift_left3A_437 = vector.broadcast %shift_left3A_436 : i32 to vector<16xi32>
        %shift_left3A_438 = arith.shli %get3A_289, %shift_left3A_437 : vector<16xi32>
        %bitcast_convert_type3A_439 = tpu.bitcast %shift_left3A_438 : vector<16xi32> -> vector<16xf32>
        %shift_left3A_440 = arith.constant 16 : i32
        %shift_left3A_441 = vector.broadcast %shift_left3A_440 : i32 to vector<16xi32>
        %shift_left3A_442 = arith.shli %get3A_299, %shift_left3A_441 : vector<16xi32>
        %bitcast_convert_type3A_443 = tpu.bitcast %shift_left3A_442 : vector<16xi32> -> vector<16xf32>
        %shift_left3A_444 = arith.constant 16 : i32
        %shift_left3A_445 = vector.broadcast %shift_left3A_444 : i32 to vector<16xi32>
        %shift_left3A_446 = arith.shli %get3A_309, %shift_left3A_445 : vector<16xi32>
        %bitcast_convert_type3A_447 = tpu.bitcast %shift_left3A_446 : vector<16xi32> -> vector<16xf32>
        %shift_left3A_448 = arith.constant 16 : i32
        %shift_left3A_449 = vector.broadcast %shift_left3A_448 : i32 to vector<16xi32>
        %shift_left3A_450 = arith.shli %get3A_319, %shift_left3A_449 : vector<16xi32>
        %bitcast_convert_type3A_451 = tpu.bitcast %shift_left3A_450 : vector<16xi32> -> vector<16xf32>
        %shift_left3A_452 = arith.constant 16 : i32
        %shift_left3A_453 = vector.broadcast %shift_left3A_452 : i32 to vector<16xi32>
        %shift_left3A_454 = arith.shli %get3A_329, %shift_left3A_453 : vector<16xi32>
        %bitcast_convert_type3A_455 = tpu.bitcast %shift_left3A_454 : vector<16xi32> -> vector<16xf32>
        %shift_left3A_456 = arith.constant 16 : i32
        %shift_left3A_457 = vector.broadcast %shift_left3A_456 : i32 to vector<16xi32>
        %shift_left3A_458 = arith.shli %get3A_339, %shift_left3A_457 : vector<16xi32>
        %bitcast_convert_type3A_459 = tpu.bitcast %shift_left3A_458 : vector<16xi32> -> vector<16xf32>
        %shift_left3A_460 = arith.constant 16 : i32
        %shift_left3A_461 = vector.broadcast %shift_left3A_460 : i32 to vector<16xi32>
        %shift_left3A_462 = arith.shli %get3A_349, %shift_left3A_461 : vector<16xi32>
        %bitcast_convert_type3A_463 = tpu.bitcast %shift_left3A_462 : vector<16xi32> -> vector<16xf32>
        %shift_left3A_464 = arith.constant 16 : i32
        %shift_left3A_465 = vector.broadcast %shift_left3A_464 : i32 to vector<16xi32>
        %shift_left3A_466 = arith.shli %get3A_359, %shift_left3A_465 : vector<16xi32>
        %bitcast_convert_type3A_467 = tpu.bitcast %shift_left3A_466 : vector<16xi32> -> vector<16xf32>
        %shift_left3A_468 = arith.constant 16 : i32
        %shift_left3A_469 = vector.broadcast %shift_left3A_468 : i32 to vector<16xi32>
        %shift_left3A_470 = arith.shli %get3A_369, %shift_left3A_469 : vector<16xi32>
        %bitcast_convert_type3A_471 = tpu.bitcast %shift_left3A_470 : vector<16xi32> -> vector<16xf32>
        %shift_left3A_472 = arith.constant 16 : i32
        %shift_left3A_473 = vector.broadcast %shift_left3A_472 : i32 to vector<16xi32>
        %shift_left3A_474 = arith.shli %get3A_379, %shift_left3A_473 : vector<16xi32>
        %bitcast_convert_type3A_475 = tpu.bitcast %shift_left3A_474 : vector<16xi32> -> vector<16xf32>
        %shift_left3A_476 = arith.constant 16 : i32
        %shift_left3A_477 = vector.broadcast %shift_left3A_476 : i32 to vector<16xi32>
        %shift_left3A_478 = arith.shli %get3A_389, %shift_left3A_477 : vector<16xi32>
        %bitcast_convert_type3A_479 = tpu.bitcast %shift_left3A_478 : vector<16xi32> -> vector<16xf32>
        %shift_left3A_480 = arith.constant 16 : i32
        %shift_left3A_481 = vector.broadcast %shift_left3A_480 : i32 to vector<16xi32>
        %shift_left3A_482 = arith.shli %get3A_399, %shift_left3A_481 : vector<16xi32>
        %bitcast_convert_type3A_483 = tpu.bitcast %shift_left3A_482 : vector<16xi32> -> vector<16xf32>
        %shift_left3A_484 = arith.constant 16 : i32
        %shift_left3A_485 = vector.broadcast %shift_left3A_484 : i32 to vector<16xi32>
        %shift_left3A_486 = arith.shli %get3A_409, %shift_left3A_485 : vector<16xi32>
        %bitcast_convert_type3A_487 = tpu.bitcast %shift_left3A_486 : vector<16xi32> -> vector<16xf32>
        %shift_left3A_488 = arith.constant 16 : i32
        %shift_left3A_489 = vector.broadcast %shift_left3A_488 : i32 to vector<16xi32>
        %shift_left3A_490 = arith.shli %get3A_419, %shift_left3A_489 : vector<16xi32>
        %bitcast_convert_type3A_491 = tpu.bitcast %shift_left3A_490 : vector<16xi32> -> vector<16xf32>
        %shift_left3A_492 = arith.constant 16 : i32
        %shift_left3A_493 = vector.broadcast %shift_left3A_492 : i32 to vector<16xi32>
        %shift_left3A_494 = arith.shli %get3A_429, %shift_left3A_493 : vector<16xi32>
        %bitcast_convert_type3A_495 = tpu.bitcast %shift_left3A_494 : vector<16xi32> -> vector<16xf32>
        %min3A = arith.minimumf %bitcast_convert_type3A_435, %bitcast_convert_type3A_439 : vector<16xf32>
        %max3A = arith.maximumf %bitcast_convert_type3A_435, %bitcast_convert_type3A_439 : vector<16xf32>
        %min3A_496 = arith.minimumf %bitcast_convert_type3A_443, %bitcast_convert_type3A_447 : vector<16xf32>
        %max3A_497 = arith.maximumf %bitcast_convert_type3A_443, %bitcast_convert_type3A_447 : vector<16xf32>
        %min3A_498 = arith.minimumf %bitcast_convert_type3A_451, %bitcast_convert_type3A_455 : vector<16xf32>
        %max3A_499 = arith.maximumf %bitcast_convert_type3A_451, %bitcast_convert_type3A_455 : vector<16xf32>
        %min3A_500 = arith.minimumf %bitcast_convert_type3A_459, %bitcast_convert_type3A_463 : vector<16xf32>
        %max3A_501 = arith.maximumf %bitcast_convert_type3A_459, %bitcast_convert_type3A_463 : vector<16xf32>
        %min3A_502 = arith.minimumf %bitcast_convert_type3A_467, %bitcast_convert_type3A_471 : vector<16xf32>
        %max3A_503 = arith.maximumf %bitcast_convert_type3A_467, %bitcast_convert_type3A_471 : vector<16xf32>
        %min3A_504 = arith.minimumf %bitcast_convert_type3A_475, %bitcast_convert_type3A_479 : vector<16xf32>
        %max3A_505 = arith.maximumf %bitcast_convert_type3A_475, %bitcast_convert_type3A_479 : vector<16xf32>
        %min3A_506 = arith.minimumf %bitcast_convert_type3A_483, %bitcast_convert_type3A_487 : vector<16xf32>
        %max3A_507 = arith.maximumf %bitcast_convert_type3A_483, %bitcast_convert_type3A_487 : vector<16xf32>
        %min3A_508 = arith.minimumf %bitcast_convert_type3A_491, %bitcast_convert_type3A_495 : vector<16xf32>
        %max3A_509 = arith.maximumf %bitcast_convert_type3A_491, %bitcast_convert_type3A_495 : vector<16xf32>
        %min3A_510 = arith.minimumf %min3A, %min3A_496 : vector<16xf32>
        %max3A_511 = arith.maximumf %min3A, %min3A_496 : vector<16xf32>
        %min3A_512 = arith.minimumf %max3A, %max3A_497 : vector<16xf32>
        %max3A_513 = arith.maximumf %max3A, %max3A_497 : vector<16xf32>
        %min3A_514 = arith.minimumf %min3A_498, %min3A_500 : vector<16xf32>
        %max3A_515 = arith.maximumf %min3A_498, %min3A_500 : vector<16xf32>
        %min3A_516 = arith.minimumf %max3A_499, %max3A_501 : vector<16xf32>
        %max3A_517 = arith.maximumf %max3A_499, %max3A_501 : vector<16xf32>
        %min3A_518 = arith.minimumf %min3A_502, %min3A_504 : vector<16xf32>
        %max3A_519 = arith.maximumf %min3A_502, %min3A_504 : vector<16xf32>
        %min3A_520 = arith.minimumf %max3A_503, %max3A_505 : vector<16xf32>
        %max3A_521 = arith.maximumf %max3A_503, %max3A_505 : vector<16xf32>
        %min3A_522 = arith.minimumf %min3A_506, %min3A_508 : vector<16xf32>
        %max3A_523 = arith.maximumf %min3A_506, %min3A_508 : vector<16xf32>
        %min3A_524 = arith.minimumf %max3A_507, %max3A_509 : vector<16xf32>
        %max3A_525 = arith.maximumf %max3A_507, %max3A_509 : vector<16xf32>
        %min3A_526 = arith.minimumf %min3A_512, %max3A_511 : vector<16xf32>
        %max3A_527 = arith.maximumf %min3A_512, %max3A_511 : vector<16xf32>
        %min3A_528 = arith.minimumf %min3A_516, %max3A_515 : vector<16xf32>
        %max3A_529 = arith.maximumf %min3A_516, %max3A_515 : vector<16xf32>
        %min3A_530 = arith.minimumf %min3A_520, %max3A_519 : vector<16xf32>
        %max3A_531 = arith.maximumf %min3A_520, %max3A_519 : vector<16xf32>
        %min3A_532 = arith.minimumf %min3A_524, %max3A_523 : vector<16xf32>
        %max3A_533 = arith.maximumf %min3A_524, %max3A_523 : vector<16xf32>
        %min3A_534 = arith.minimumf %min3A_510, %min3A_514 : vector<16xf32>
        %max3A_535 = arith.maximumf %min3A_510, %min3A_514 : vector<16xf32>
        %min3A_536 = arith.minimumf %min3A_526, %min3A_528 : vector<16xf32>
        %max3A_537 = arith.maximumf %min3A_526, %min3A_528 : vector<16xf32>
        %min3A_538 = arith.minimumf %max3A_527, %max3A_529 : vector<16xf32>
        %max3A_539 = arith.maximumf %max3A_527, %max3A_529 : vector<16xf32>
        %min3A_540 = arith.minimumf %max3A_513, %max3A_517 : vector<16xf32>
        %max3A_541 = arith.maximumf %max3A_513, %max3A_517 : vector<16xf32>
        %min3A_542 = arith.minimumf %min3A_518, %min3A_522 : vector<16xf32>
        %max3A_543 = arith.maximumf %min3A_518, %min3A_522 : vector<16xf32>
        %min3A_544 = arith.minimumf %min3A_530, %min3A_532 : vector<16xf32>
        %max3A_545 = arith.maximumf %min3A_530, %min3A_532 : vector<16xf32>
        %min3A_546 = arith.minimumf %max3A_531, %max3A_533 : vector<16xf32>
        %max3A_547 = arith.maximumf %max3A_531, %max3A_533 : vector<16xf32>
        %min3A_548 = arith.minimumf %max3A_521, %max3A_525 : vector<16xf32>
        %max3A_549 = arith.maximumf %max3A_521, %max3A_525 : vector<16xf32>
        %min3A_550 = arith.minimumf %min3A_538, %max3A_535 : vector<16xf32>
        %max3A_551 = arith.maximumf %min3A_538, %max3A_535 : vector<16xf32>
        %min3A_552 = arith.minimumf %min3A_540, %max3A_537 : vector<16xf32>
        %max3A_553 = arith.maximumf %min3A_540, %max3A_537 : vector<16xf32>
        %min3A_554 = arith.minimumf %min3A_546, %max3A_543 : vector<16xf32>
        %max3A_555 = arith.maximumf %min3A_546, %max3A_543 : vector<16xf32>
        %min3A_556 = arith.minimumf %min3A_548, %max3A_545 : vector<16xf32>
        %max3A_557 = arith.maximumf %min3A_548, %max3A_545 : vector<16xf32>
        %min3A_558 = arith.minimumf %min3A_536, %min3A_550 : vector<16xf32>
        %max3A_559 = arith.maximumf %min3A_536, %min3A_550 : vector<16xf32>
        %min3A_560 = arith.minimumf %min3A_552, %max3A_551 : vector<16xf32>
        %max3A_561 = arith.maximumf %min3A_552, %max3A_551 : vector<16xf32>
        %min3A_562 = arith.minimumf %max3A_553, %max3A_539 : vector<16xf32>
        %max3A_563 = arith.maximumf %max3A_553, %max3A_539 : vector<16xf32>
        %min3A_564 = arith.minimumf %min3A_544, %min3A_554 : vector<16xf32>
        %max3A_565 = arith.maximumf %min3A_544, %min3A_554 : vector<16xf32>
        %min3A_566 = arith.minimumf %min3A_556, %max3A_555 : vector<16xf32>
        %max3A_567 = arith.maximumf %min3A_556, %max3A_555 : vector<16xf32>
        %min3A_568 = arith.minimumf %max3A_557, %max3A_547 : vector<16xf32>
        %max3A_569 = arith.maximumf %max3A_557, %max3A_547 : vector<16xf32>
        %max3A_570 = arith.maximumf %min3A_534, %min3A_542 : vector<16xf32>
        %max3A_571 = arith.maximumf %min3A_558, %min3A_564 : vector<16xf32>
        %max3A_572 = arith.maximumf %max3A_559, %max3A_565 : vector<16xf32>
        %max3A_573 = arith.maximumf %min3A_560, %min3A_566 : vector<16xf32>
        %min3A_574 = arith.minimumf %max3A_561, %max3A_567 : vector<16xf32>
        %min3A_575 = arith.minimumf %min3A_562, %min3A_568 : vector<16xf32>
        %min3A_576 = arith.minimumf %max3A_563, %max3A_569 : vector<16xf32>
        %min3A_577 = arith.minimumf %max3A_541, %max3A_549 : vector<16xf32>
        %max3A_578 = arith.maximumf %min3A_574, %max3A_570 : vector<16xf32>
        %max3A_579 = arith.maximumf %min3A_575, %max3A_571 : vector<16xf32>
        %min3A_580 = arith.minimumf %min3A_576, %max3A_572 : vector<16xf32>
        %min3A_581 = arith.minimumf %min3A_577, %max3A_573 : vector<16xf32>
        %max3A_582 = arith.maximumf %min3A_580, %max3A_578 : vector<16xf32>
        %min3A_583 = arith.minimumf %min3A_581, %max3A_579 : vector<16xf32>
        %min3A_584 = arith.minimumf %min3A_583, %max3A_582 : vector<16xf32>
        %max3A_585 = arith.maximumf %min3A_583, %max3A_582 : vector<16xf32>
        %min3A_586 = arith.minimumf %bitcast_convert_type3A, %max3A_585 : vector<16xf32>
        %max3A_587 = arith.maximumf %min3A_584, %min3A_586 : vector<16xf32>
        %bitcast_convert_type3A_588 = tpu.bitcast %get3A_269 : vector<16xi32> -> vector<16xf32>
        %bitcast_convert_type3A_589 = tpu.bitcast %get3A_279 : vector<16xi32> -> vector<16xf32>
        %bitcast_convert_type3A_590 = tpu.bitcast %get3A_289 : vector<16xi32> -> vector<16xf32>
        %bitcast_convert_type3A_591 = tpu.bitcast %get3A_299 : vector<16xi32> -> vector<16xf32>
        %bitcast_convert_type3A_592 = tpu.bitcast %get3A_309 : vector<16xi32> -> vector<16xf32>
        %bitcast_convert_type3A_593 = tpu.bitcast %get3A_319 : vector<16xi32> -> vector<16xf32>
        %bitcast_convert_type3A_594 = tpu.bitcast %get3A_329 : vector<16xi32> -> vector<16xf32>
        %bitcast_convert_type3A_595 = tpu.bitcast %get3A_339 : vector<16xi32> -> vector<16xf32>
        %bitcast_convert_type3A_596 = tpu.bitcast %get3A_349 : vector<16xi32> -> vector<16xf32>
        %bitcast_convert_type3A_597 = tpu.bitcast %get3A_359 : vector<16xi32> -> vector<16xf32>
        %bitcast_convert_type3A_598 = tpu.bitcast %get3A_369 : vector<16xi32> -> vector<16xf32>
        %bitcast_convert_type3A_599 = tpu.bitcast %get3A_379 : vector<16xi32> -> vector<16xf32>
        %bitcast_convert_type3A_600 = tpu.bitcast %get3A_389 : vector<16xi32> -> vector<16xf32>
        %bitcast_convert_type3A_601 = tpu.bitcast %get3A_399 : vector<16xi32> -> vector<16xf32>
        %bitcast_convert_type3A_602 = tpu.bitcast %get3A_409 : vector<16xi32> -> vector<16xf32>
        %bitcast_convert_type3A_603 = tpu.bitcast %get3A_419 : vector<16xi32> -> vector<16xf32>
        %bitcast_convert_type3A_604 = tpu.bitcast %get3A_429 : vector<16xi32> -> vector<16xf32>
        %min3A_605 = arith.minimumf %bitcast_convert_type3A_589, %bitcast_convert_type3A_590 : vector<16xf32>
        %max3A_606 = arith.maximumf %bitcast_convert_type3A_589, %bitcast_convert_type3A_590 : vector<16xf32>
        %min3A_607 = arith.minimumf %bitcast_convert_type3A_591, %bitcast_convert_type3A_592 : vector<16xf32>
        %max3A_608 = arith.maximumf %bitcast_convert_type3A_591, %bitcast_convert_type3A_592 : vector<16xf32>
        %min3A_609 = arith.minimumf %bitcast_convert_type3A_593, %bitcast_convert_type3A_594 : vector<16xf32>
        %max3A_610 = arith.maximumf %bitcast_convert_type3A_593, %bitcast_convert_type3A_594 : vector<16xf32>
        %min3A_611 = arith.minimumf %bitcast_convert_type3A_595, %bitcast_convert_type3A_596 : vector<16xf32>
        %max3A_612 = arith.maximumf %bitcast_convert_type3A_595, %bitcast_convert_type3A_596 : vector<16xf32>
        %min3A_613 = arith.minimumf %bitcast_convert_type3A_597, %bitcast_convert_type3A_598 : vector<16xf32>
        %max3A_614 = arith.maximumf %bitcast_convert_type3A_597, %bitcast_convert_type3A_598 : vector<16xf32>
        %min3A_615 = arith.minimumf %bitcast_convert_type3A_599, %bitcast_convert_type3A_600 : vector<16xf32>
        %max3A_616 = arith.maximumf %bitcast_convert_type3A_599, %bitcast_convert_type3A_600 : vector<16xf32>
        %min3A_617 = arith.minimumf %bitcast_convert_type3A_601, %bitcast_convert_type3A_602 : vector<16xf32>
        %max3A_618 = arith.maximumf %bitcast_convert_type3A_601, %bitcast_convert_type3A_602 : vector<16xf32>
        %min3A_619 = arith.minimumf %bitcast_convert_type3A_603, %bitcast_convert_type3A_604 : vector<16xf32>
        %max3A_620 = arith.maximumf %bitcast_convert_type3A_603, %bitcast_convert_type3A_604 : vector<16xf32>
        %min3A_621 = arith.minimumf %min3A_605, %min3A_607 : vector<16xf32>
        %max3A_622 = arith.maximumf %min3A_605, %min3A_607 : vector<16xf32>
        %min3A_623 = arith.minimumf %max3A_606, %max3A_608 : vector<16xf32>
        %max3A_624 = arith.maximumf %max3A_606, %max3A_608 : vector<16xf32>
        %min3A_625 = arith.minimumf %min3A_609, %min3A_611 : vector<16xf32>
        %max3A_626 = arith.maximumf %min3A_609, %min3A_611 : vector<16xf32>
        %min3A_627 = arith.minimumf %max3A_610, %max3A_612 : vector<16xf32>
        %max3A_628 = arith.maximumf %max3A_610, %max3A_612 : vector<16xf32>
        %min3A_629 = arith.minimumf %min3A_613, %min3A_615 : vector<16xf32>
        %max3A_630 = arith.maximumf %min3A_613, %min3A_615 : vector<16xf32>
        %min3A_631 = arith.minimumf %max3A_614, %max3A_616 : vector<16xf32>
        %max3A_632 = arith.maximumf %max3A_614, %max3A_616 : vector<16xf32>
        %min3A_633 = arith.minimumf %min3A_617, %min3A_619 : vector<16xf32>
        %max3A_634 = arith.maximumf %min3A_617, %min3A_619 : vector<16xf32>
        %min3A_635 = arith.minimumf %max3A_618, %max3A_620 : vector<16xf32>
        %max3A_636 = arith.maximumf %max3A_618, %max3A_620 : vector<16xf32>
        %min3A_637 = arith.minimumf %min3A_623, %max3A_622 : vector<16xf32>
        %max3A_638 = arith.maximumf %min3A_623, %max3A_622 : vector<16xf32>
        %min3A_639 = arith.minimumf %min3A_627, %max3A_626 : vector<16xf32>
        %max3A_640 = arith.maximumf %min3A_627, %max3A_626 : vector<16xf32>
        %min3A_641 = arith.minimumf %min3A_631, %max3A_630 : vector<16xf32>
        %max3A_642 = arith.maximumf %min3A_631, %max3A_630 : vector<16xf32>
        %min3A_643 = arith.minimumf %min3A_635, %max3A_634 : vector<16xf32>
        %max3A_644 = arith.maximumf %min3A_635, %max3A_634 : vector<16xf32>
        %min3A_645 = arith.minimumf %min3A_621, %min3A_625 : vector<16xf32>
        %max3A_646 = arith.maximumf %min3A_621, %min3A_625 : vector<16xf32>
        %min3A_647 = arith.minimumf %min3A_637, %min3A_639 : vector<16xf32>
        %max3A_648 = arith.maximumf %min3A_637, %min3A_639 : vector<16xf32>
        %min3A_649 = arith.minimumf %max3A_638, %max3A_640 : vector<16xf32>
        %max3A_650 = arith.maximumf %max3A_638, %max3A_640 : vector<16xf32>
        %min3A_651 = arith.minimumf %max3A_624, %max3A_628 : vector<16xf32>
        %max3A_652 = arith.maximumf %max3A_624, %max3A_628 : vector<16xf32>
        %min3A_653 = arith.minimumf %min3A_629, %min3A_633 : vector<16xf32>
        %max3A_654 = arith.maximumf %min3A_629, %min3A_633 : vector<16xf32>
        %min3A_655 = arith.minimumf %min3A_641, %min3A_643 : vector<16xf32>
        %max3A_656 = arith.maximumf %min3A_641, %min3A_643 : vector<16xf32>
        %min3A_657 = arith.minimumf %max3A_642, %max3A_644 : vector<16xf32>
        %max3A_658 = arith.maximumf %max3A_642, %max3A_644 : vector<16xf32>
        %min3A_659 = arith.minimumf %max3A_632, %max3A_636 : vector<16xf32>
        %max3A_660 = arith.maximumf %max3A_632, %max3A_636 : vector<16xf32>
        %min3A_661 = arith.minimumf %min3A_649, %max3A_646 : vector<16xf32>
        %max3A_662 = arith.maximumf %min3A_649, %max3A_646 : vector<16xf32>
        %min3A_663 = arith.minimumf %min3A_651, %max3A_648 : vector<16xf32>
        %max3A_664 = arith.maximumf %min3A_651, %max3A_648 : vector<16xf32>
        %min3A_665 = arith.minimumf %min3A_657, %max3A_654 : vector<16xf32>
        %max3A_666 = arith.maximumf %min3A_657, %max3A_654 : vector<16xf32>
        %min3A_667 = arith.minimumf %min3A_659, %max3A_656 : vector<16xf32>
        %max3A_668 = arith.maximumf %min3A_659, %max3A_656 : vector<16xf32>
        %min3A_669 = arith.minimumf %min3A_647, %min3A_661 : vector<16xf32>
        %max3A_670 = arith.maximumf %min3A_647, %min3A_661 : vector<16xf32>
        %min3A_671 = arith.minimumf %min3A_663, %max3A_662 : vector<16xf32>
        %max3A_672 = arith.maximumf %min3A_663, %max3A_662 : vector<16xf32>
        %min3A_673 = arith.minimumf %max3A_664, %max3A_650 : vector<16xf32>
        %max3A_674 = arith.maximumf %max3A_664, %max3A_650 : vector<16xf32>
        %min3A_675 = arith.minimumf %min3A_655, %min3A_665 : vector<16xf32>
        %max3A_676 = arith.maximumf %min3A_655, %min3A_665 : vector<16xf32>
        %min3A_677 = arith.minimumf %min3A_667, %max3A_666 : vector<16xf32>
        %max3A_678 = arith.maximumf %min3A_667, %max3A_666 : vector<16xf32>
        %min3A_679 = arith.minimumf %max3A_668, %max3A_658 : vector<16xf32>
        %max3A_680 = arith.maximumf %max3A_668, %max3A_658 : vector<16xf32>
        %max3A_681 = arith.maximumf %min3A_645, %min3A_653 : vector<16xf32>
        %max3A_682 = arith.maximumf %min3A_669, %min3A_675 : vector<16xf32>
        %max3A_683 = arith.maximumf %max3A_670, %max3A_676 : vector<16xf32>
        %max3A_684 = arith.maximumf %min3A_671, %min3A_677 : vector<16xf32>
        %min3A_685 = arith.minimumf %max3A_672, %max3A_678 : vector<16xf32>
        %min3A_686 = arith.minimumf %min3A_673, %min3A_679 : vector<16xf32>
        %min3A_687 = arith.minimumf %max3A_674, %max3A_680 : vector<16xf32>
        %min3A_688 = arith.minimumf %max3A_652, %max3A_660 : vector<16xf32>
        %max3A_689 = arith.maximumf %min3A_685, %max3A_681 : vector<16xf32>
        %max3A_690 = arith.maximumf %min3A_686, %max3A_682 : vector<16xf32>
        %min3A_691 = arith.minimumf %min3A_687, %max3A_683 : vector<16xf32>
        %min3A_692 = arith.minimumf %min3A_688, %max3A_684 : vector<16xf32>
        %max3A_693 = arith.maximumf %min3A_691, %max3A_689 : vector<16xf32>
        %min3A_694 = arith.minimumf %min3A_692, %max3A_690 : vector<16xf32>
        %min3A_695 = arith.minimumf %min3A_694, %max3A_693 : vector<16xf32>
        %max3A_696 = arith.maximumf %min3A_694, %max3A_693 : vector<16xf32>
        %min3A_697 = arith.minimumf %bitcast_convert_type3A_588, %max3A_696 : vector<16xf32>
        %max3A_698 = arith.maximumf %min3A_695, %min3A_697 : vector<16xf32>
        %bitcast_convert_type3A_699 = tpu.bitcast %max3A_587 : vector<16xf32> -> vector<16xi32>
        %bitcast_convert_type3A_700 = tpu.bitcast %max3A_698 : vector<16xf32> -> vector<16xi32>
        %shift_right_logical3A = arith.constant 16 : i32
        %shift_right_logical3A_701 = vector.broadcast %shift_right_logical3A : i32 to vector<16xi32>
        %shift_right_logical3A_702 = arith.shrui %bitcast_convert_type3A_699, %shift_right_logical3A_701 : vector<16xi32>
        %and3A_703 = arith.constant -65536 : i32
        %and3A_704 = vector.broadcast %and3A_703 : i32 to vector<16xi32>
        %and3A_705 = arith.andi %bitcast_convert_type3A_700, %and3A_704 : vector<16xi32>
        %or3A = arith.ori %shift_right_logical3A_702, %and3A_705 : vector<16xi32>
        %swap3A = arith.constant 0 : i32
        %swap3A_706 = arith.index_cast %swap3A : i32 to index
        %swap3A_707 = arith.index_cast %select_n3A : i32 to index
        %swap3A_708 = arith.index_cast %mul3A_264 : i32 to index
        %swap3A_709 = tpu.vector_load %arg8[%swap3A_706, %swap3A_707, %swap3A_708] {strides = array<i32>} : memref<2x8x128xi32, #tpu.memory_space<vmem>>, vector<1x1x16xi32>,
        %swap3A_710 = vector.shape_cast %swap3A_709 : vector<1x1x16xi32> to vector<16xi32>
        %swap3A_711 = vector.shape_cast %or3A : vector<16xi32> to vector<1x1x16xi32>
        tpu.vector_store %arg8[%swap3A_706, %swap3A_707, %swap3A_708], %swap3A_711 {strides = array<i32>} : memref<2x8x128xi32, #tpu.memory_space<vmem>>, vector<1x1x16xi32>,
      }
      %scan3A_143 = arith.constant 64 : i32
      %mul3A_144 = arith.constant 8 : i32
      %mul3A_145 = arith.muli %add3A_108, %mul3A_144 : i32
      %add3A_146 = arith.addi %mul3A_2, %mul3A_145 : i32
      %dma_start3A_147 = arith.constant 0 : i32
      %dma_start3A_148 = arith.constant 0 : i32
      %dma_start3A_149 = arith.constant 0 : i32
      %dma_start3A_150 = tpu.memref_slice %arg8[%dma_start3A_147, %dma_start3A_148, %dma_start3A_149] : memref<2x8x128xi32, #tpu.memory_space<vmem>> -> memref<1x8x128xi32, #tpu.memory_space<vmem>>
      %dma_start3A_151 = tpu.memref_squeeze %dma_start3A_150 : memref<1x8x128xi32, #tpu.memory_space<vmem>> -> memref<8x128xi32, #tpu.memory_space<vmem>>
      %dma_start3A_152 = arith.constant 0 : i32
      %dma_start3A_153 = tpu.memref_slice %arg4[%add3A_146, %dma_start3A_152] : memref<10240x128xi32, #tpu.memory_space<hbm>> -> memref<8x128xi32, #tpu.memory_space<hbm>>
      %dma_start3A_154 = arith.constant 0 : i32
      %dma_start3A_155 = tpu.memref_slice %arg4[%add3A_146, %dma_start3A_154] : memref<10240x128xi32, #tpu.memory_space<hbm>> -> memref<8x128xi32, #tpu.memory_space<hbm>>
      %dma_start3A_156 = arith.constant 0 : i32
      %dma_start3A_157 = arith.constant 0 : i32
      %dma_start3A_158 = tpu.memref_slice %arg8[%dma_start3A_147, %dma_start3A_156, %dma_start3A_157] : memref<2x8x128xi32, #tpu.memory_space<vmem>> -> memref<1x8x128xi32, #tpu.memory_space<vmem>>
      %dma_start3A_159 = tpu.memref_squeeze %dma_start3A_158 : memref<1x8x128xi32, #tpu.memory_space<vmem>> -> memref<8x128xi32, #tpu.memory_space<vmem>>
      tpu.enqueue_dma source(%dma_start3A_159 : memref<8x128xi32, #tpu.memory_space<vmem>>) target(%dma_start3A_155 : memref<8x128xi32, #tpu.memory_space<hbm>>) target_semaphore(%arg14 : memref<!tpu.dma_semaphore, #tpu.memory_space<semaphore_mem>>)
      %add3A_160 = arith.constant 2 : i32
      %add3A_161 = arith.addi %add3A_108, %add3A_160 : i32
      %lt3A = arith.constant 40 : i32
      %lt3A_162 = arith.cmpi slt, %add3A_161, %lt3A : i32
      %convert_element_type3A_163 = arith.extui %lt3A_162 : i1 to i32
      %cond3A_164 = arith.constant 0 : i32
      %cond3A_165 = arith.cmpi ne, %convert_element_type3A_163, %cond3A_164 : i32
      scf.if %cond3A_165 {
        %add3A_231 = arith.constant 2 : i32
        %add3A_232 = arith.addi %add3A_108, %add3A_231 : i32
        %mul3A_233 = arith.constant 8 : i32
        %mul3A_234 = arith.muli %add3A_232, %mul3A_233 : i32
        %add3A_235 = arith.addi %mul3A_2, %mul3A_234 : i32
        %mul3A_236 = arith.constant 128 : i32
        %mul3A_237 = arith.muli %add3A_232, %mul3A_236 : i32
        %dma_start3A_238 = arith.constant 0 : i32
        %dma_start3A_239 = arith.constant 0 : i32
        %dma_start3A_240 = arith.constant 0 : i32
        %dma_start3A_241 = tpu.memref_slice %arg6[%dma_start3A_238, %dma_start3A_239, %dma_start3A_240] : memref<2x128x128xi32, #tpu.memory_space<vmem>> -> memref<1x128x128xi32, #tpu.memory_space<vmem>>
        %dma_start3A_242 = tpu.memref_squeeze %dma_start3A_241 : memref<1x128x128xi32, #tpu.memory_space<vmem>> -> memref<128x128xi32, #tpu.memory_space<vmem>>
        %dma_start3A_243 = tpu.memref_slice %arg5[%mul3A_237] : memref<5120xi32, #tpu.memory_space<vmem>> -> memref<128xi32, #tpu.memory_space<vmem>>
        %dma_start3A_244 = arith.constant 0 : i32
        %dma_start3A_245 = arith.constant 0 : i32
        %dma_start3A_246 = tpu.memref_slice %arg9[%dma_start3A_244, %dma_start3A_245] : memref<10240x128xi32, #tpu.memory_space<vmem_shared>> -> memref<10240x128xi32, #tpu.memory_space<vmem_shared>>
        tpu.enqueue_indirect_dma source(%dma_start3A_246 : memref<10240x128xi32, #tpu.memory_space<vmem_shared>>) target(%dma_start3A_242 : memref<128x128xi32, #tpu.memory_space<vmem>>) offsets(%dma_start3A_243 : memref<128xi32, #tpu.memory_space<vmem>>) semaphore(%arg10 : memref<!tpu.dma_semaphore, #tpu.memory_space<semaphore_mem>>)
        %dma_start3A_247 = arith.constant 0 : i32
        %dma_start3A_248 = arith.constant 0 : i32
        %dma_start3A_249 = arith.constant 0 : i32
        %dma_start3A_250 = tpu.memref_slice %arg7[%dma_start3A_247, %dma_start3A_248, %dma_start3A_249] : memref<2x8x128xi32, #tpu.memory_space<vmem>> -> memref<1x8x128xi32, #tpu.memory_space<vmem>>
        %dma_start3A_251 = tpu.memref_squeeze %dma_start3A_250 : memref<1x8x128xi32, #tpu.memory_space<vmem>> -> memref<8x128xi32, #tpu.memory_space<vmem>>
        %dma_start3A_252 = arith.constant 0 : i32
        %dma_start3A_253 = tpu.memref_slice %arg9[%add3A_235, %dma_start3A_252] : memref<10240x128xi32, #tpu.memory_space<vmem_shared>> -> memref<8x128xi32, #tpu.memory_space<vmem_shared>>
        %dma_start3A_254 = arith.constant 0 : i32
        %dma_start3A_255 = arith.constant 0 : i32
        %dma_start3A_256 = tpu.memref_slice %arg7[%dma_start3A_247, %dma_start3A_254, %dma_start3A_255] : memref<2x8x128xi32, #tpu.memory_space<vmem>> -> memref<1x8x128xi32, #tpu.memory_space<vmem>>
        %dma_start3A_257 = tpu.memref_squeeze %dma_start3A_256 : memref<1x8x128xi32, #tpu.memory_space<vmem>> -> memref<8x128xi32, #tpu.memory_space<vmem>>
        %dma_start3A_258 = arith.constant 0 : i32
        %dma_start3A_259 = tpu.memref_slice %arg9[%add3A_235, %dma_start3A_258] : memref<10240x128xi32, #tpu.memory_space<vmem_shared>> -> memref<8x128xi32, #tpu.memory_space<vmem_shared>>
        tpu.enqueue_dma source(%dma_start3A_259 : memref<8x128xi32, #tpu.memory_space<vmem_shared>>) target(%dma_start3A_257 : memref<8x128xi32, #tpu.memory_space<vmem>>) target_semaphore(%arg12 : memref<!tpu.dma_semaphore, #tpu.memory_space<semaphore_mem>>)
      } else {
      }
      %mul3A_166 = arith.constant 2 : i32
      %mul3A_167 = arith.muli %scan3A_104, %mul3A_166 : i32
      %add3A_168 = arith.constant 1 : i32
      %add3A_169 = arith.addi %mul3A_167, %add3A_168 : i32
      %mul3A_170 = arith.constant 8 : i32
      %mul3A_171 = arith.muli %add3A_169, %mul3A_170 : i32
      %add3A_172 = arith.addi %mul3A_2, %mul3A_171 : i32
      %mul3A_173 = arith.constant 128 : i32
      %mul3A_174 = arith.muli %add3A_169, %mul3A_173 : i32
      %dma_wait3A_175 = arith.constant 1 : i32
      %dma_wait3A_176 = arith.constant 0 : i32
      %dma_wait3A_177 = arith.constant 0 : i32
      %dma_wait3A_178 = tpu.memref_slice %arg6[%dma_wait3A_175, %dma_wait3A_176, %dma_wait3A_177] : memref<2x128x128xi32, #tpu.memory_space<vmem>> -> memref<1x128x128xi32, #tpu.memory_space<vmem>>
      %dma_wait3A_179 = tpu.memref_squeeze %dma_wait3A_178 : memref<1x128x128xi32, #tpu.memory_space<vmem>> -> memref<128x128xi32, #tpu.memory_space<vmem>>
      %dma_wait3A_180 = tpu.memref_slice %arg5[%mul3A_174] : memref<5120xi32, #tpu.memory_space<vmem>> -> memref<128xi32, #tpu.memory_space<vmem>>
      %dma_wait3A_181 = arith.constant 0 : i32
      %dma_wait3A_182 = arith.constant 0 : i32
      %dma_wait3A_183 = tpu.memref_slice %arg9[%dma_wait3A_181, %dma_wait3A_182] : memref<10240x128xi32, #tpu.memory_space<vmem_shared>> -> memref<10240x128xi32, #tpu.memory_space<vmem_shared>>
      tpu.wait_indirect_dma semaphore(%arg11 : memref<!tpu.dma_semaphore, #tpu.memory_space<semaphore_mem>>) src(%dma_wait3A_183 : memref<10240x128xi32, #tpu.memory_space<vmem_shared>>) dst(%dma_wait3A_179 : memref<128x128xi32, #tpu.memory_space<vmem>>)
      %dma_wait3A_184 = arith.constant 1 : i32
      %dma_wait3A_185 = arith.constant 0 : i32
      %dma_wait3A_186 = arith.constant 0 : i32
      %dma_wait3A_187 = tpu.memref_slice %arg7[%dma_wait3A_184, %dma_wait3A_185, %dma_wait3A_186] : memref<2x8x128xi32, #tpu.memory_space<vmem>> -> memref<1x8x128xi32, #tpu.memory_space<vmem>>
      %dma_wait3A_188 = tpu.memref_squeeze %dma_wait3A_187 : memref<1x8x128xi32, #tpu.memory_space<vmem>> -> memref<8x128xi32, #tpu.memory_space<vmem>>
      %dma_wait3A_189 = arith.constant 0 : i32
      %dma_wait3A_190 = tpu.memref_slice %arg9[%add3A_172, %dma_wait3A_189] : memref<10240x128xi32, #tpu.memory_space<vmem_shared>> -> memref<8x128xi32, #tpu.memory_space<vmem_shared>>
      %dma_wait3A_191 = arith.constant 0 : i32
      %dma_wait3A_192 = arith.constant 0 : i32
      %dma_wait3A_193 = tpu.memref_slice %arg7[%dma_wait3A_184, %dma_wait3A_191, %dma_wait3A_192] : memref<2x8x128xi32, #tpu.memory_space<vmem>> -> memref<1x8x128xi32, #tpu.memory_space<vmem>>
      %dma_wait3A_194 = tpu.memref_squeeze %dma_wait3A_193 : memref<1x8x128xi32, #tpu.memory_space<vmem>> -> memref<8x128xi32, #tpu.memory_space<vmem>>
      %dma_wait3A_195 = arith.constant 0 : i32
      %dma_wait3A_196 = tpu.memref_slice %arg9[%add3A_172, %dma_wait3A_195] : memref<10240x128xi32, #tpu.memory_space<vmem_shared>> -> memref<8x128xi32, #tpu.memory_space<vmem_shared>>
      tpu.wait_dma2 semaphore(%arg13 : memref<!tpu.dma_semaphore, #tpu.memory_space<semaphore_mem>>) src(%dma_wait3A_196 : memref<8x128xi32, #tpu.memory_space<vmem_shared>>) dst(%dma_wait3A_194 : memref<8x128xi32, #tpu.memory_space<vmem>>)
      %ge3A_197 = arith.constant 2 : i32
      %ge3A_198 = arith.cmpi sge, %add3A_169, %ge3A_197 : i32
      %convert_element_type3A_199 = arith.extui %ge3A_198 : i1 to i32
      %cond3A_200 = arith.constant 0 : i32
      %cond3A_201 = arith.cmpi ne, %convert_element_type3A_199, %cond3A_200 : i32
      scf.if %cond3A_201 {
        %sub3A = arith.constant 2 : i32
        %sub3A_231 = arith.subi %add3A_169, %sub3A : i32
        %mul3A_232 = arith.constant 8 : i32
        %mul3A_233 = arith.muli %sub3A_231, %mul3A_232 : i32
        %add3A_234 = arith.addi %mul3A_2, %mul3A_233 : i32
        %dma_wait3A_235 = arith.constant 1 : i32
        %dma_wait3A_236 = arith.constant 0 : i32
        %dma_wait3A_237 = arith.constant 0 : i32
        %dma_wait3A_238 = tpu.memref_slice %arg8[%dma_wait3A_235, %dma_wait3A_236, %dma_wait3A_237] : memref<2x8x128xi32, #tpu.memory_space<vmem>> -> memref<1x8x128xi32, #tpu.memory_space<vmem>>
        %dma_wait3A_239 = tpu.memref_squeeze %dma_wait3A_238 : memref<1x8x128xi32, #tpu.memory_space<vmem>> -> memref<8x128xi32, #tpu.memory_space<vmem>>
        %dma_wait3A_240 = arith.constant 0 : i32
        %dma_wait3A_241 = tpu.memref_slice %arg4[%add3A_234, %dma_wait3A_240] : memref<10240x128xi32, #tpu.memory_space<hbm>> -> memref<8x128xi32, #tpu.memory_space<hbm>>
        %dma_wait3A_242 = arith.constant 0 : i32
        %dma_wait3A_243 = tpu.memref_slice %arg4[%add3A_234, %dma_wait3A_242] : memref<10240x128xi32, #tpu.memory_space<hbm>> -> memref<8x128xi32, #tpu.memory_space<hbm>>
        %dma_wait3A_244 = arith.constant 0 : i32
        %dma_wait3A_245 = arith.constant 0 : i32
        %dma_wait3A_246 = tpu.memref_slice %arg8[%dma_wait3A_235, %dma_wait3A_244, %dma_wait3A_245] : memref<2x8x128xi32, #tpu.memory_space<vmem>> -> memref<1x8x128xi32, #tpu.memory_space<vmem>>
        %dma_wait3A_247 = tpu.memref_squeeze %dma_wait3A_246 : memref<1x8x128xi32, #tpu.memory_space<vmem>> -> memref<8x128xi32, #tpu.memory_space<vmem>>
        tpu.wait_dma2 semaphore(%arg15 : memref<!tpu.dma_semaphore, #tpu.memory_space<semaphore_mem>>) src(%dma_wait3A_247 : memref<8x128xi32, #tpu.memory_space<vmem>>) dst(%dma_wait3A_243 : memref<8x128xi32, #tpu.memory_space<hbm>>)
      } else {
      }
      %scan3A_202 = arith.constant 0 : i32
      %scan3A_203 = arith.constant 0 : i32
      %scan3A_204 = arith.constant 64 : i32
      %scan3A_205 = arith.addi %scan3A_203, %scan3A_204 : i32
      %scan3A_206 = arith.constant 1 : i32
      scf.for %scan3A_231 = %scan3A_203 to %scan3A_205 step %scan3A_206  : i32 {
        %jit3A = arith.constant 8 : i32
        %div3A = arith.divsi %scan3A_231, %jit3A : i32
        %sign3A = arith.constant 0 : i32
        %sign3A_232 = arith.cmpi sgt, %scan3A_231, %sign3A : i32
        %sign3A_233 = arith.extui %sign3A_232 : i1 to i32
        %sign3A_234 = arith.constant 0 : i32
        %sign3A_235 = arith.cmpi slt, %scan3A_231, %sign3A_234 : i32
        %sign3A_236 = arith.extui %sign3A_235 : i1 to i32
        %sign3A_237 = arith.subi %sign3A_233, %sign3A_236 : i32
        %sign3A_238 = arith.constant 0 : i32
        %sign3A_239 = arith.cmpi sgt, %jit3A, %sign3A_238 : i32
        %sign3A_240 = arith.extui %sign3A_239 : i1 to i32
        %sign3A_241 = arith.constant 0 : i32
        %sign3A_242 = arith.cmpi slt, %jit3A, %sign3A_241 : i32
        %sign3A_243 = arith.extui %sign3A_242 : i1 to i32
        %sign3A_244 = arith.subi %sign3A_240, %sign3A_243 : i32
        %ne3A = arith.cmpi ne, %sign3A_237, %sign3A_244 : i32
        %rem3A = arith.remsi %scan3A_231, %jit3A : i32
        %ne3A_245 = arith.constant 0 : i32
        %ne3A_246 = arith.cmpi ne, %rem3A, %ne3A_245 : i32
        %and3A = arith.andi %ne3A, %ne3A_246 : i1
        %sub3A = arith.constant 1 : i32
        %sub3A_247 = arith.subi %div3A, %sub3A : i32
        %select_n3A = arith.select %and3A, %sub3A_247, %div3A : i32
        %jit3A_248 = arith.constant 8 : i32
        %eq3A = arith.constant 0 : i32
        %eq3A_249 = arith.cmpi eq, %jit3A_248, %eq3A : i32
        %jit3A_250 = arith.constant 1 : i32
        %select_n3A_251 = arith.select %eq3A_249, %jit3A_250, %jit3A_248 : i32
        %rem3A_252 = arith.remsi %scan3A_231, %select_n3A_251 : i32
        %ne3A_253 = arith.constant 0 : i32
        %ne3A_254 = arith.cmpi ne, %rem3A_252, %ne3A_253 : i32
        %lt3A_255 = arith.constant 0 : i32
        %lt3A_256 = arith.cmpi slt, %rem3A_252, %lt3A_255 : i32
        %lt3A_257 = arith.constant 0 : i32
        %lt3A_258 = arith.cmpi slt, %select_n3A_251, %lt3A_257 : i32
        %ne3A_259 = arith.xori %lt3A_256, %lt3A_258 : i1
        %and3A_260 = arith.andi %ne3A_259, %ne3A_254 : i1
        %add3A_261 = arith.addi %rem3A_252, %select_n3A_251 : i32
        %select_n3A_262 = arith.select %and3A_260, %add3A_261, %rem3A_252 : i32
        %mul3A_263 = arith.constant 16 : i32
        %mul3A_264 = arith.muli %select_n3A_262, %mul3A_263 : i32
        %get3A = arith.constant 1 : i32
        %get3A_265 = arith.index_cast %get3A : i32 to index
        %get3A_266 = arith.index_cast %select_n3A : i32 to index
        %get3A_267 = arith.index_cast %mul3A_264 : i32 to index
        %get3A_268 = tpu.vector_load %arg7[%get3A_265, %get3A_266, %get3A_267] {strides = array<i32>} : memref<2x8x128xi32, #tpu.memory_space<vmem>>, vector<1x1x16xi32>,
        %get3A_269 = vector.shape_cast %get3A_268 : vector<1x1x16xi32> to vector<16xi32>
        %mul3A_270 = arith.constant 16 : i32
        %mul3A_271 = arith.muli %select_n3A, %mul3A_270 : i32
        %add3A_272 = arith.constant 0 : i32
        %add3A_273 = arith.addi %mul3A_271, %add3A_272 : i32
        %get3A_274 = arith.constant 1 : i32
        %get3A_275 = arith.index_cast %get3A_274 : i32 to index
        %get3A_276 = arith.index_cast %add3A_273 : i32 to index
        %get3A_277 = arith.index_cast %mul3A_264 : i32 to index
        %get3A_278 = tpu.vector_load %arg6[%get3A_275, %get3A_276, %get3A_277] {strides = array<i32>} : memref<2x128x128xi32, #tpu.memory_space<vmem>>, vector<1x1x16xi32>,
        %get3A_279 = vector.shape_cast %get3A_278 : vector<1x1x16xi32> to vector<16xi32>
        %mul3A_280 = arith.constant 16 : i32
        %mul3A_281 = arith.muli %select_n3A, %mul3A_280 : i32
        %add3A_282 = arith.constant 1 : i32
        %add3A_283 = arith.addi %mul3A_281, %add3A_282 : i32
        %get3A_284 = arith.constant 1 : i32
        %get3A_285 = arith.index_cast %get3A_284 : i32 to index
        %get3A_286 = arith.index_cast %add3A_283 : i32 to index
        %get3A_287 = arith.index_cast %mul3A_264 : i32 to index
        %get3A_288 = tpu.vector_load %arg6[%get3A_285, %get3A_286, %get3A_287] {strides = array<i32>} : memref<2x128x128xi32, #tpu.memory_space<vmem>>, vector<1x1x16xi32>,
        %get3A_289 = vector.shape_cast %get3A_288 : vector<1x1x16xi32> to vector<16xi32>
        %mul3A_290 = arith.constant 16 : i32
        %mul3A_291 = arith.muli %select_n3A, %mul3A_290 : i32
        %add3A_292 = arith.constant 2 : i32
        %add3A_293 = arith.addi %mul3A_291, %add3A_292 : i32
        %get3A_294 = arith.constant 1 : i32
        %get3A_295 = arith.index_cast %get3A_294 : i32 to index
        %get3A_296 = arith.index_cast %add3A_293 : i32 to index
        %get3A_297 = arith.index_cast %mul3A_264 : i32 to index
        %get3A_298 = tpu.vector_load %arg6[%get3A_295, %get3A_296, %get3A_297] {strides = array<i32>} : memref<2x128x128xi32, #tpu.memory_space<vmem>>, vector<1x1x16xi32>,
        %get3A_299 = vector.shape_cast %get3A_298 : vector<1x1x16xi32> to vector<16xi32>
        %mul3A_300 = arith.constant 16 : i32
        %mul3A_301 = arith.muli %select_n3A, %mul3A_300 : i32
        %add3A_302 = arith.constant 3 : i32
        %add3A_303 = arith.addi %mul3A_301, %add3A_302 : i32
        %get3A_304 = arith.constant 1 : i32
        %get3A_305 = arith.index_cast %get3A_304 : i32 to index
        %get3A_306 = arith.index_cast %add3A_303 : i32 to index
        %get3A_307 = arith.index_cast %mul3A_264 : i32 to index
        %get3A_308 = tpu.vector_load %arg6[%get3A_305, %get3A_306, %get3A_307] {strides = array<i32>} : memref<2x128x128xi32, #tpu.memory_space<vmem>>, vector<1x1x16xi32>,
        %get3A_309 = vector.shape_cast %get3A_308 : vector<1x1x16xi32> to vector<16xi32>
        %mul3A_310 = arith.constant 16 : i32
        %mul3A_311 = arith.muli %select_n3A, %mul3A_310 : i32
        %add3A_312 = arith.constant 4 : i32
        %add3A_313 = arith.addi %mul3A_311, %add3A_312 : i32
        %get3A_314 = arith.constant 1 : i32
        %get3A_315 = arith.index_cast %get3A_314 : i32 to index
        %get3A_316 = arith.index_cast %add3A_313 : i32 to index
        %get3A_317 = arith.index_cast %mul3A_264 : i32 to index
        %get3A_318 = tpu.vector_load %arg6[%get3A_315, %get3A_316, %get3A_317] {strides = array<i32>} : memref<2x128x128xi32, #tpu.memory_space<vmem>>, vector<1x1x16xi32>,
        %get3A_319 = vector.shape_cast %get3A_318 : vector<1x1x16xi32> to vector<16xi32>
        %mul3A_320 = arith.constant 16 : i32
        %mul3A_321 = arith.muli %select_n3A, %mul3A_320 : i32
        %add3A_322 = arith.constant 5 : i32
        %add3A_323 = arith.addi %mul3A_321, %add3A_322 : i32
        %get3A_324 = arith.constant 1 : i32
        %get3A_325 = arith.index_cast %get3A_324 : i32 to index
        %get3A_326 = arith.index_cast %add3A_323 : i32 to index
        %get3A_327 = arith.index_cast %mul3A_264 : i32 to index
        %get3A_328 = tpu.vector_load %arg6[%get3A_325, %get3A_326, %get3A_327] {strides = array<i32>} : memref<2x128x128xi32, #tpu.memory_space<vmem>>, vector<1x1x16xi32>,
        %get3A_329 = vector.shape_cast %get3A_328 : vector<1x1x16xi32> to vector<16xi32>
        %mul3A_330 = arith.constant 16 : i32
        %mul3A_331 = arith.muli %select_n3A, %mul3A_330 : i32
        %add3A_332 = arith.constant 6 : i32
        %add3A_333 = arith.addi %mul3A_331, %add3A_332 : i32
        %get3A_334 = arith.constant 1 : i32
        %get3A_335 = arith.index_cast %get3A_334 : i32 to index
        %get3A_336 = arith.index_cast %add3A_333 : i32 to index
        %get3A_337 = arith.index_cast %mul3A_264 : i32 to index
        %get3A_338 = tpu.vector_load %arg6[%get3A_335, %get3A_336, %get3A_337] {strides = array<i32>} : memref<2x128x128xi32, #tpu.memory_space<vmem>>, vector<1x1x16xi32>,
        %get3A_339 = vector.shape_cast %get3A_338 : vector<1x1x16xi32> to vector<16xi32>
        %mul3A_340 = arith.constant 16 : i32
        %mul3A_341 = arith.muli %select_n3A, %mul3A_340 : i32
        %add3A_342 = arith.constant 7 : i32
        %add3A_343 = arith.addi %mul3A_341, %add3A_342 : i32
        %get3A_344 = arith.constant 1 : i32
        %get3A_345 = arith.index_cast %get3A_344 : i32 to index
        %get3A_346 = arith.index_cast %add3A_343 : i32 to index
        %get3A_347 = arith.index_cast %mul3A_264 : i32 to index
        %get3A_348 = tpu.vector_load %arg6[%get3A_345, %get3A_346, %get3A_347] {strides = array<i32>} : memref<2x128x128xi32, #tpu.memory_space<vmem>>, vector<1x1x16xi32>,
        %get3A_349 = vector.shape_cast %get3A_348 : vector<1x1x16xi32> to vector<16xi32>
        %mul3A_350 = arith.constant 16 : i32
        %mul3A_351 = arith.muli %select_n3A, %mul3A_350 : i32
        %add3A_352 = arith.constant 8 : i32
        %add3A_353 = arith.addi %mul3A_351, %add3A_352 : i32
        %get3A_354 = arith.constant 1 : i32
        %get3A_355 = arith.index_cast %get3A_354 : i32 to index
        %get3A_356 = arith.index_cast %add3A_353 : i32 to index
        %get3A_357 = arith.index_cast %mul3A_264 : i32 to index
        %get3A_358 = tpu.vector_load %arg6[%get3A_355, %get3A_356, %get3A_357] {strides = array<i32>} : memref<2x128x128xi32, #tpu.memory_space<vmem>>, vector<1x1x16xi32>,
        %get3A_359 = vector.shape_cast %get3A_358 : vector<1x1x16xi32> to vector<16xi32>
        %mul3A_360 = arith.constant 16 : i32
        %mul3A_361 = arith.muli %select_n3A, %mul3A_360 : i32
        %add3A_362 = arith.constant 9 : i32
        %add3A_363 = arith.addi %mul3A_361, %add3A_362 : i32
        %get3A_364 = arith.constant 1 : i32
        %get3A_365 = arith.index_cast %get3A_364 : i32 to index
        %get3A_366 = arith.index_cast %add3A_363 : i32 to index
        %get3A_367 = arith.index_cast %mul3A_264 : i32 to index
        %get3A_368 = tpu.vector_load %arg6[%get3A_365, %get3A_366, %get3A_367] {strides = array<i32>} : memref<2x128x128xi32, #tpu.memory_space<vmem>>, vector<1x1x16xi32>,
        %get3A_369 = vector.shape_cast %get3A_368 : vector<1x1x16xi32> to vector<16xi32>
        %mul3A_370 = arith.constant 16 : i32
        %mul3A_371 = arith.muli %select_n3A, %mul3A_370 : i32
        %add3A_372 = arith.constant 10 : i32
        %add3A_373 = arith.addi %mul3A_371, %add3A_372 : i32
        %get3A_374 = arith.constant 1 : i32
        %get3A_375 = arith.index_cast %get3A_374 : i32 to index
        %get3A_376 = arith.index_cast %add3A_373 : i32 to index
        %get3A_377 = arith.index_cast %mul3A_264 : i32 to index
        %get3A_378 = tpu.vector_load %arg6[%get3A_375, %get3A_376, %get3A_377] {strides = array<i32>} : memref<2x128x128xi32, #tpu.memory_space<vmem>>, vector<1x1x16xi32>,
        %get3A_379 = vector.shape_cast %get3A_378 : vector<1x1x16xi32> to vector<16xi32>
        %mul3A_380 = arith.constant 16 : i32
        %mul3A_381 = arith.muli %select_n3A, %mul3A_380 : i32
        %add3A_382 = arith.constant 11 : i32
        %add3A_383 = arith.addi %mul3A_381, %add3A_382 : i32
        %get3A_384 = arith.constant 1 : i32
        %get3A_385 = arith.index_cast %get3A_384 : i32 to index
        %get3A_386 = arith.index_cast %add3A_383 : i32 to index
        %get3A_387 = arith.index_cast %mul3A_264 : i32 to index
        %get3A_388 = tpu.vector_load %arg6[%get3A_385, %get3A_386, %get3A_387] {strides = array<i32>} : memref<2x128x128xi32, #tpu.memory_space<vmem>>, vector<1x1x16xi32>,
        %get3A_389 = vector.shape_cast %get3A_388 : vector<1x1x16xi32> to vector<16xi32>
        %mul3A_390 = arith.constant 16 : i32
        %mul3A_391 = arith.muli %select_n3A, %mul3A_390 : i32
        %add3A_392 = arith.constant 12 : i32
        %add3A_393 = arith.addi %mul3A_391, %add3A_392 : i32
        %get3A_394 = arith.constant 1 : i32
        %get3A_395 = arith.index_cast %get3A_394 : i32 to index
        %get3A_396 = arith.index_cast %add3A_393 : i32 to index
        %get3A_397 = arith.index_cast %mul3A_264 : i32 to index
        %get3A_398 = tpu.vector_load %arg6[%get3A_395, %get3A_396, %get3A_397] {strides = array<i32>} : memref<2x128x128xi32, #tpu.memory_space<vmem>>, vector<1x1x16xi32>,
        %get3A_399 = vector.shape_cast %get3A_398 : vector<1x1x16xi32> to vector<16xi32>
        %mul3A_400 = arith.constant 16 : i32
        %mul3A_401 = arith.muli %select_n3A, %mul3A_400 : i32
        %add3A_402 = arith.constant 13 : i32
        %add3A_403 = arith.addi %mul3A_401, %add3A_402 : i32
        %get3A_404 = arith.constant 1 : i32
        %get3A_405 = arith.index_cast %get3A_404 : i32 to index
        %get3A_406 = arith.index_cast %add3A_403 : i32 to index
        %get3A_407 = arith.index_cast %mul3A_264 : i32 to index
        %get3A_408 = tpu.vector_load %arg6[%get3A_405, %get3A_406, %get3A_407] {strides = array<i32>} : memref<2x128x128xi32, #tpu.memory_space<vmem>>, vector<1x1x16xi32>,
        %get3A_409 = vector.shape_cast %get3A_408 : vector<1x1x16xi32> to vector<16xi32>
        %mul3A_410 = arith.constant 16 : i32
        %mul3A_411 = arith.muli %select_n3A, %mul3A_410 : i32
        %add3A_412 = arith.constant 14 : i32
        %add3A_413 = arith.addi %mul3A_411, %add3A_412 : i32
        %get3A_414 = arith.constant 1 : i32
        %get3A_415 = arith.index_cast %get3A_414 : i32 to index
        %get3A_416 = arith.index_cast %add3A_413 : i32 to index
        %get3A_417 = arith.index_cast %mul3A_264 : i32 to index
        %get3A_418 = tpu.vector_load %arg6[%get3A_415, %get3A_416, %get3A_417] {strides = array<i32>} : memref<2x128x128xi32, #tpu.memory_space<vmem>>, vector<1x1x16xi32>,
        %get3A_419 = vector.shape_cast %get3A_418 : vector<1x1x16xi32> to vector<16xi32>
        %mul3A_420 = arith.constant 16 : i32
        %mul3A_421 = arith.muli %select_n3A, %mul3A_420 : i32
        %add3A_422 = arith.constant 15 : i32
        %add3A_423 = arith.addi %mul3A_421, %add3A_422 : i32
        %get3A_424 = arith.constant 1 : i32
        %get3A_425 = arith.index_cast %get3A_424 : i32 to index
        %get3A_426 = arith.index_cast %add3A_423 : i32 to index
        %get3A_427 = arith.index_cast %mul3A_264 : i32 to index
        %get3A_428 = tpu.vector_load %arg6[%get3A_425, %get3A_426, %get3A_427] {strides = array<i32>} : memref<2x128x128xi32, #tpu.memory_space<vmem>>, vector<1x1x16xi32>,
        %get3A_429 = vector.shape_cast %get3A_428 : vector<1x1x16xi32> to vector<16xi32>
        %shift_left3A = arith.constant 16 : i32
        %shift_left3A_430 = vector.broadcast %shift_left3A : i32 to vector<16xi32>
        %shift_left3A_431 = arith.shli %get3A_269, %shift_left3A_430 : vector<16xi32>
        %bitcast_convert_type3A = tpu.bitcast %shift_left3A_431 : vector<16xi32> -> vector<16xf32>
        %shift_left3A_432 = arith.constant 16 : i32
        %shift_left3A_433 = vector.broadcast %shift_left3A_432 : i32 to vector<16xi32>
        %shift_left3A_434 = arith.shli %get3A_279, %shift_left3A_433 : vector<16xi32>
        %bitcast_convert_type3A_435 = tpu.bitcast %shift_left3A_434 : vector<16xi32> -> vector<16xf32>
        %shift_left3A_436 = arith.constant 16 : i32
        %shift_left3A_437 = vector.broadcast %shift_left3A_436 : i32 to vector<16xi32>
        %shift_left3A_438 = arith.shli %get3A_289, %shift_left3A_437 : vector<16xi32>
        %bitcast_convert_type3A_439 = tpu.bitcast %shift_left3A_438 : vector<16xi32> -> vector<16xf32>
        %shift_left3A_440 = arith.constant 16 : i32
        %shift_left3A_441 = vector.broadcast %shift_left3A_440 : i32 to vector<16xi32>
        %shift_left3A_442 = arith.shli %get3A_299, %shift_left3A_441 : vector<16xi32>
        %bitcast_convert_type3A_443 = tpu.bitcast %shift_left3A_442 : vector<16xi32> -> vector<16xf32>
        %shift_left3A_444 = arith.constant 16 : i32
        %shift_left3A_445 = vector.broadcast %shift_left3A_444 : i32 to vector<16xi32>
        %shift_left3A_446 = arith.shli %get3A_309, %shift_left3A_445 : vector<16xi32>
        %bitcast_convert_type3A_447 = tpu.bitcast %shift_left3A_446 : vector<16xi32> -> vector<16xf32>
        %shift_left3A_448 = arith.constant 16 : i32
        %shift_left3A_449 = vector.broadcast %shift_left3A_448 : i32 to vector<16xi32>
        %shift_left3A_450 = arith.shli %get3A_319, %shift_left3A_449 : vector<16xi32>
        %bitcast_convert_type3A_451 = tpu.bitcast %shift_left3A_450 : vector<16xi32> -> vector<16xf32>
        %shift_left3A_452 = arith.constant 16 : i32
        %shift_left3A_453 = vector.broadcast %shift_left3A_452 : i32 to vector<16xi32>
        %shift_left3A_454 = arith.shli %get3A_329, %shift_left3A_453 : vector<16xi32>
        %bitcast_convert_type3A_455 = tpu.bitcast %shift_left3A_454 : vector<16xi32> -> vector<16xf32>
        %shift_left3A_456 = arith.constant 16 : i32
        %shift_left3A_457 = vector.broadcast %shift_left3A_456 : i32 to vector<16xi32>
        %shift_left3A_458 = arith.shli %get3A_339, %shift_left3A_457 : vector<16xi32>
        %bitcast_convert_type3A_459 = tpu.bitcast %shift_left3A_458 : vector<16xi32> -> vector<16xf32>
        %shift_left3A_460 = arith.constant 16 : i32
        %shift_left3A_461 = vector.broadcast %shift_left3A_460 : i32 to vector<16xi32>
        %shift_left3A_462 = arith.shli %get3A_349, %shift_left3A_461 : vector<16xi32>
        %bitcast_convert_type3A_463 = tpu.bitcast %shift_left3A_462 : vector<16xi32> -> vector<16xf32>
        %shift_left3A_464 = arith.constant 16 : i32
        %shift_left3A_465 = vector.broadcast %shift_left3A_464 : i32 to vector<16xi32>
        %shift_left3A_466 = arith.shli %get3A_359, %shift_left3A_465 : vector<16xi32>
        %bitcast_convert_type3A_467 = tpu.bitcast %shift_left3A_466 : vector<16xi32> -> vector<16xf32>
        %shift_left3A_468 = arith.constant 16 : i32
        %shift_left3A_469 = vector.broadcast %shift_left3A_468 : i32 to vector<16xi32>
        %shift_left3A_470 = arith.shli %get3A_369, %shift_left3A_469 : vector<16xi32>
        %bitcast_convert_type3A_471 = tpu.bitcast %shift_left3A_470 : vector<16xi32> -> vector<16xf32>
        %shift_left3A_472 = arith.constant 16 : i32
        %shift_left3A_473 = vector.broadcast %shift_left3A_472 : i32 to vector<16xi32>
        %shift_left3A_474 = arith.shli %get3A_379, %shift_left3A_473 : vector<16xi32>
        %bitcast_convert_type3A_475 = tpu.bitcast %shift_left3A_474 : vector<16xi32> -> vector<16xf32>
        %shift_left3A_476 = arith.constant 16 : i32
        %shift_left3A_477 = vector.broadcast %shift_left3A_476 : i32 to vector<16xi32>
        %shift_left3A_478 = arith.shli %get3A_389, %shift_left3A_477 : vector<16xi32>
        %bitcast_convert_type3A_479 = tpu.bitcast %shift_left3A_478 : vector<16xi32> -> vector<16xf32>
        %shift_left3A_480 = arith.constant 16 : i32
        %shift_left3A_481 = vector.broadcast %shift_left3A_480 : i32 to vector<16xi32>
        %shift_left3A_482 = arith.shli %get3A_399, %shift_left3A_481 : vector<16xi32>
        %bitcast_convert_type3A_483 = tpu.bitcast %shift_left3A_482 : vector<16xi32> -> vector<16xf32>
        %shift_left3A_484 = arith.constant 16 : i32
        %shift_left3A_485 = vector.broadcast %shift_left3A_484 : i32 to vector<16xi32>
        %shift_left3A_486 = arith.shli %get3A_409, %shift_left3A_485 : vector<16xi32>
        %bitcast_convert_type3A_487 = tpu.bitcast %shift_left3A_486 : vector<16xi32> -> vector<16xf32>
        %shift_left3A_488 = arith.constant 16 : i32
        %shift_left3A_489 = vector.broadcast %shift_left3A_488 : i32 to vector<16xi32>
        %shift_left3A_490 = arith.shli %get3A_419, %shift_left3A_489 : vector<16xi32>
        %bitcast_convert_type3A_491 = tpu.bitcast %shift_left3A_490 : vector<16xi32> -> vector<16xf32>
        %shift_left3A_492 = arith.constant 16 : i32
        %shift_left3A_493 = vector.broadcast %shift_left3A_492 : i32 to vector<16xi32>
        %shift_left3A_494 = arith.shli %get3A_429, %shift_left3A_493 : vector<16xi32>
        %bitcast_convert_type3A_495 = tpu.bitcast %shift_left3A_494 : vector<16xi32> -> vector<16xf32>
        %min3A = arith.minimumf %bitcast_convert_type3A_435, %bitcast_convert_type3A_439 : vector<16xf32>
        %max3A = arith.maximumf %bitcast_convert_type3A_435, %bitcast_convert_type3A_439 : vector<16xf32>
        %min3A_496 = arith.minimumf %bitcast_convert_type3A_443, %bitcast_convert_type3A_447 : vector<16xf32>
        %max3A_497 = arith.maximumf %bitcast_convert_type3A_443, %bitcast_convert_type3A_447 : vector<16xf32>
        %min3A_498 = arith.minimumf %bitcast_convert_type3A_451, %bitcast_convert_type3A_455 : vector<16xf32>
        %max3A_499 = arith.maximumf %bitcast_convert_type3A_451, %bitcast_convert_type3A_455 : vector<16xf32>
        %min3A_500 = arith.minimumf %bitcast_convert_type3A_459, %bitcast_convert_type3A_463 : vector<16xf32>
        %max3A_501 = arith.maximumf %bitcast_convert_type3A_459, %bitcast_convert_type3A_463 : vector<16xf32>
        %min3A_502 = arith.minimumf %bitcast_convert_type3A_467, %bitcast_convert_type3A_471 : vector<16xf32>
        %max3A_503 = arith.maximumf %bitcast_convert_type3A_467, %bitcast_convert_type3A_471 : vector<16xf32>
        %min3A_504 = arith.minimumf %bitcast_convert_type3A_475, %bitcast_convert_type3A_479 : vector<16xf32>
        %max3A_505 = arith.maximumf %bitcast_convert_type3A_475, %bitcast_convert_type3A_479 : vector<16xf32>
        %min3A_506 = arith.minimumf %bitcast_convert_type3A_483, %bitcast_convert_type3A_487 : vector<16xf32>
        %max3A_507 = arith.maximumf %bitcast_convert_type3A_483, %bitcast_convert_type3A_487 : vector<16xf32>
        %min3A_508 = arith.minimumf %bitcast_convert_type3A_491, %bitcast_convert_type3A_495 : vector<16xf32>
        %max3A_509 = arith.maximumf %bitcast_convert_type3A_491, %bitcast_convert_type3A_495 : vector<16xf32>
        %min3A_510 = arith.minimumf %min3A, %min3A_496 : vector<16xf32>
        %max3A_511 = arith.maximumf %min3A, %min3A_496 : vector<16xf32>
        %min3A_512 = arith.minimumf %max3A, %max3A_497 : vector<16xf32>
        %max3A_513 = arith.maximumf %max3A, %max3A_497 : vector<16xf32>
        %min3A_514 = arith.minimumf %min3A_498, %min3A_500 : vector<16xf32>
        %max3A_515 = arith.maximumf %min3A_498, %min3A_500 : vector<16xf32>
        %min3A_516 = arith.minimumf %max3A_499, %max3A_501 : vector<16xf32>
        %max3A_517 = arith.maximumf %max3A_499, %max3A_501 : vector<16xf32>
        %min3A_518 = arith.minimumf %min3A_502, %min3A_504 : vector<16xf32>
        %max3A_519 = arith.maximumf %min3A_502, %min3A_504 : vector<16xf32>
        %min3A_520 = arith.minimumf %max3A_503, %max3A_505 : vector<16xf32>
        %max3A_521 = arith.maximumf %max3A_503, %max3A_505 : vector<16xf32>
        %min3A_522 = arith.minimumf %min3A_506, %min3A_508 : vector<16xf32>
        %max3A_523 = arith.maximumf %min3A_506, %min3A_508 : vector<16xf32>
        %min3A_524 = arith.minimumf %max3A_507, %max3A_509 : vector<16xf32>
        %max3A_525 = arith.maximumf %max3A_507, %max3A_509 : vector<16xf32>
        %min3A_526 = arith.minimumf %min3A_512, %max3A_511 : vector<16xf32>
        %max3A_527 = arith.maximumf %min3A_512, %max3A_511 : vector<16xf32>
        %min3A_528 = arith.minimumf %min3A_516, %max3A_515 : vector<16xf32>
        %max3A_529 = arith.maximumf %min3A_516, %max3A_515 : vector<16xf32>
        %min3A_530 = arith.minimumf %min3A_520, %max3A_519 : vector<16xf32>
        %max3A_531 = arith.maximumf %min3A_520, %max3A_519 : vector<16xf32>
        %min3A_532 = arith.minimumf %min3A_524, %max3A_523 : vector<16xf32>
        %max3A_533 = arith.maximumf %min3A_524, %max3A_523 : vector<16xf32>
        %min3A_534 = arith.minimumf %min3A_510, %min3A_514 : vector<16xf32>
        %max3A_535 = arith.maximumf %min3A_510, %min3A_514 : vector<16xf32>
        %min3A_536 = arith.minimumf %min3A_526, %min3A_528 : vector<16xf32>
        %max3A_537 = arith.maximumf %min3A_526, %min3A_528 : vector<16xf32>
        %min3A_538 = arith.minimumf %max3A_527, %max3A_529 : vector<16xf32>
        %max3A_539 = arith.maximumf %max3A_527, %max3A_529 : vector<16xf32>
        %min3A_540 = arith.minimumf %max3A_513, %max3A_517 : vector<16xf32>
        %max3A_541 = arith.maximumf %max3A_513, %max3A_517 : vector<16xf32>
        %min3A_542 = arith.minimumf %min3A_518, %min3A_522 : vector<16xf32>
        %max3A_543 = arith.maximumf %min3A_518, %min3A_522 : vector<16xf32>
        %min3A_544 = arith.minimumf %min3A_530, %min3A_532 : vector<16xf32>
        %max3A_545 = arith.maximumf %min3A_530, %min3A_532 : vector<16xf32>
        %min3A_546 = arith.minimumf %max3A_531, %max3A_533 : vector<16xf32>
        %max3A_547 = arith.maximumf %max3A_531, %max3A_533 : vector<16xf32>
        %min3A_548 = arith.minimumf %max3A_521, %max3A_525 : vector<16xf32>
        %max3A_549 = arith.maximumf %max3A_521, %max3A_525 : vector<16xf32>
        %min3A_550 = arith.minimumf %min3A_538, %max3A_535 : vector<16xf32>
        %max3A_551 = arith.maximumf %min3A_538, %max3A_535 : vector<16xf32>
        %min3A_552 = arith.minimumf %min3A_540, %max3A_537 : vector<16xf32>
        %max3A_553 = arith.maximumf %min3A_540, %max3A_537 : vector<16xf32>
        %min3A_554 = arith.minimumf %min3A_546, %max3A_543 : vector<16xf32>
        %max3A_555 = arith.maximumf %min3A_546, %max3A_543 : vector<16xf32>
        %min3A_556 = arith.minimumf %min3A_548, %max3A_545 : vector<16xf32>
        %max3A_557 = arith.maximumf %min3A_548, %max3A_545 : vector<16xf32>
        %min3A_558 = arith.minimumf %min3A_536, %min3A_550 : vector<16xf32>
        %max3A_559 = arith.maximumf %min3A_536, %min3A_550 : vector<16xf32>
        %min3A_560 = arith.minimumf %min3A_552, %max3A_551 : vector<16xf32>
        %max3A_561 = arith.maximumf %min3A_552, %max3A_551 : vector<16xf32>
        %min3A_562 = arith.minimumf %max3A_553, %max3A_539 : vector<16xf32>
        %max3A_563 = arith.maximumf %max3A_553, %max3A_539 : vector<16xf32>
        %min3A_564 = arith.minimumf %min3A_544, %min3A_554 : vector<16xf32>
        %max3A_565 = arith.maximumf %min3A_544, %min3A_554 : vector<16xf32>
        %min3A_566 = arith.minimumf %min3A_556, %max3A_555 : vector<16xf32>
        %max3A_567 = arith.maximumf %min3A_556, %max3A_555 : vector<16xf32>
        %min3A_568 = arith.minimumf %max3A_557, %max3A_547 : vector<16xf32>
        %max3A_569 = arith.maximumf %max3A_557, %max3A_547 : vector<16xf32>
        %max3A_570 = arith.maximumf %min3A_534, %min3A_542 : vector<16xf32>
        %max3A_571 = arith.maximumf %min3A_558, %min3A_564 : vector<16xf32>
        %max3A_572 = arith.maximumf %max3A_559, %max3A_565 : vector<16xf32>
        %max3A_573 = arith.maximumf %min3A_560, %min3A_566 : vector<16xf32>
        %min3A_574 = arith.minimumf %max3A_561, %max3A_567 : vector<16xf32>
        %min3A_575 = arith.minimumf %min3A_562, %min3A_568 : vector<16xf32>
        %min3A_576 = arith.minimumf %max3A_563, %max3A_569 : vector<16xf32>
        %min3A_577 = arith.minimumf %max3A_541, %max3A_549 : vector<16xf32>
        %max3A_578 = arith.maximumf %min3A_574, %max3A_570 : vector<16xf32>
        %max3A_579 = arith.maximumf %min3A_575, %max3A_571 : vector<16xf32>
        %min3A_580 = arith.minimumf %min3A_576, %max3A_572 : vector<16xf32>
        %min3A_581 = arith.minimumf %min3A_577, %max3A_573 : vector<16xf32>
        %max3A_582 = arith.maximumf %min3A_580, %max3A_578 : vector<16xf32>
        %min3A_583 = arith.minimumf %min3A_581, %max3A_579 : vector<16xf32>
        %min3A_584 = arith.minimumf %min3A_583, %max3A_582 : vector<16xf32>
        %max3A_585 = arith.maximumf %min3A_583, %max3A_582 : vector<16xf32>
        %min3A_586 = arith.minimumf %bitcast_convert_type3A, %max3A_585 : vector<16xf32>
        %max3A_587 = arith.maximumf %min3A_584, %min3A_586 : vector<16xf32>
        %bitcast_convert_type3A_588 = tpu.bitcast %get3A_269 : vector<16xi32> -> vector<16xf32>
        %bitcast_convert_type3A_589 = tpu.bitcast %get3A_279 : vector<16xi32> -> vector<16xf32>
        %bitcast_convert_type3A_590 = tpu.bitcast %get3A_289 : vector<16xi32> -> vector<16xf32>
        %bitcast_convert_type3A_591 = tpu.bitcast %get3A_299 : vector<16xi32> -> vector<16xf32>
        %bitcast_convert_type3A_592 = tpu.bitcast %get3A_309 : vector<16xi32> -> vector<16xf32>
        %bitcast_convert_type3A_593 = tpu.bitcast %get3A_319 : vector<16xi32> -> vector<16xf32>
        %bitcast_convert_type3A_594 = tpu.bitcast %get3A_329 : vector<16xi32> -> vector<16xf32>
        %bitcast_convert_type3A_595 = tpu.bitcast %get3A_339 : vector<16xi32> -> vector<16xf32>
        %bitcast_convert_type3A_596 = tpu.bitcast %get3A_349 : vector<16xi32> -> vector<16xf32>
        %bitcast_convert_type3A_597 = tpu.bitcast %get3A_359 : vector<16xi32> -> vector<16xf32>
        %bitcast_convert_type3A_598 = tpu.bitcast %get3A_369 : vector<16xi32> -> vector<16xf32>
        %bitcast_convert_type3A_599 = tpu.bitcast %get3A_379 : vector<16xi32> -> vector<16xf32>
        %bitcast_convert_type3A_600 = tpu.bitcast %get3A_389 : vector<16xi32> -> vector<16xf32>
        %bitcast_convert_type3A_601 = tpu.bitcast %get3A_399 : vector<16xi32> -> vector<16xf32>
        %bitcast_convert_type3A_602 = tpu.bitcast %get3A_409 : vector<16xi32> -> vector<16xf32>
        %bitcast_convert_type3A_603 = tpu.bitcast %get3A_419 : vector<16xi32> -> vector<16xf32>
        %bitcast_convert_type3A_604 = tpu.bitcast %get3A_429 : vector<16xi32> -> vector<16xf32>
        %min3A_605 = arith.minimumf %bitcast_convert_type3A_589, %bitcast_convert_type3A_590 : vector<16xf32>
        %max3A_606 = arith.maximumf %bitcast_convert_type3A_589, %bitcast_convert_type3A_590 : vector<16xf32>
        %min3A_607 = arith.minimumf %bitcast_convert_type3A_591, %bitcast_convert_type3A_592 : vector<16xf32>
        %max3A_608 = arith.maximumf %bitcast_convert_type3A_591, %bitcast_convert_type3A_592 : vector<16xf32>
        %min3A_609 = arith.minimumf %bitcast_convert_type3A_593, %bitcast_convert_type3A_594 : vector<16xf32>
        %max3A_610 = arith.maximumf %bitcast_convert_type3A_593, %bitcast_convert_type3A_594 : vector<16xf32>
        %min3A_611 = arith.minimumf %bitcast_convert_type3A_595, %bitcast_convert_type3A_596 : vector<16xf32>
        %max3A_612 = arith.maximumf %bitcast_convert_type3A_595, %bitcast_convert_type3A_596 : vector<16xf32>
        %min3A_613 = arith.minimumf %bitcast_convert_type3A_597, %bitcast_convert_type3A_598 : vector<16xf32>
        %max3A_614 = arith.maximumf %bitcast_convert_type3A_597, %bitcast_convert_type3A_598 : vector<16xf32>
        %min3A_615 = arith.minimumf %bitcast_convert_type3A_599, %bitcast_convert_type3A_600 : vector<16xf32>
        %max3A_616 = arith.maximumf %bitcast_convert_type3A_599, %bitcast_convert_type3A_600 : vector<16xf32>
        %min3A_617 = arith.minimumf %bitcast_convert_type3A_601, %bitcast_convert_type3A_602 : vector<16xf32>
        %max3A_618 = arith.maximumf %bitcast_convert_type3A_601, %bitcast_convert_type3A_602 : vector<16xf32>
        %min3A_619 = arith.minimumf %bitcast_convert_type3A_603, %bitcast_convert_type3A_604 : vector<16xf32>
        %max3A_620 = arith.maximumf %bitcast_convert_type3A_603, %bitcast_convert_type3A_604 : vector<16xf32>
        %min3A_621 = arith.minimumf %min3A_605, %min3A_607 : vector<16xf32>
        %max3A_622 = arith.maximumf %min3A_605, %min3A_607 : vector<16xf32>
        %min3A_623 = arith.minimumf %max3A_606, %max3A_608 : vector<16xf32>
        %max3A_624 = arith.maximumf %max3A_606, %max3A_608 : vector<16xf32>
        %min3A_625 = arith.minimumf %min3A_609, %min3A_611 : vector<16xf32>
        %max3A_626 = arith.maximumf %min3A_609, %min3A_611 : vector<16xf32>
        %min3A_627 = arith.minimumf %max3A_610, %max3A_612 : vector<16xf32>
        %max3A_628 = arith.maximumf %max3A_610, %max3A_612 : vector<16xf32>
        %min3A_629 = arith.minimumf %min3A_613, %min3A_615 : vector<16xf32>
        %max3A_630 = arith.maximumf %min3A_613, %min3A_615 : vector<16xf32>
        %min3A_631 = arith.minimumf %max3A_614, %max3A_616 : vector<16xf32>
        %max3A_632 = arith.maximumf %max3A_614, %max3A_616 : vector<16xf32>
        %min3A_633 = arith.minimumf %min3A_617, %min3A_619 : vector<16xf32>
        %max3A_634 = arith.maximumf %min3A_617, %min3A_619 : vector<16xf32>
        %min3A_635 = arith.minimumf %max3A_618, %max3A_620 : vector<16xf32>
        %max3A_636 = arith.maximumf %max3A_618, %max3A_620 : vector<16xf32>
        %min3A_637 = arith.minimumf %min3A_623, %max3A_622 : vector<16xf32>
        %max3A_638 = arith.maximumf %min3A_623, %max3A_622 : vector<16xf32>
        %min3A_639 = arith.minimumf %min3A_627, %max3A_626 : vector<16xf32>
        %max3A_640 = arith.maximumf %min3A_627, %max3A_626 : vector<16xf32>
        %min3A_641 = arith.minimumf %min3A_631, %max3A_630 : vector<16xf32>
        %max3A_642 = arith.maximumf %min3A_631, %max3A_630 : vector<16xf32>
        %min3A_643 = arith.minimumf %min3A_635, %max3A_634 : vector<16xf32>
        %max3A_644 = arith.maximumf %min3A_635, %max3A_634 : vector<16xf32>
        %min3A_645 = arith.minimumf %min3A_621, %min3A_625 : vector<16xf32>
        %max3A_646 = arith.maximumf %min3A_621, %min3A_625 : vector<16xf32>
        %min3A_647 = arith.minimumf %min3A_637, %min3A_639 : vector<16xf32>
        %max3A_648 = arith.maximumf %min3A_637, %min3A_639 : vector<16xf32>
        %min3A_649 = arith.minimumf %max3A_638, %max3A_640 : vector<16xf32>
        %max3A_650 = arith.maximumf %max3A_638, %max3A_640 : vector<16xf32>
        %min3A_651 = arith.minimumf %max3A_624, %max3A_628 : vector<16xf32>
        %max3A_652 = arith.maximumf %max3A_624, %max3A_628 : vector<16xf32>
        %min3A_653 = arith.minimumf %min3A_629, %min3A_633 : vector<16xf32>
        %max3A_654 = arith.maximumf %min3A_629, %min3A_633 : vector<16xf32>
        %min3A_655 = arith.minimumf %min3A_641, %min3A_643 : vector<16xf32>
        %max3A_656 = arith.maximumf %min3A_641, %min3A_643 : vector<16xf32>
        %min3A_657 = arith.minimumf %max3A_642, %max3A_644 : vector<16xf32>
        %max3A_658 = arith.maximumf %max3A_642, %max3A_644 : vector<16xf32>
        %min3A_659 = arith.minimumf %max3A_632, %max3A_636 : vector<16xf32>
        %max3A_660 = arith.maximumf %max3A_632, %max3A_636 : vector<16xf32>
        %min3A_661 = arith.minimumf %min3A_649, %max3A_646 : vector<16xf32>
        %max3A_662 = arith.maximumf %min3A_649, %max3A_646 : vector<16xf32>
        %min3A_663 = arith.minimumf %min3A_651, %max3A_648 : vector<16xf32>
        %max3A_664 = arith.maximumf %min3A_651, %max3A_648 : vector<16xf32>
        %min3A_665 = arith.minimumf %min3A_657, %max3A_654 : vector<16xf32>
        %max3A_666 = arith.maximumf %min3A_657, %max3A_654 : vector<16xf32>
        %min3A_667 = arith.minimumf %min3A_659, %max3A_656 : vector<16xf32>
        %max3A_668 = arith.maximumf %min3A_659, %max3A_656 : vector<16xf32>
        %min3A_669 = arith.minimumf %min3A_647, %min3A_661 : vector<16xf32>
        %max3A_670 = arith.maximumf %min3A_647, %min3A_661 : vector<16xf32>
        %min3A_671 = arith.minimumf %min3A_663, %max3A_662 : vector<16xf32>
        %max3A_672 = arith.maximumf %min3A_663, %max3A_662 : vector<16xf32>
        %min3A_673 = arith.minimumf %max3A_664, %max3A_650 : vector<16xf32>
        %max3A_674 = arith.maximumf %max3A_664, %max3A_650 : vector<16xf32>
        %min3A_675 = arith.minimumf %min3A_655, %min3A_665 : vector<16xf32>
        %max3A_676 = arith.maximumf %min3A_655, %min3A_665 : vector<16xf32>
        %min3A_677 = arith.minimumf %min3A_667, %max3A_666 : vector<16xf32>
        %max3A_678 = arith.maximumf %min3A_667, %max3A_666 : vector<16xf32>
        %min3A_679 = arith.minimumf %max3A_668, %max3A_658 : vector<16xf32>
        %max3A_680 = arith.maximumf %max3A_668, %max3A_658 : vector<16xf32>
        %max3A_681 = arith.maximumf %min3A_645, %min3A_653 : vector<16xf32>
        %max3A_682 = arith.maximumf %min3A_669, %min3A_675 : vector<16xf32>
        %max3A_683 = arith.maximumf %max3A_670, %max3A_676 : vector<16xf32>
        %max3A_684 = arith.maximumf %min3A_671, %min3A_677 : vector<16xf32>
        %min3A_685 = arith.minimumf %max3A_672, %max3A_678 : vector<16xf32>
        %min3A_686 = arith.minimumf %min3A_673, %min3A_679 : vector<16xf32>
        %min3A_687 = arith.minimumf %max3A_674, %max3A_680 : vector<16xf32>
        %min3A_688 = arith.minimumf %max3A_652, %max3A_660 : vector<16xf32>
        %max3A_689 = arith.maximumf %min3A_685, %max3A_681 : vector<16xf32>
        %max3A_690 = arith.maximumf %min3A_686, %max3A_682 : vector<16xf32>
        %min3A_691 = arith.minimumf %min3A_687, %max3A_683 : vector<16xf32>
        %min3A_692 = arith.minimumf %min3A_688, %max3A_684 : vector<16xf32>
        %max3A_693 = arith.maximumf %min3A_691, %max3A_689 : vector<16xf32>
        %min3A_694 = arith.minimumf %min3A_692, %max3A_690 : vector<16xf32>
        %min3A_695 = arith.minimumf %min3A_694, %max3A_693 : vector<16xf32>
        %max3A_696 = arith.maximumf %min3A_694, %max3A_693 : vector<16xf32>
        %min3A_697 = arith.minimumf %bitcast_convert_type3A_588, %max3A_696 : vector<16xf32>
        %max3A_698 = arith.maximumf %min3A_695, %min3A_697 : vector<16xf32>
        %bitcast_convert_type3A_699 = tpu.bitcast %max3A_587 : vector<16xf32> -> vector<16xi32>
        %bitcast_convert_type3A_700 = tpu.bitcast %max3A_698 : vector<16xf32> -> vector<16xi32>
        %shift_right_logical3A = arith.constant 16 : i32
        %shift_right_logical3A_701 = vector.broadcast %shift_right_logical3A : i32 to vector<16xi32>
        %shift_right_logical3A_702 = arith.shrui %bitcast_convert_type3A_699, %shift_right_logical3A_701 : vector<16xi32>
        %and3A_703 = arith.constant -65536 : i32
        %and3A_704 = vector.broadcast %and3A_703 : i32 to vector<16xi32>
        %and3A_705 = arith.andi %bitcast_convert_type3A_700, %and3A_704 : vector<16xi32>
        %or3A = arith.ori %shift_right_logical3A_702, %and3A_705 : vector<16xi32>
        %swap3A = arith.constant 1 : i32
        %swap3A_706 = arith.index_cast %swap3A : i32 to index
        %swap3A_707 = arith.index_cast %select_n3A : i32 to index
        %swap3A_708 = arith.index_cast %mul3A_264 : i32 to index
        %swap3A_709 = tpu.vector_load %arg8[%swap3A_706, %swap3A_707, %swap3A_708] {strides = array<i32>} : memref<2x8x128xi32, #tpu.memory_space<vmem>>, vector<1x1x16xi32>,
        %swap3A_710 = vector.shape_cast %swap3A_709 : vector<1x1x16xi32> to vector<16xi32>
        %swap3A_711 = vector.shape_cast %or3A : vector<16xi32> to vector<1x1x16xi32>
        tpu.vector_store %arg8[%swap3A_706, %swap3A_707, %swap3A_708], %swap3A_711 {strides = array<i32>} : memref<2x8x128xi32, #tpu.memory_space<vmem>>, vector<1x1x16xi32>,
      }
      %scan3A_207 = arith.constant 64 : i32
      %mul3A_208 = arith.constant 8 : i32
      %mul3A_209 = arith.muli %add3A_169, %mul3A_208 : i32
      %add3A_210 = arith.addi %mul3A_2, %mul3A_209 : i32
      %dma_start3A_211 = arith.constant 1 : i32
      %dma_start3A_212 = arith.constant 0 : i32
      %dma_start3A_213 = arith.constant 0 : i32
      %dma_start3A_214 = tpu.memref_slice %arg8[%dma_start3A_211, %dma_start3A_212, %dma_start3A_213] : memref<2x8x128xi32, #tpu.memory_space<vmem>> -> memref<1x8x128xi32, #tpu.memory_space<vmem>>
      %dma_start3A_215 = tpu.memref_squeeze %dma_start3A_214 : memref<1x8x128xi32, #tpu.memory_space<vmem>> -> memref<8x128xi32, #tpu.memory_space<vmem>>
      %dma_start3A_216 = arith.constant 0 : i32
      %dma_start3A_217 = tpu.memref_slice %arg4[%add3A_210, %dma_start3A_216] : memref<10240x128xi32, #tpu.memory_space<hbm>> -> memref<8x128xi32, #tpu.memory_space<hbm>>
      %dma_start3A_218 = arith.constant 0 : i32
      %dma_start3A_219 = tpu.memref_slice %arg4[%add3A_210, %dma_start3A_218] : memref<10240x128xi32, #tpu.memory_space<hbm>> -> memref<8x128xi32, #tpu.memory_space<hbm>>
      %dma_start3A_220 = arith.constant 0 : i32
      %dma_start3A_221 = arith.constant 0 : i32
      %dma_start3A_222 = tpu.memref_slice %arg8[%dma_start3A_211, %dma_start3A_220, %dma_start3A_221] : memref<2x8x128xi32, #tpu.memory_space<vmem>> -> memref<1x8x128xi32, #tpu.memory_space<vmem>>
      %dma_start3A_223 = tpu.memref_squeeze %dma_start3A_222 : memref<1x8x128xi32, #tpu.memory_space<vmem>> -> memref<8x128xi32, #tpu.memory_space<vmem>>
      tpu.enqueue_dma source(%dma_start3A_223 : memref<8x128xi32, #tpu.memory_space<vmem>>) target(%dma_start3A_219 : memref<8x128xi32, #tpu.memory_space<hbm>>) target_semaphore(%arg15 : memref<!tpu.dma_semaphore, #tpu.memory_space<semaphore_mem>>)
      %add3A_224 = arith.constant 2 : i32
      %add3A_225 = arith.addi %add3A_169, %add3A_224 : i32
      %lt3A_226 = arith.constant 40 : i32
      %lt3A_227 = arith.cmpi slt, %add3A_225, %lt3A_226 : i32
      %convert_element_type3A_228 = arith.extui %lt3A_227 : i1 to i32
      %cond3A_229 = arith.constant 0 : i32
      %cond3A_230 = arith.cmpi ne, %convert_element_type3A_228, %cond3A_229 : i32
      scf.if %cond3A_230 {
        %add3A_231 = arith.constant 2 : i32
        %add3A_232 = arith.addi %add3A_169, %add3A_231 : i32
        %mul3A_233 = arith.constant 8 : i32
        %mul3A_234 = arith.muli %add3A_232, %mul3A_233 : i32
        %add3A_235 = arith.addi %mul3A_2, %mul3A_234 : i32
        %mul3A_236 = arith.constant 128 : i32
        %mul3A_237 = arith.muli %add3A_232, %mul3A_236 : i32
        %dma_start3A_238 = arith.constant 1 : i32
        %dma_start3A_239 = arith.constant 0 : i32
        %dma_start3A_240 = arith.constant 0 : i32
        %dma_start3A_241 = tpu.memref_slice %arg6[%dma_start3A_238, %dma_start3A_239, %dma_start3A_240] : memref<2x128x128xi32, #tpu.memory_space<vmem>> -> memref<1x128x128xi32, #tpu.memory_space<vmem>>
        %dma_start3A_242 = tpu.memref_squeeze %dma_start3A_241 : memref<1x128x128xi32, #tpu.memory_space<vmem>> -> memref<128x128xi32, #tpu.memory_space<vmem>>
        %dma_start3A_243 = tpu.memref_slice %arg5[%mul3A_237] : memref<5120xi32, #tpu.memory_space<vmem>> -> memref<128xi32, #tpu.memory_space<vmem>>
        %dma_start3A_244 = arith.constant 0 : i32
        %dma_start3A_245 = arith.constant 0 : i32
        %dma_start3A_246 = tpu.memref_slice %arg9[%dma_start3A_244, %dma_start3A_245] : memref<10240x128xi32, #tpu.memory_space<vmem_shared>> -> memref<10240x128xi32, #tpu.memory_space<vmem_shared>>
        tpu.enqueue_indirect_dma source(%dma_start3A_246 : memref<10240x128xi32, #tpu.memory_space<vmem_shared>>) target(%dma_start3A_242 : memref<128x128xi32, #tpu.memory_space<vmem>>) offsets(%dma_start3A_243 : memref<128xi32, #tpu.memory_space<vmem>>) semaphore(%arg11 : memref<!tpu.dma_semaphore, #tpu.memory_space<semaphore_mem>>)
        %dma_start3A_247 = arith.constant 1 : i32
        %dma_start3A_248 = arith.constant 0 : i32
        %dma_start3A_249 = arith.constant 0 : i32
        %dma_start3A_250 = tpu.memref_slice %arg7[%dma_start3A_247, %dma_start3A_248, %dma_start3A_249] : memref<2x8x128xi32, #tpu.memory_space<vmem>> -> memref<1x8x128xi32, #tpu.memory_space<vmem>>
        %dma_start3A_251 = tpu.memref_squeeze %dma_start3A_250 : memref<1x8x128xi32, #tpu.memory_space<vmem>> -> memref<8x128xi32, #tpu.memory_space<vmem>>
        %dma_start3A_252 = arith.constant 0 : i32
        %dma_start3A_253 = tpu.memref_slice %arg9[%add3A_235, %dma_start3A_252] : memref<10240x128xi32, #tpu.memory_space<vmem_shared>> -> memref<8x128xi32, #tpu.memory_space<vmem_shared>>
        %dma_start3A_254 = arith.constant 0 : i32
        %dma_start3A_255 = arith.constant 0 : i32
        %dma_start3A_256 = tpu.memref_slice %arg7[%dma_start3A_247, %dma_start3A_254, %dma_start3A_255] : memref<2x8x128xi32, #tpu.memory_space<vmem>> -> memref<1x8x128xi32, #tpu.memory_space<vmem>>
        %dma_start3A_257 = tpu.memref_squeeze %dma_start3A_256 : memref<1x8x128xi32, #tpu.memory_space<vmem>> -> memref<8x128xi32, #tpu.memory_space<vmem>>
        %dma_start3A_258 = arith.constant 0 : i32
        %dma_start3A_259 = tpu.memref_slice %arg9[%add3A_235, %dma_start3A_258] : memref<10240x128xi32, #tpu.memory_space<vmem_shared>> -> memref<8x128xi32, #tpu.memory_space<vmem_shared>>
        tpu.enqueue_dma source(%dma_start3A_259 : memref<8x128xi32, #tpu.memory_space<vmem_shared>>) target(%dma_start3A_257 : memref<8x128xi32, #tpu.memory_space<vmem>>) target_semaphore(%arg13 : memref<!tpu.dma_semaphore, #tpu.memory_space<semaphore_mem>>)
      } else {
      }
    }
    %scan3A_70 = arith.constant 20 : i32
    %mul3A_71 = arith.constant 38 : i32
    %mul3A_72 = arith.constant 8 : i32
    %mul3A_73 = arith.muli %mul3A_71, %mul3A_72 : i32
    %add3A_74 = arith.addi %mul3A_2, %mul3A_73 : i32
    %dma_wait3A = arith.constant 0 : i32
    %dma_wait3A_75 = arith.constant 0 : i32
    %dma_wait3A_76 = arith.constant 0 : i32
    %dma_wait3A_77 = tpu.memref_slice %arg8[%dma_wait3A, %dma_wait3A_75, %dma_wait3A_76] : memref<2x8x128xi32, #tpu.memory_space<vmem>> -> memref<1x8x128xi32, #tpu.memory_space<vmem>>
    %dma_wait3A_78 = tpu.memref_squeeze %dma_wait3A_77 : memref<1x8x128xi32, #tpu.memory_space<vmem>> -> memref<8x128xi32, #tpu.memory_space<vmem>>
    %dma_wait3A_79 = arith.constant 0 : i32
    %dma_wait3A_80 = tpu.memref_slice %arg4[%add3A_74, %dma_wait3A_79] : memref<10240x128xi32, #tpu.memory_space<hbm>> -> memref<8x128xi32, #tpu.memory_space<hbm>>
    %dma_wait3A_81 = arith.constant 0 : i32
    %dma_wait3A_82 = tpu.memref_slice %arg4[%add3A_74, %dma_wait3A_81] : memref<10240x128xi32, #tpu.memory_space<hbm>> -> memref<8x128xi32, #tpu.memory_space<hbm>>
    %dma_wait3A_83 = arith.constant 0 : i32
    %dma_wait3A_84 = arith.constant 0 : i32
    %dma_wait3A_85 = tpu.memref_slice %arg8[%dma_wait3A, %dma_wait3A_83, %dma_wait3A_84] : memref<2x8x128xi32, #tpu.memory_space<vmem>> -> memref<1x8x128xi32, #tpu.memory_space<vmem>>
    %dma_wait3A_86 = tpu.memref_squeeze %dma_wait3A_85 : memref<1x8x128xi32, #tpu.memory_space<vmem>> -> memref<8x128xi32, #tpu.memory_space<vmem>>
    tpu.wait_dma2 semaphore(%arg14 : memref<!tpu.dma_semaphore, #tpu.memory_space<semaphore_mem>>) src(%dma_wait3A_86 : memref<8x128xi32, #tpu.memory_space<vmem>>) dst(%dma_wait3A_82 : memref<8x128xi32, #tpu.memory_space<hbm>>)
    %mul3A_87 = arith.constant 39 : i32
    %mul3A_88 = arith.constant 8 : i32
    %mul3A_89 = arith.muli %mul3A_87, %mul3A_88 : i32
    %add3A_90 = arith.addi %mul3A_2, %mul3A_89 : i32
    %dma_wait3A_91 = arith.constant 1 : i32
    %dma_wait3A_92 = arith.constant 0 : i32
    %dma_wait3A_93 = arith.constant 0 : i32
    %dma_wait3A_94 = tpu.memref_slice %arg8[%dma_wait3A_91, %dma_wait3A_92, %dma_wait3A_93] : memref<2x8x128xi32, #tpu.memory_space<vmem>> -> memref<1x8x128xi32, #tpu.memory_space<vmem>>
    %dma_wait3A_95 = tpu.memref_squeeze %dma_wait3A_94 : memref<1x8x128xi32, #tpu.memory_space<vmem>> -> memref<8x128xi32, #tpu.memory_space<vmem>>
    %dma_wait3A_96 = arith.constant 0 : i32
    %dma_wait3A_97 = tpu.memref_slice %arg4[%add3A_90, %dma_wait3A_96] : memref<10240x128xi32, #tpu.memory_space<hbm>> -> memref<8x128xi32, #tpu.memory_space<hbm>>
    %dma_wait3A_98 = arith.constant 0 : i32
    %dma_wait3A_99 = tpu.memref_slice %arg4[%add3A_90, %dma_wait3A_98] : memref<10240x128xi32, #tpu.memory_space<hbm>> -> memref<8x128xi32, #tpu.memory_space<hbm>>
    %dma_wait3A_100 = arith.constant 0 : i32
    %dma_wait3A_101 = arith.constant 0 : i32
    %dma_wait3A_102 = tpu.memref_slice %arg8[%dma_wait3A_91, %dma_wait3A_100, %dma_wait3A_101] : memref<2x8x128xi32, #tpu.memory_space<vmem>> -> memref<1x8x128xi32, #tpu.memory_space<vmem>>
    %dma_wait3A_103 = tpu.memref_squeeze %dma_wait3A_102 : memref<1x8x128xi32, #tpu.memory_space<vmem>> -> memref<8x128xi32, #tpu.memory_space<vmem>>
    tpu.wait_dma2 semaphore(%arg15 : memref<!tpu.dma_semaphore, #tpu.memory_space<semaphore_mem>>) src(%dma_wait3A_103 : memref<8x128xi32, #tpu.memory_space<vmem>>) dst(%dma_wait3A_99 : memref<8x128xi32, #tpu.memory_space<hbm>>)
    return
  }
}

#map = affine_map<(d0, d1) -> (0, 0)>
#map1 = affine_map<(d0, d1) -> (0)>
module attributes {stable_mosaic.version = 14 : i64} {
  func.func @sc_median(%arg0: i32, %arg1: i32, %arg2: memref<10240x128xi32, #tpu.memory_space<hbm>>, %arg3: memref<163840xi32, #tpu.memory_space<hbm>>, %arg4: memref<10240x128xi32, #tpu.memory_space<hbm>>, %arg5: memref<5120xi32, #tpu.memory_space<vmem>>, %arg6: memref<2x128x128xi32, #tpu.memory_space<vmem>>, %arg7: memref<2x8x128xi32, #tpu.memory_space<vmem>>, %arg8: memref<2x8x128xi32, #tpu.memory_space<vmem>>, %arg9: memref<10240x128xi32, #tpu.memory_space<vmem_shared>>, %arg10: memref<!tpu.dma_semaphore, #tpu.memory_space<semaphore_mem>>, %arg11: memref<!tpu.dma_semaphore, #tpu.memory_space<semaphore_mem>>, %arg12: memref<!tpu.dma_semaphore, #tpu.memory_space<semaphore_mem>>, %arg13: memref<!tpu.dma_semaphore, #tpu.memory_space<semaphore_mem>>, %arg14: memref<!tpu.dma_semaphore, #tpu.memory_space<semaphore_mem>>, %arg15: memref<!tpu.dma_semaphore, #tpu.memory_space<semaphore_mem>>) attributes {dimension_semantics = [#tpu.dimension_semantics<core_parallel>, #tpu.dimension_semantics<subcore_parallel>], iteration_bounds = array<i64: 2, 16>, scalar_prefetch = 0 : i64, scratch_operands = 11 : i64, tpu.core_type = #tpu.core_type<sc_vector_subcore>, window_params = [{transform_indices = #map}, {transform_indices = #map1}, {transform_indices = #map}]} {
    %mul3A = arith.constant 2 : i32
    %mul3A_0 = arith.muli %arg1, %mul3A : i32
    %add3A = arith.addi %mul3A_0, %arg0 : i32
    %mul3A_1 = arith.constant 320 : i32
    %mul3A_2 = arith.muli %add3A, %mul3A_1 : i32
    %mul3A_3 = arith.constant 16 : i32
    %mul3A_4 = arith.muli %mul3A_2, %mul3A_3 : i32
    "tpu.region"() ({
      %run_scoped3A = tpu.sem_alloc : memref<!tpu.dma_semaphore, #tpu.memory_space<semaphore_mem>>
      %dma_start3A_104 = tpu.memref_slice %arg3[%mul3A_4] : memref<163840xi32, #tpu.memory_space<hbm>> -> memref<5120xi32, #tpu.memory_space<hbm>>
      %dma_start3A_105 = tpu.memref_slice %arg3[%mul3A_4] : memref<163840xi32, #tpu.memory_space<hbm>> -> memref<5120xi32, #tpu.memory_space<hbm>>
      tpu.enqueue_dma source(%dma_start3A_105 : memref<5120xi32, #tpu.memory_space<hbm>>) target(%arg5 : memref<5120xi32, #tpu.memory_space<vmem>>) target_semaphore(%run_scoped3A : memref<!tpu.dma_semaphore, #tpu.memory_space<semaphore_mem>>)
      %dma_wait3A_106 = tpu.memref_slice %arg3[%mul3A_4] : memref<163840xi32, #tpu.memory_space<hbm>> -> memref<5120xi32, #tpu.memory_space<hbm>>
      %dma_wait3A_107 = tpu.memref_slice %arg3[%mul3A_4] : memref<163840xi32, #tpu.memory_space<hbm>> -> memref<5120xi32, #tpu.memory_space<hbm>>
      tpu.wait_dma2 semaphore(%run_scoped3A : memref<!tpu.dma_semaphore, #tpu.memory_space<semaphore_mem>>) src(%dma_wait3A_107 : memref<5120xi32, #tpu.memory_space<hbm>>) dst(%arg5 : memref<5120xi32, #tpu.memory_space<vmem>>)
      tpu.yield
    }) : () -> ()
    %mul3A_5 = arith.constant 640 : i32
    %mul3A_6 = arith.muli %arg1, %mul3A_5 : i32
    %mul3A_7 = arith.constant 640 : i32
    %mul3A_8 = arith.muli %arg1, %mul3A_7 : i32
    "tpu.region"() ({
      %run_scoped3A = tpu.sem_alloc : memref<!tpu.dma_semaphore, #tpu.memory_space<semaphore_mem>>
      %dma_start3A_104 = arith.constant 0 : i32
      %dma_start3A_105 = tpu.memref_slice %arg9[%mul3A_8, %dma_start3A_104] : memref<10240x128xi32, #tpu.memory_space<vmem_shared>> -> memref<640x128xi32, #tpu.memory_space<vmem_shared>>
      %dma_start3A_106 = arith.constant 0 : i32
      %dma_start3A_107 = tpu.memref_slice %arg2[%mul3A_6, %dma_start3A_106] : memref<10240x128xi32, #tpu.memory_space<hbm>> -> memref<640x128xi32, #tpu.memory_space<hbm>>
      tpu.enqueue_dma source(%dma_start3A_107 : memref<640x128xi32, #tpu.memory_space<hbm>>) target(%dma_start3A_105 : memref<640x128xi32, #tpu.memory_space<vmem_shared>>) target_semaphore(%run_scoped3A : memref<!tpu.dma_semaphore, #tpu.memory_space<semaphore_mem>>)
      %dma_wait3A_108 = arith.constant 0 : i32
      %dma_wait3A_109 = tpu.memref_slice %arg9[%mul3A_8, %dma_wait3A_108] : memref<10240x128xi32, #tpu.memory_space<vmem_shared>> -> memref<640x128xi32, #tpu.memory_space<vmem_shared>>
      %dma_wait3A_110 = arith.constant 0 : i32
      %dma_wait3A_111 = tpu.memref_slice %arg2[%mul3A_6, %dma_wait3A_110] : memref<10240x128xi32, #tpu.memory_space<hbm>> -> memref<640x128xi32, #tpu.memory_space<hbm>>
      tpu.wait_dma2 semaphore(%run_scoped3A : memref<!tpu.dma_semaphore, #tpu.memory_space<semaphore_mem>>) src(%dma_wait3A_111 : memref<640x128xi32, #tpu.memory_space<hbm>>) dst(%dma_wait3A_109 : memref<640x128xi32, #tpu.memory_space<vmem_shared>>)
      tpu.yield
    }) : () -> ()
    %barrier3A = arith.constant 0 : index
    tpu.barrier barrier_id(%barrier3A)
    %mul3A_9 = arith.constant 0 : i32
    %mul3A_10 = arith.constant 8 : i32
    %mul3A_11 = arith.muli %mul3A_9, %mul3A_10 : i32
    %add3A_12 = arith.addi %mul3A_2, %mul3A_11 : i32
    %mul3A_13 = arith.constant 0 : i32
    %mul3A_14 = arith.constant 128 : i32
    %mul3A_15 = arith.muli %mul3A_13, %mul3A_14 : i32
    %dma_start3A = arith.constant 0 : i32
    %dma_start3A_16 = arith.constant 0 : i32
    %dma_start3A_17 = arith.constant 0 : i32
    %dma_start3A_18 = tpu.memref_slice %arg6[%dma_start3A, %dma_start3A_16, %dma_start3A_17] : memref<2x128x128xi32, #tpu.memory_space<vmem>> -> memref<1x128x128xi32, #tpu.memory_space<vmem>>
    %dma_start3A_19 = tpu.memref_squeeze %dma_start3A_18 : memref<1x128x128xi32, #tpu.memory_space<vmem>> -> memref<128x128xi32, #tpu.memory_space<vmem>>
    %dma_start3A_20 = tpu.memref_slice %arg5[%mul3A_15] : memref<5120xi32, #tpu.memory_space<vmem>> -> memref<128xi32, #tpu.memory_space<vmem>>
    %dma_start3A_21 = arith.constant 0 : i32
    %dma_start3A_22 = arith.constant 0 : i32
    %dma_start3A_23 = tpu.memref_slice %arg9[%dma_start3A_21, %dma_start3A_22] : memref<10240x128xi32, #tpu.memory_space<vmem_shared>> -> memref<10240x128xi32, #tpu.memory_space<vmem_shared>>
    tpu.enqueue_indirect_dma source(%dma_start3A_23 : memref<10240x128xi32, #tpu.memory_space<vmem_shared>>) target(%dma_start3A_19 : memref<128x128xi32, #tpu.memory_space<vmem>>) offsets(%dma_start3A_20 : memref<128xi32, #tpu.memory_space<vmem>>) semaphore(%arg10 : memref<!tpu.dma_semaphore, #tpu.memory_space<semaphore_mem>>)
    %dma_start3A_24 = arith.constant 0 : i32
    %dma_start3A_25 = arith.constant 0 : i32
    %dma_start3A_26 = arith.constant 0 : i32
    %dma_start3A_27 = tpu.memref_slice %arg7[%dma_start3A_24, %dma_start3A_25, %dma_start3A_26] : memref<2x8x128xi32, #tpu.memory_space<vmem>> -> memref<1x8x128xi32, #tpu.memory_space<vmem>>
    %dma_start3A_28 = tpu.memref_squeeze %dma_start3A_27 : memref<1x8x128xi32, #tpu.memory_space<vmem>> -> memref<8x128xi32, #tpu.memory_space<vmem>>
    %dma_start3A_29 = arith.constant 0 : i32
    %dma_start3A_30 = tpu.memref_slice %arg9[%add3A_12, %dma_start3A_29] : memref<10240x128xi32, #tpu.memory_space<vmem_shared>> -> memref<8x128xi32, #tpu.memory_space<vmem_shared>>
    %dma_start3A_31 = arith.constant 0 : i32
    %dma_start3A_32 = arith.constant 0 : i32
    %dma_start3A_33 = tpu.memref_slice %arg7[%dma_start3A_24, %dma_start3A_31, %dma_start3A_32] : memref<2x8x128xi32, #tpu.memory_space<vmem>> -> memref<1x8x128xi32, #tpu.memory_space<vmem>>
    %dma_start3A_34 = tpu.memref_squeeze %dma_start3A_33 : memref<1x8x128xi32, #tpu.memory_space<vmem>> -> memref<8x128xi32, #tpu.memory_space<vmem>>
    %dma_start3A_35 = arith.constant 0 : i32
    %dma_start3A_36 = tpu.memref_slice %arg9[%add3A_12, %dma_start3A_35] : memref<10240x128xi32, #tpu.memory_space<vmem_shared>> -> memref<8x128xi32, #tpu.memory_space<vmem_shared>>
    tpu.enqueue_dma source(%dma_start3A_36 : memref<8x128xi32, #tpu.memory_space<vmem_shared>>) target(%dma_start3A_34 : memref<8x128xi32, #tpu.memory_space<vmem>>) target_semaphore(%arg12 : memref<!tpu.dma_semaphore, #tpu.memory_space<semaphore_mem>>)
    %mul3A_37 = arith.constant 1 : i32
    %mul3A_38 = arith.constant 8 : i32
    %mul3A_39 = arith.muli %mul3A_37, %mul3A_38 : i32
    %add3A_40 = arith.addi %mul3A_2, %mul3A_39 : i32
    %mul3A_41 = arith.constant 1 : i32
    %mul3A_42 = arith.constant 128 : i32
    %mul3A_43 = arith.muli %mul3A_41, %mul3A_42 : i32
    %dma_start3A_44 = arith.constant 1 : i32
    %dma_start3A_45 = arith.constant 0 : i32
    %dma_start3A_46 = arith.constant 0 : i32
    %dma_start3A_47 = tpu.memref_slice %arg6[%dma_start3A_44, %dma_start3A_45, %dma_start3A_46] : memref<2x128x128xi32, #tpu.memory_space<vmem>> -> memref<1x128x128xi32, #tpu.memory_space<vmem>>
    %dma_start3A_48 = tpu.memref_squeeze %dma_start3A_47 : memref<1x128x128xi32, #tpu.memory_space<vmem>> -> memref<128x128xi32, #tpu.memory_space<vmem>>
    %dma_start3A_49 = tpu.memref_slice %arg5[%mul3A_43] : memref<5120xi32, #tpu.memory_space<vmem>> -> memref<128xi32, #tpu.memory_space<vmem>>
    %dma_start3A_50 = arith.constant 0 : i32
    %dma_start3A_51 = arith.constant 0 : i32
    %dma_start3A_52 = tpu.memref_slice %arg9[%dma_start3A_50, %dma_start3A_51] : memref<10240x128xi32, #tpu.memory_space<vmem_shared>> -> memref<10240x128xi32, #tpu.memory_space<vmem_shared>>
    tpu.enqueue_indirect_dma source(%dma_start3A_52 : memref<10240x128xi32, #tpu.memory_space<vmem_shared>>) target(%dma_start3A_48 : memref<128x128xi32, #tpu.memory_space<vmem>>) offsets(%dma_start3A_49 : memref<128xi32, #tpu.memory_space<vmem>>) semaphore(%arg11 : memref<!tpu.dma_semaphore, #tpu.memory_space<semaphore_mem>>)
    %dma_start3A_53 = arith.constant 1 : i32
    %dma_start3A_54 = arith.constant 0 : i32
    %dma_start3A_55 = arith.constant 0 : i32
    %dma_start3A_56 = tpu.memref_slice %arg7[%dma_start3A_53, %dma_start3A_54, %dma_start3A_55] : memref<2x8x128xi32, #tpu.memory_space<vmem>> -> memref<1x8x128xi32, #tpu.memory_space<vmem>>
    %dma_start3A_57 = tpu.memref_squeeze %dma_start3A_56 : memref<1x8x128xi32, #tpu.memory_space<vmem>> -> memref<8x128xi32, #tpu.memory_space<vmem>>
    %dma_start3A_58 = arith.constant 0 : i32
    %dma_start3A_59 = tpu.memref_slice %arg9[%add3A_40, %dma_start3A_58] : memref<10240x128xi32, #tpu.memory_space<vmem_shared>> -> memref<8x128xi32, #tpu.memory_space<vmem_shared>>
    %dma_start3A_60 = arith.constant 0 : i32
    %dma_start3A_61 = arith.constant 0 : i32
    %dma_start3A_62 = tpu.memref_slice %arg7[%dma_start3A_53, %dma_start3A_60, %dma_start3A_61] : memref<2x8x128xi32, #tpu.memory_space<vmem>> -> memref<1x8x128xi32, #tpu.memory_space<vmem>>
    %dma_start3A_63 = tpu.memref_squeeze %dma_start3A_62 : memref<1x8x128xi32, #tpu.memory_space<vmem>> -> memref<8x128xi32, #tpu.memory_space<vmem>>
    %dma_start3A_64 = arith.constant 0 : i32
    %dma_start3A_65 = tpu.memref_slice %arg9[%add3A_40, %dma_start3A_64] : memref<10240x128xi32, #tpu.memory_space<vmem_shared>> -> memref<8x128xi32, #tpu.memory_space<vmem_shared>>
    tpu.enqueue_dma source(%dma_start3A_65 : memref<8x128xi32, #tpu.memory_space<vmem_shared>>) target(%dma_start3A_63 : memref<8x128xi32, #tpu.memory_space<vmem>>) target_semaphore(%arg13 : memref<!tpu.dma_semaphore, #tpu.memory_space<semaphore_mem>>)
    %scan3A = arith.constant 0 : i32
    %scan3A_66 = arith.constant 0 : i32
    %scan3A_67 = arith.constant 20 : i32
    %scan3A_68 = arith.addi %scan3A_66, %scan3A_67 : i32
    %scan3A_69 = arith.constant 1 : i32
    scf.for %scan3A_104 = %scan3A_66 to %scan3A_68 step %scan3A_69  : i32 {
      %mul3A_105 = arith.constant 2 : i32
      %mul3A_106 = arith.muli %scan3A_104, %mul3A_105 : i32
      %add3A_107 = arith.constant 0 : i32
      %add3A_108 = arith.addi %mul3A_106, %add3A_107 : i32
      %mul3A_109 = arith.constant 8 : i32
      %mul3A_110 = arith.muli %add3A_108, %mul3A_109 : i32
      %add3A_111 = arith.addi %mul3A_2, %mul3A_110 : i32
      %mul3A_112 = arith.constant 128 : i32
      %mul3A_113 = arith.muli %add3A_108, %mul3A_112 : i32
      %dma_wait3A_114 = arith.constant 0 : i32
      %dma_wait3A_115 = arith.constant 0 : i32
      %dma_wait3A_116 = arith.constant 0 : i32
      %dma_wait3A_117 = tpu.memref_slice %arg6[%dma_wait3A_114, %dma_wait3A_115, %dma_wait3A_116] : memref<2x128x128xi32, #tpu.memory_space<vmem>> -> memref<1x128x128xi32, #tpu.memory_space<vmem>>
      %dma_wait3A_118 = tpu.memref_squeeze %dma_wait3A_117 : memref<1x128x128xi32, #tpu.memory_space<vmem>> -> memref<128x128xi32, #tpu.memory_space<vmem>>
      %dma_wait3A_119 = tpu.memref_slice %arg5[%mul3A_113] : memref<5120xi32, #tpu.memory_space<vmem>> -> memref<128xi32, #tpu.memory_space<vmem>>
      %dma_wait3A_120 = arith.constant 0 : i32
      %dma_wait3A_121 = arith.constant 0 : i32
      %dma_wait3A_122 = tpu.memref_slice %arg9[%dma_wait3A_120, %dma_wait3A_121] : memref<10240x128xi32, #tpu.memory_space<vmem_shared>> -> memref<10240x128xi32, #tpu.memory_space<vmem_shared>>
      tpu.wait_indirect_dma semaphore(%arg10 : memref<!tpu.dma_semaphore, #tpu.memory_space<semaphore_mem>>) src(%dma_wait3A_122 : memref<10240x128xi32, #tpu.memory_space<vmem_shared>>) dst(%dma_wait3A_118 : memref<128x128xi32, #tpu.memory_space<vmem>>)
      %dma_wait3A_123 = arith.constant 0 : i32
      %dma_wait3A_124 = arith.constant 0 : i32
      %dma_wait3A_125 = arith.constant 0 : i32
      %dma_wait3A_126 = tpu.memref_slice %arg7[%dma_wait3A_123, %dma_wait3A_124, %dma_wait3A_125] : memref<2x8x128xi32, #tpu.memory_space<vmem>> -> memref<1x8x128xi32, #tpu.memory_space<vmem>>
      %dma_wait3A_127 = tpu.memref_squeeze %dma_wait3A_126 : memref<1x8x128xi32, #tpu.memory_space<vmem>> -> memref<8x128xi32, #tpu.memory_space<vmem>>
      %dma_wait3A_128 = arith.constant 0 : i32
      %dma_wait3A_129 = tpu.memref_slice %arg9[%add3A_111, %dma_wait3A_128] : memref<10240x128xi32, #tpu.memory_space<vmem_shared>> -> memref<8x128xi32, #tpu.memory_space<vmem_shared>>
      %dma_wait3A_130 = arith.constant 0 : i32
      %dma_wait3A_131 = arith.constant 0 : i32
      %dma_wait3A_132 = tpu.memref_slice %arg7[%dma_wait3A_123, %dma_wait3A_130, %dma_wait3A_131] : memref<2x8x128xi32, #tpu.memory_space<vmem>> -> memref<1x8x128xi32, #tpu.memory_space<vmem>>
      %dma_wait3A_133 = tpu.memref_squeeze %dma_wait3A_132 : memref<1x8x128xi32, #tpu.memory_space<vmem>> -> memref<8x128xi32, #tpu.memory_space<vmem>>
      %dma_wait3A_134 = arith.constant 0 : i32
      %dma_wait3A_135 = tpu.memref_slice %arg9[%add3A_111, %dma_wait3A_134] : memref<10240x128xi32, #tpu.memory_space<vmem_shared>> -> memref<8x128xi32, #tpu.memory_space<vmem_shared>>
      tpu.wait_dma2 semaphore(%arg12 : memref<!tpu.dma_semaphore, #tpu.memory_space<semaphore_mem>>) src(%dma_wait3A_135 : memref<8x128xi32, #tpu.memory_space<vmem_shared>>) dst(%dma_wait3A_133 : memref<8x128xi32, #tpu.memory_space<vmem>>)
      %ge3A = arith.constant 2 : i32
      %ge3A_136 = arith.cmpi sge, %add3A_108, %ge3A : i32
      %convert_element_type3A = arith.extui %ge3A_136 : i1 to i32
      %cond3A = arith.constant 0 : i32
      %cond3A_137 = arith.cmpi ne, %convert_element_type3A, %cond3A : i32
      scf.if %cond3A_137 {
        %sub3A = arith.constant 2 : i32
        %sub3A_231 = arith.subi %add3A_108, %sub3A : i32
        %mul3A_232 = arith.constant 8 : i32
        %mul3A_233 = arith.muli %sub3A_231, %mul3A_232 : i32
        %add3A_234 = arith.addi %mul3A_2, %mul3A_233 : i32
        %dma_wait3A_235 = arith.constant 0 : i32
        %dma_wait3A_236 = arith.constant 0 : i32
        %dma_wait3A_237 = arith.constant 0 : i32
        %dma_wait3A_238 = tpu.memref_slice %arg8[%dma_wait3A_235, %dma_wait3A_236, %dma_wait3A_237] : memref<2x8x128xi32, #tpu.memory_space<vmem>> -> memref<1x8x128xi32, #tpu.memory_space<vmem>>
        %dma_wait3A_239 = tpu.memref_squeeze %dma_wait3A_238 : memref<1x8x128xi32, #tpu.memory_space<vmem>> -> memref<8x128xi32, #tpu.memory_space<vmem>>
        %dma_wait3A_240 = arith.constant 0 : i32
        %dma_wait3A_241 = tpu.memref_slice %arg4[%add3A_234, %dma_wait3A_240] : memref<10240x128xi32, #tpu.memory_space<hbm>> -> memref<8x128xi32, #tpu.memory_space<hbm>>
        %dma_wait3A_242 = arith.constant 0 : i32
        %dma_wait3A_243 = tpu.memref_slice %arg4[%add3A_234, %dma_wait3A_242] : memref<10240x128xi32, #tpu.memory_space<hbm>> -> memref<8x128xi32, #tpu.memory_space<hbm>>
        %dma_wait3A_244 = arith.constant 0 : i32
        %dma_wait3A_245 = arith.constant 0 : i32
        %dma_wait3A_246 = tpu.memref_slice %arg8[%dma_wait3A_235, %dma_wait3A_244, %dma_wait3A_245] : memref<2x8x128xi32, #tpu.memory_space<vmem>> -> memref<1x8x128xi32, #tpu.memory_space<vmem>>
        %dma_wait3A_247 = tpu.memref_squeeze %dma_wait3A_246 : memref<1x8x128xi32, #tpu.memory_space<vmem>> -> memref<8x128xi32, #tpu.memory_space<vmem>>
        tpu.wait_dma2 semaphore(%arg14 : memref<!tpu.dma_semaphore, #tpu.memory_space<semaphore_mem>>) src(%dma_wait3A_247 : memref<8x128xi32, #tpu.memory_space<vmem>>) dst(%dma_wait3A_243 : memref<8x128xi32, #tpu.memory_space<hbm>>)
      } else {
      }
      %scan3A_138 = arith.constant 0 : i32
      %scan3A_139 = arith.constant 0 : i32
      %scan3A_140 = arith.constant 64 : i32
      %scan3A_141 = arith.addi %scan3A_139, %scan3A_140 : i32
      %scan3A_142 = arith.constant 1 : i32
      scf.for %scan3A_231 = %scan3A_139 to %scan3A_141 step %scan3A_142  : i32 {
        %jit3A = arith.constant 8 : i32
        %div3A = arith.divsi %scan3A_231, %jit3A : i32
        %sign3A = arith.constant 0 : i32
        %sign3A_232 = arith.cmpi sgt, %scan3A_231, %sign3A : i32
        %sign3A_233 = arith.extui %sign3A_232 : i1 to i32
        %sign3A_234 = arith.constant 0 : i32
        %sign3A_235 = arith.cmpi slt, %scan3A_231, %sign3A_234 : i32
        %sign3A_236 = arith.extui %sign3A_235 : i1 to i32
        %sign3A_237 = arith.subi %sign3A_233, %sign3A_236 : i32
        %sign3A_238 = arith.constant 0 : i32
        %sign3A_239 = arith.cmpi sgt, %jit3A, %sign3A_238 : i32
        %sign3A_240 = arith.extui %sign3A_239 : i1 to i32
        %sign3A_241 = arith.constant 0 : i32
        %sign3A_242 = arith.cmpi slt, %jit3A, %sign3A_241 : i32
        %sign3A_243 = arith.extui %sign3A_242 : i1 to i32
        %sign3A_244 = arith.subi %sign3A_240, %sign3A_243 : i32
        %ne3A = arith.cmpi ne, %sign3A_237, %sign3A_244 : i32
        %rem3A = arith.remsi %scan3A_231, %jit3A : i32
        %ne3A_245 = arith.constant 0 : i32
        %ne3A_246 = arith.cmpi ne, %rem3A, %ne3A_245 : i32
        %and3A = arith.andi %ne3A, %ne3A_246 : i1
        %sub3A = arith.constant 1 : i32
        %sub3A_247 = arith.subi %div3A, %sub3A : i32
        %select_n3A = arith.select %and3A, %sub3A_247, %div3A : i32
        %jit3A_248 = arith.constant 8 : i32
        %eq3A = arith.constant 0 : i32
        %eq3A_249 = arith.cmpi eq, %jit3A_248, %eq3A : i32
        %jit3A_250 = arith.constant 1 : i32
        %select_n3A_251 = arith.select %eq3A_249, %jit3A_250, %jit3A_248 : i32
        %rem3A_252 = arith.remsi %scan3A_231, %select_n3A_251 : i32
        %ne3A_253 = arith.constant 0 : i32
        %ne3A_254 = arith.cmpi ne, %rem3A_252, %ne3A_253 : i32
        %lt3A_255 = arith.constant 0 : i32
        %lt3A_256 = arith.cmpi slt, %rem3A_252, %lt3A_255 : i32
        %lt3A_257 = arith.constant 0 : i32
        %lt3A_258 = arith.cmpi slt, %select_n3A_251, %lt3A_257 : i32
        %ne3A_259 = arith.xori %lt3A_256, %lt3A_258 : i1
        %and3A_260 = arith.andi %ne3A_259, %ne3A_254 : i1
        %add3A_261 = arith.addi %rem3A_252, %select_n3A_251 : i32
        %select_n3A_262 = arith.select %and3A_260, %add3A_261, %rem3A_252 : i32
        %mul3A_263 = arith.constant 16 : i32
        %mul3A_264 = arith.muli %select_n3A_262, %mul3A_263 : i32
        %get3A = arith.constant 0 : i32
        %get3A_265 = arith.index_cast %get3A : i32 to index
        %get3A_266 = arith.index_cast %select_n3A : i32 to index
        %get3A_267 = arith.index_cast %mul3A_264 : i32 to index
        %get3A_268 = tpu.vector_load %arg7[%get3A_265, %get3A_266, %get3A_267] {strides = array<i32>} : memref<2x8x128xi32, #tpu.memory_space<vmem>>, vector<1x1x16xi32>,
        %get3A_269 = vector.shape_cast %get3A_268 : vector<1x1x16xi32> to vector<16xi32>
        %mul3A_270 = arith.constant 16 : i32
        %mul3A_271 = arith.muli %select_n3A, %mul3A_270 : i32
        %add3A_272 = arith.constant 0 : i32
        %add3A_273 = arith.addi %mul3A_271, %add3A_272 : i32
        %get3A_274 = arith.constant 0 : i32
        %get3A_275 = arith.index_cast %get3A_274 : i32 to index
        %get3A_276 = arith.index_cast %add3A_273 : i32 to index
        %get3A_277 = arith.index_cast %mul3A_264 : i32 to index
        %get3A_278 = tpu.vector_load %arg6[%get3A_275, %get3A_276, %get3A_277] {strides = array<i32>} : memref<2x128x128xi32, #tpu.memory_space<vmem>>, vector<1x1x16xi32>,
        %get3A_279 = vector.shape_cast %get3A_278 : vector<1x1x16xi32> to vector<16xi32>
        %mul3A_280 = arith.constant 16 : i32
        %mul3A_281 = arith.muli %select_n3A, %mul3A_280 : i32
        %add3A_282 = arith.constant 1 : i32
        %add3A_283 = arith.addi %mul3A_281, %add3A_282 : i32
        %get3A_284 = arith.constant 0 : i32
        %get3A_285 = arith.index_cast %get3A_284 : i32 to index
        %get3A_286 = arith.index_cast %add3A_283 : i32 to index
        %get3A_287 = arith.index_cast %mul3A_264 : i32 to index
        %get3A_288 = tpu.vector_load %arg6[%get3A_285, %get3A_286, %get3A_287] {strides = array<i32>} : memref<2x128x128xi32, #tpu.memory_space<vmem>>, vector<1x1x16xi32>,
        %get3A_289 = vector.shape_cast %get3A_288 : vector<1x1x16xi32> to vector<16xi32>
        %mul3A_290 = arith.constant 16 : i32
        %mul3A_291 = arith.muli %select_n3A, %mul3A_290 : i32
        %add3A_292 = arith.constant 2 : i32
        %add3A_293 = arith.addi %mul3A_291, %add3A_292 : i32
        %get3A_294 = arith.constant 0 : i32
        %get3A_295 = arith.index_cast %get3A_294 : i32 to index
        %get3A_296 = arith.index_cast %add3A_293 : i32 to index
        %get3A_297 = arith.index_cast %mul3A_264 : i32 to index
        %get3A_298 = tpu.vector_load %arg6[%get3A_295, %get3A_296, %get3A_297] {strides = array<i32>} : memref<2x128x128xi32, #tpu.memory_space<vmem>>, vector<1x1x16xi32>,
        %get3A_299 = vector.shape_cast %get3A_298 : vector<1x1x16xi32> to vector<16xi32>
        %mul3A_300 = arith.constant 16 : i32
        %mul3A_301 = arith.muli %select_n3A, %mul3A_300 : i32
        %add3A_302 = arith.constant 3 : i32
        %add3A_303 = arith.addi %mul3A_301, %add3A_302 : i32
        %get3A_304 = arith.constant 0 : i32
        %get3A_305 = arith.index_cast %get3A_304 : i32 to index
        %get3A_306 = arith.index_cast %add3A_303 : i32 to index
        %get3A_307 = arith.index_cast %mul3A_264 : i32 to index
        %get3A_308 = tpu.vector_load %arg6[%get3A_305, %get3A_306, %get3A_307] {strides = array<i32>} : memref<2x128x128xi32, #tpu.memory_space<vmem>>, vector<1x1x16xi32>,
        %get3A_309 = vector.shape_cast %get3A_308 : vector<1x1x16xi32> to vector<16xi32>
        %mul3A_310 = arith.constant 16 : i32
        %mul3A_311 = arith.muli %select_n3A, %mul3A_310 : i32
        %add3A_312 = arith.constant 4 : i32
        %add3A_313 = arith.addi %mul3A_311, %add3A_312 : i32
        %get3A_314 = arith.constant 0 : i32
        %get3A_315 = arith.index_cast %get3A_314 : i32 to index
        %get3A_316 = arith.index_cast %add3A_313 : i32 to index
        %get3A_317 = arith.index_cast %mul3A_264 : i32 to index
        %get3A_318 = tpu.vector_load %arg6[%get3A_315, %get3A_316, %get3A_317] {strides = array<i32>} : memref<2x128x128xi32, #tpu.memory_space<vmem>>, vector<1x1x16xi32>,
        %get3A_319 = vector.shape_cast %get3A_318 : vector<1x1x16xi32> to vector<16xi32>
        %mul3A_320 = arith.constant 16 : i32
        %mul3A_321 = arith.muli %select_n3A, %mul3A_320 : i32
        %add3A_322 = arith.constant 5 : i32
        %add3A_323 = arith.addi %mul3A_321, %add3A_322 : i32
        %get3A_324 = arith.constant 0 : i32
        %get3A_325 = arith.index_cast %get3A_324 : i32 to index
        %get3A_326 = arith.index_cast %add3A_323 : i32 to index
        %get3A_327 = arith.index_cast %mul3A_264 : i32 to index
        %get3A_328 = tpu.vector_load %arg6[%get3A_325, %get3A_326, %get3A_327] {strides = array<i32>} : memref<2x128x128xi32, #tpu.memory_space<vmem>>, vector<1x1x16xi32>,
        %get3A_329 = vector.shape_cast %get3A_328 : vector<1x1x16xi32> to vector<16xi32>
        %mul3A_330 = arith.constant 16 : i32
        %mul3A_331 = arith.muli %select_n3A, %mul3A_330 : i32
        %add3A_332 = arith.constant 6 : i32
        %add3A_333 = arith.addi %mul3A_331, %add3A_332 : i32
        %get3A_334 = arith.constant 0 : i32
        %get3A_335 = arith.index_cast %get3A_334 : i32 to index
        %get3A_336 = arith.index_cast %add3A_333 : i32 to index
        %get3A_337 = arith.index_cast %mul3A_264 : i32 to index
        %get3A_338 = tpu.vector_load %arg6[%get3A_335, %get3A_336, %get3A_337] {strides = array<i32>} : memref<2x128x128xi32, #tpu.memory_space<vmem>>, vector<1x1x16xi32>,
        %get3A_339 = vector.shape_cast %get3A_338 : vector<1x1x16xi32> to vector<16xi32>
        %mul3A_340 = arith.constant 16 : i32
        %mul3A_341 = arith.muli %select_n3A, %mul3A_340 : i32
        %add3A_342 = arith.constant 7 : i32
        %add3A_343 = arith.addi %mul3A_341, %add3A_342 : i32
        %get3A_344 = arith.constant 0 : i32
        %get3A_345 = arith.index_cast %get3A_344 : i32 to index
        %get3A_346 = arith.index_cast %add3A_343 : i32 to index
        %get3A_347 = arith.index_cast %mul3A_264 : i32 to index
        %get3A_348 = tpu.vector_load %arg6[%get3A_345, %get3A_346, %get3A_347] {strides = array<i32>} : memref<2x128x128xi32, #tpu.memory_space<vmem>>, vector<1x1x16xi32>,
        %get3A_349 = vector.shape_cast %get3A_348 : vector<1x1x16xi32> to vector<16xi32>
        %mul3A_350 = arith.constant 16 : i32
        %mul3A_351 = arith.muli %select_n3A, %mul3A_350 : i32
        %add3A_352 = arith.constant 8 : i32
        %add3A_353 = arith.addi %mul3A_351, %add3A_352 : i32
        %get3A_354 = arith.constant 0 : i32
        %get3A_355 = arith.index_cast %get3A_354 : i32 to index
        %get3A_356 = arith.index_cast %add3A_353 : i32 to index
        %get3A_357 = arith.index_cast %mul3A_264 : i32 to index
        %get3A_358 = tpu.vector_load %arg6[%get3A_355, %get3A_356, %get3A_357] {strides = array<i32>} : memref<2x128x128xi32, #tpu.memory_space<vmem>>, vector<1x1x16xi32>,
        %get3A_359 = vector.shape_cast %get3A_358 : vector<1x1x16xi32> to vector<16xi32>
        %mul3A_360 = arith.constant 16 : i32
        %mul3A_361 = arith.muli %select_n3A, %mul3A_360 : i32
        %add3A_362 = arith.constant 9 : i32
        %add3A_363 = arith.addi %mul3A_361, %add3A_362 : i32
        %get3A_364 = arith.constant 0 : i32
        %get3A_365 = arith.index_cast %get3A_364 : i32 to index
        %get3A_366 = arith.index_cast %add3A_363 : i32 to index
        %get3A_367 = arith.index_cast %mul3A_264 : i32 to index
        %get3A_368 = tpu.vector_load %arg6[%get3A_365, %get3A_366, %get3A_367] {strides = array<i32>} : memref<2x128x128xi32, #tpu.memory_space<vmem>>, vector<1x1x16xi32>,
        %get3A_369 = vector.shape_cast %get3A_368 : vector<1x1x16xi32> to vector<16xi32>
        %mul3A_370 = arith.constant 16 : i32
        %mul3A_371 = arith.muli %select_n3A, %mul3A_370 : i32
        %add3A_372 = arith.constant 10 : i32
        %add3A_373 = arith.addi %mul3A_371, %add3A_372 : i32
        %get3A_374 = arith.constant 0 : i32
        %get3A_375 = arith.index_cast %get3A_374 : i32 to index
        %get3A_376 = arith.index_cast %add3A_373 : i32 to index
        %get3A_377 = arith.index_cast %mul3A_264 : i32 to index
        %get3A_378 = tpu.vector_load %arg6[%get3A_375, %get3A_376, %get3A_377] {strides = array<i32>} : memref<2x128x128xi32, #tpu.memory_space<vmem>>, vector<1x1x16xi32>,
        %get3A_379 = vector.shape_cast %get3A_378 : vector<1x1x16xi32> to vector<16xi32>
        %mul3A_380 = arith.constant 16 : i32
        %mul3A_381 = arith.muli %select_n3A, %mul3A_380 : i32
        %add3A_382 = arith.constant 11 : i32
        %add3A_383 = arith.addi %mul3A_381, %add3A_382 : i32
        %get3A_384 = arith.constant 0 : i32
        %get3A_385 = arith.index_cast %get3A_384 : i32 to index
        %get3A_386 = arith.index_cast %add3A_383 : i32 to index
        %get3A_387 = arith.index_cast %mul3A_264 : i32 to index
        %get3A_388 = tpu.vector_load %arg6[%get3A_385, %get3A_386, %get3A_387] {strides = array<i32>} : memref<2x128x128xi32, #tpu.memory_space<vmem>>, vector<1x1x16xi32>,
        %get3A_389 = vector.shape_cast %get3A_388 : vector<1x1x16xi32> to vector<16xi32>
        %mul3A_390 = arith.constant 16 : i32
        %mul3A_391 = arith.muli %select_n3A, %mul3A_390 : i32
        %add3A_392 = arith.constant 12 : i32
        %add3A_393 = arith.addi %mul3A_391, %add3A_392 : i32
        %get3A_394 = arith.constant 0 : i32
        %get3A_395 = arith.index_cast %get3A_394 : i32 to index
        %get3A_396 = arith.index_cast %add3A_393 : i32 to index
        %get3A_397 = arith.index_cast %mul3A_264 : i32 to index
        %get3A_398 = tpu.vector_load %arg6[%get3A_395, %get3A_396, %get3A_397] {strides = array<i32>} : memref<2x128x128xi32, #tpu.memory_space<vmem>>, vector<1x1x16xi32>,
        %get3A_399 = vector.shape_cast %get3A_398 : vector<1x1x16xi32> to vector<16xi32>
        %mul3A_400 = arith.constant 16 : i32
        %mul3A_401 = arith.muli %select_n3A, %mul3A_400 : i32
        %add3A_402 = arith.constant 13 : i32
        %add3A_403 = arith.addi %mul3A_401, %add3A_402 : i32
        %get3A_404 = arith.constant 0 : i32
        %get3A_405 = arith.index_cast %get3A_404 : i32 to index
        %get3A_406 = arith.index_cast %add3A_403 : i32 to index
        %get3A_407 = arith.index_cast %mul3A_264 : i32 to index
        %get3A_408 = tpu.vector_load %arg6[%get3A_405, %get3A_406, %get3A_407] {strides = array<i32>} : memref<2x128x128xi32, #tpu.memory_space<vmem>>, vector<1x1x16xi32>,
        %get3A_409 = vector.shape_cast %get3A_408 : vector<1x1x16xi32> to vector<16xi32>
        %mul3A_410 = arith.constant 16 : i32
        %mul3A_411 = arith.muli %select_n3A, %mul3A_410 : i32
        %add3A_412 = arith.constant 14 : i32
        %add3A_413 = arith.addi %mul3A_411, %add3A_412 : i32
        %get3A_414 = arith.constant 0 : i32
        %get3A_415 = arith.index_cast %get3A_414 : i32 to index
        %get3A_416 = arith.index_cast %add3A_413 : i32 to index
        %get3A_417 = arith.index_cast %mul3A_264 : i32 to index
        %get3A_418 = tpu.vector_load %arg6[%get3A_415, %get3A_416, %get3A_417] {strides = array<i32>} : memref<2x128x128xi32, #tpu.memory_space<vmem>>, vector<1x1x16xi32>,
        %get3A_419 = vector.shape_cast %get3A_418 : vector<1x1x16xi32> to vector<16xi32>
        %mul3A_420 = arith.constant 16 : i32
        %mul3A_421 = arith.muli %select_n3A, %mul3A_420 : i32
        %add3A_422 = arith.constant 15 : i32
        %add3A_423 = arith.addi %mul3A_421, %add3A_422 : i32
        %get3A_424 = arith.constant 0 : i32
        %get3A_425 = arith.index_cast %get3A_424 : i32 to index
        %get3A_426 = arith.index_cast %add3A_423 : i32 to index
        %get3A_427 = arith.index_cast %mul3A_264 : i32 to index
        %get3A_428 = tpu.vector_load %arg6[%get3A_425, %get3A_426, %get3A_427] {strides = array<i32>} : memref<2x128x128xi32, #tpu.memory_space<vmem>>, vector<1x1x16xi32>,
        %get3A_429 = vector.shape_cast %get3A_428 : vector<1x1x16xi32> to vector<16xi32>
        %shift_left3A = arith.constant 16 : i32
        %shift_left3A_430 = vector.broadcast %shift_left3A : i32 to vector<16xi32>
        %shift_left3A_431 = arith.shli %get3A_269, %shift_left3A_430 : vector<16xi32>
        %bitcast_convert_type3A = tpu.bitcast %shift_left3A_431 : vector<16xi32> -> vector<16xf32>
        %shift_left3A_432 = arith.constant 16 : i32
        %shift_left3A_433 = vector.broadcast %shift_left3A_432 : i32 to vector<16xi32>
        %shift_left3A_434 = arith.shli %get3A_279, %shift_left3A_433 : vector<16xi32>
        %bitcast_convert_type3A_435 = tpu.bitcast %shift_left3A_434 : vector<16xi32> -> vector<16xf32>
        %shift_left3A_436 = arith.constant 16 : i32
        %shift_left3A_437 = vector.broadcast %shift_left3A_436 : i32 to vector<16xi32>
        %shift_left3A_438 = arith.shli %get3A_289, %shift_left3A_437 : vector<16xi32>
        %bitcast_convert_type3A_439 = tpu.bitcast %shift_left3A_438 : vector<16xi32> -> vector<16xf32>
        %shift_left3A_440 = arith.constant 16 : i32
        %shift_left3A_441 = vector.broadcast %shift_left3A_440 : i32 to vector<16xi32>
        %shift_left3A_442 = arith.shli %get3A_299, %shift_left3A_441 : vector<16xi32>
        %bitcast_convert_type3A_443 = tpu.bitcast %shift_left3A_442 : vector<16xi32> -> vector<16xf32>
        %shift_left3A_444 = arith.constant 16 : i32
        %shift_left3A_445 = vector.broadcast %shift_left3A_444 : i32 to vector<16xi32>
        %shift_left3A_446 = arith.shli %get3A_309, %shift_left3A_445 : vector<16xi32>
        %bitcast_convert_type3A_447 = tpu.bitcast %shift_left3A_446 : vector<16xi32> -> vector<16xf32>
        %shift_left3A_448 = arith.constant 16 : i32
        %shift_left3A_449 = vector.broadcast %shift_left3A_448 : i32 to vector<16xi32>
        %shift_left3A_450 = arith.shli %get3A_319, %shift_left3A_449 : vector<16xi32>
        %bitcast_convert_type3A_451 = tpu.bitcast %shift_left3A_450 : vector<16xi32> -> vector<16xf32>
        %shift_left3A_452 = arith.constant 16 : i32
        %shift_left3A_453 = vector.broadcast %shift_left3A_452 : i32 to vector<16xi32>
        %shift_left3A_454 = arith.shli %get3A_329, %shift_left3A_453 : vector<16xi32>
        %bitcast_convert_type3A_455 = tpu.bitcast %shift_left3A_454 : vector<16xi32> -> vector<16xf32>
        %shift_left3A_456 = arith.constant 16 : i32
        %shift_left3A_457 = vector.broadcast %shift_left3A_456 : i32 to vector<16xi32>
        %shift_left3A_458 = arith.shli %get3A_339, %shift_left3A_457 : vector<16xi32>
        %bitcast_convert_type3A_459 = tpu.bitcast %shift_left3A_458 : vector<16xi32> -> vector<16xf32>
        %shift_left3A_460 = arith.constant 16 : i32
        %shift_left3A_461 = vector.broadcast %shift_left3A_460 : i32 to vector<16xi32>
        %shift_left3A_462 = arith.shli %get3A_349, %shift_left3A_461 : vector<16xi32>
        %bitcast_convert_type3A_463 = tpu.bitcast %shift_left3A_462 : vector<16xi32> -> vector<16xf32>
        %shift_left3A_464 = arith.constant 16 : i32
        %shift_left3A_465 = vector.broadcast %shift_left3A_464 : i32 to vector<16xi32>
        %shift_left3A_466 = arith.shli %get3A_359, %shift_left3A_465 : vector<16xi32>
        %bitcast_convert_type3A_467 = tpu.bitcast %shift_left3A_466 : vector<16xi32> -> vector<16xf32>
        %shift_left3A_468 = arith.constant 16 : i32
        %shift_left3A_469 = vector.broadcast %shift_left3A_468 : i32 to vector<16xi32>
        %shift_left3A_470 = arith.shli %get3A_369, %shift_left3A_469 : vector<16xi32>
        %bitcast_convert_type3A_471 = tpu.bitcast %shift_left3A_470 : vector<16xi32> -> vector<16xf32>
        %shift_left3A_472 = arith.constant 16 : i32
        %shift_left3A_473 = vector.broadcast %shift_left3A_472 : i32 to vector<16xi32>
        %shift_left3A_474 = arith.shli %get3A_379, %shift_left3A_473 : vector<16xi32>
        %bitcast_convert_type3A_475 = tpu.bitcast %shift_left3A_474 : vector<16xi32> -> vector<16xf32>
        %shift_left3A_476 = arith.constant 16 : i32
        %shift_left3A_477 = vector.broadcast %shift_left3A_476 : i32 to vector<16xi32>
        %shift_left3A_478 = arith.shli %get3A_389, %shift_left3A_477 : vector<16xi32>
        %bitcast_convert_type3A_479 = tpu.bitcast %shift_left3A_478 : vector<16xi32> -> vector<16xf32>
        %shift_left3A_480 = arith.constant 16 : i32
        %shift_left3A_481 = vector.broadcast %shift_left3A_480 : i32 to vector<16xi32>
        %shift_left3A_482 = arith.shli %get3A_399, %shift_left3A_481 : vector<16xi32>
        %bitcast_convert_type3A_483 = tpu.bitcast %shift_left3A_482 : vector<16xi32> -> vector<16xf32>
        %shift_left3A_484 = arith.constant 16 : i32
        %shift_left3A_485 = vector.broadcast %shift_left3A_484 : i32 to vector<16xi32>
        %shift_left3A_486 = arith.shli %get3A_409, %shift_left3A_485 : vector<16xi32>
        %bitcast_convert_type3A_487 = tpu.bitcast %shift_left3A_486 : vector<16xi32> -> vector<16xf32>
        %shift_left3A_488 = arith.constant 16 : i32
        %shift_left3A_489 = vector.broadcast %shift_left3A_488 : i32 to vector<16xi32>
        %shift_left3A_490 = arith.shli %get3A_419, %shift_left3A_489 : vector<16xi32>
        %bitcast_convert_type3A_491 = tpu.bitcast %shift_left3A_490 : vector<16xi32> -> vector<16xf32>
        %shift_left3A_492 = arith.constant 16 : i32
        %shift_left3A_493 = vector.broadcast %shift_left3A_492 : i32 to vector<16xi32>
        %shift_left3A_494 = arith.shli %get3A_429, %shift_left3A_493 : vector<16xi32>
        %bitcast_convert_type3A_495 = tpu.bitcast %shift_left3A_494 : vector<16xi32> -> vector<16xf32>
        %min3A = arith.minimumf %bitcast_convert_type3A_435, %bitcast_convert_type3A_439 : vector<16xf32>
        %max3A = arith.maximumf %bitcast_convert_type3A_435, %bitcast_convert_type3A_439 : vector<16xf32>
        %min3A_496 = arith.minimumf %bitcast_convert_type3A_443, %bitcast_convert_type3A_447 : vector<16xf32>
        %max3A_497 = arith.maximumf %bitcast_convert_type3A_443, %bitcast_convert_type3A_447 : vector<16xf32>
        %min3A_498 = arith.minimumf %bitcast_convert_type3A_451, %bitcast_convert_type3A_455 : vector<16xf32>
        %max3A_499 = arith.maximumf %bitcast_convert_type3A_451, %bitcast_convert_type3A_455 : vector<16xf32>
        %min3A_500 = arith.minimumf %bitcast_convert_type3A_459, %bitcast_convert_type3A_463 : vector<16xf32>
        %max3A_501 = arith.maximumf %bitcast_convert_type3A_459, %bitcast_convert_type3A_463 : vector<16xf32>
        %min3A_502 = arith.minimumf %bitcast_convert_type3A_467, %bitcast_convert_type3A_471 : vector<16xf32>
        %max3A_503 = arith.maximumf %bitcast_convert_type3A_467, %bitcast_convert_type3A_471 : vector<16xf32>
        %min3A_504 = arith.minimumf %bitcast_convert_type3A_475, %bitcast_convert_type3A_479 : vector<16xf32>
        %max3A_505 = arith.maximumf %bitcast_convert_type3A_475, %bitcast_convert_type3A_479 : vector<16xf32>
        %min3A_506 = arith.minimumf %bitcast_convert_type3A_483, %bitcast_convert_type3A_487 : vector<16xf32>
        %max3A_507 = arith.maximumf %bitcast_convert_type3A_483, %bitcast_convert_type3A_487 : vector<16xf32>
        %min3A_508 = arith.minimumf %bitcast_convert_type3A_491, %bitcast_convert_type3A_495 : vector<16xf32>
        %max3A_509 = arith.maximumf %bitcast_convert_type3A_491, %bitcast_convert_type3A_495 : vector<16xf32>
        %min3A_510 = arith.minimumf %min3A, %min3A_496 : vector<16xf32>
        %max3A_511 = arith.maximumf %min3A, %min3A_496 : vector<16xf32>
        %min3A_512 = arith.minimumf %max3A, %max3A_497 : vector<16xf32>
        %max3A_513 = arith.maximumf %max3A, %max3A_497 : vector<16xf32>
        %min3A_514 = arith.minimumf %min3A_498, %min3A_500 : vector<16xf32>
        %max3A_515 = arith.maximumf %min3A_498, %min3A_500 : vector<16xf32>
        %min3A_516 = arith.minimumf %max3A_499, %max3A_501 : vector<16xf32>
        %max3A_517 = arith.maximumf %max3A_499, %max3A_501 : vector<16xf32>
        %min3A_518 = arith.minimumf %min3A_502, %min3A_504 : vector<16xf32>
        %max3A_519 = arith.maximumf %min3A_502, %min3A_504 : vector<16xf32>
        %min3A_520 = arith.minimumf %max3A_503, %max3A_505 : vector<16xf32>
        %max3A_521 = arith.maximumf %max3A_503, %max3A_505 : vector<16xf32>
        %min3A_522 = arith.minimumf %min3A_506, %min3A_508 : vector<16xf32>
        %max3A_523 = arith.maximumf %min3A_506, %min3A_508 : vector<16xf32>
        %min3A_524 = arith.minimumf %max3A_507, %max3A_509 : vector<16xf32>
        %max3A_525 = arith.maximumf %max3A_507, %max3A_509 : vector<16xf32>
        %min3A_526 = arith.minimumf %min3A_512, %max3A_511 : vector<16xf32>
        %max3A_527 = arith.maximumf %min3A_512, %max3A_511 : vector<16xf32>
        %min3A_528 = arith.minimumf %min3A_516, %max3A_515 : vector<16xf32>
        %max3A_529 = arith.maximumf %min3A_516, %max3A_515 : vector<16xf32>
        %min3A_530 = arith.minimumf %min3A_520, %max3A_519 : vector<16xf32>
        %max3A_531 = arith.maximumf %min3A_520, %max3A_519 : vector<16xf32>
        %min3A_532 = arith.minimumf %min3A_524, %max3A_523 : vector<16xf32>
        %max3A_533 = arith.maximumf %min3A_524, %max3A_523 : vector<16xf32>
        %min3A_534 = arith.minimumf %min3A_510, %min3A_514 : vector<16xf32>
        %max3A_535 = arith.maximumf %min3A_510, %min3A_514 : vector<16xf32>
        %min3A_536 = arith.minimumf %min3A_526, %min3A_528 : vector<16xf32>
        %max3A_537 = arith.maximumf %min3A_526, %min3A_528 : vector<16xf32>
        %min3A_538 = arith.minimumf %max3A_527, %max3A_529 : vector<16xf32>
        %max3A_539 = arith.maximumf %max3A_527, %max3A_529 : vector<16xf32>
        %min3A_540 = arith.minimumf %max3A_513, %max3A_517 : vector<16xf32>
        %max3A_541 = arith.maximumf %max3A_513, %max3A_517 : vector<16xf32>
        %min3A_542 = arith.minimumf %min3A_518, %min3A_522 : vector<16xf32>
        %max3A_543 = arith.maximumf %min3A_518, %min3A_522 : vector<16xf32>
        %min3A_544 = arith.minimumf %min3A_530, %min3A_532 : vector<16xf32>
        %max3A_545 = arith.maximumf %min3A_530, %min3A_532 : vector<16xf32>
        %min3A_546 = arith.minimumf %max3A_531, %max3A_533 : vector<16xf32>
        %max3A_547 = arith.maximumf %max3A_531, %max3A_533 : vector<16xf32>
        %min3A_548 = arith.minimumf %max3A_521, %max3A_525 : vector<16xf32>
        %max3A_549 = arith.maximumf %max3A_521, %max3A_525 : vector<16xf32>
        %min3A_550 = arith.minimumf %min3A_538, %max3A_535 : vector<16xf32>
        %max3A_551 = arith.maximumf %min3A_538, %max3A_535 : vector<16xf32>
        %min3A_552 = arith.minimumf %min3A_540, %max3A_537 : vector<16xf32>
        %max3A_553 = arith.maximumf %min3A_540, %max3A_537 : vector<16xf32>
        %min3A_554 = arith.minimumf %min3A_546, %max3A_543 : vector<16xf32>
        %max3A_555 = arith.maximumf %min3A_546, %max3A_543 : vector<16xf32>
        %min3A_556 = arith.minimumf %min3A_548, %max3A_545 : vector<16xf32>
        %max3A_557 = arith.maximumf %min3A_548, %max3A_545 : vector<16xf32>
        %min3A_558 = arith.minimumf %min3A_536, %min3A_550 : vector<16xf32>
        %max3A_559 = arith.maximumf %min3A_536, %min3A_550 : vector<16xf32>
        %min3A_560 = arith.minimumf %min3A_552, %max3A_551 : vector<16xf32>
        %max3A_561 = arith.maximumf %min3A_552, %max3A_551 : vector<16xf32>
        %min3A_562 = arith.minimumf %max3A_553, %max3A_539 : vector<16xf32>
        %max3A_563 = arith.maximumf %max3A_553, %max3A_539 : vector<16xf32>
        %min3A_564 = arith.minimumf %min3A_544, %min3A_554 : vector<16xf32>
        %max3A_565 = arith.maximumf %min3A_544, %min3A_554 : vector<16xf32>
        %min3A_566 = arith.minimumf %min3A_556, %max3A_555 : vector<16xf32>
        %max3A_567 = arith.maximumf %min3A_556, %max3A_555 : vector<16xf32>
        %min3A_568 = arith.minimumf %max3A_557, %max3A_547 : vector<16xf32>
        %max3A_569 = arith.maximumf %max3A_557, %max3A_547 : vector<16xf32>
        %max3A_570 = arith.maximumf %min3A_534, %min3A_542 : vector<16xf32>
        %max3A_571 = arith.maximumf %min3A_558, %min3A_564 : vector<16xf32>
        %max3A_572 = arith.maximumf %max3A_559, %max3A_565 : vector<16xf32>
        %max3A_573 = arith.maximumf %min3A_560, %min3A_566 : vector<16xf32>
        %min3A_574 = arith.minimumf %max3A_561, %max3A_567 : vector<16xf32>
        %min3A_575 = arith.minimumf %min3A_562, %min3A_568 : vector<16xf32>
        %min3A_576 = arith.minimumf %max3A_563, %max3A_569 : vector<16xf32>
        %min3A_577 = arith.minimumf %max3A_541, %max3A_549 : vector<16xf32>
        %max3A_578 = arith.maximumf %min3A_574, %max3A_570 : vector<16xf32>
        %max3A_579 = arith.maximumf %min3A_575, %max3A_571 : vector<16xf32>
        %min3A_580 = arith.minimumf %min3A_576, %max3A_572 : vector<16xf32>
        %min3A_581 = arith.minimumf %min3A_577, %max3A_573 : vector<16xf32>
        %max3A_582 = arith.maximumf %min3A_580, %max3A_578 : vector<16xf32>
        %min3A_583 = arith.minimumf %min3A_581, %max3A_579 : vector<16xf32>
        %min3A_584 = arith.minimumf %min3A_583, %max3A_582 : vector<16xf32>
        %max3A_585 = arith.maximumf %min3A_583, %max3A_582 : vector<16xf32>
        %min3A_586 = arith.minimumf %bitcast_convert_type3A, %max3A_585 : vector<16xf32>
        %max3A_587 = arith.maximumf %min3A_584, %min3A_586 : vector<16xf32>
        %bitcast_convert_type3A_588 = tpu.bitcast %get3A_269 : vector<16xi32> -> vector<16xf32>
        %bitcast_convert_type3A_589 = tpu.bitcast %get3A_279 : vector<16xi32> -> vector<16xf32>
        %bitcast_convert_type3A_590 = tpu.bitcast %get3A_289 : vector<16xi32> -> vector<16xf32>
        %bitcast_convert_type3A_591 = tpu.bitcast %get3A_299 : vector<16xi32> -> vector<16xf32>
        %bitcast_convert_type3A_592 = tpu.bitcast %get3A_309 : vector<16xi32> -> vector<16xf32>
        %bitcast_convert_type3A_593 = tpu.bitcast %get3A_319 : vector<16xi32> -> vector<16xf32>
        %bitcast_convert_type3A_594 = tpu.bitcast %get3A_329 : vector<16xi32> -> vector<16xf32>
        %bitcast_convert_type3A_595 = tpu.bitcast %get3A_339 : vector<16xi32> -> vector<16xf32>
        %bitcast_convert_type3A_596 = tpu.bitcast %get3A_349 : vector<16xi32> -> vector<16xf32>
        %bitcast_convert_type3A_597 = tpu.bitcast %get3A_359 : vector<16xi32> -> vector<16xf32>
        %bitcast_convert_type3A_598 = tpu.bitcast %get3A_369 : vector<16xi32> -> vector<16xf32>
        %bitcast_convert_type3A_599 = tpu.bitcast %get3A_379 : vector<16xi32> -> vector<16xf32>
        %bitcast_convert_type3A_600 = tpu.bitcast %get3A_389 : vector<16xi32> -> vector<16xf32>
        %bitcast_convert_type3A_601 = tpu.bitcast %get3A_399 : vector<16xi32> -> vector<16xf32>
        %bitcast_convert_type3A_602 = tpu.bitcast %get3A_409 : vector<16xi32> -> vector<16xf32>
        %bitcast_convert_type3A_603 = tpu.bitcast %get3A_419 : vector<16xi32> -> vector<16xf32>
        %bitcast_convert_type3A_604 = tpu.bitcast %get3A_429 : vector<16xi32> -> vector<16xf32>
        %min3A_605 = arith.minimumf %bitcast_convert_type3A_589, %bitcast_convert_type3A_590 : vector<16xf32>
        %max3A_606 = arith.maximumf %bitcast_convert_type3A_589, %bitcast_convert_type3A_590 : vector<16xf32>
        %min3A_607 = arith.minimumf %bitcast_convert_type3A_591, %bitcast_convert_type3A_592 : vector<16xf32>
        %max3A_608 = arith.maximumf %bitcast_convert_type3A_591, %bitcast_convert_type3A_592 : vector<16xf32>
        %min3A_609 = arith.minimumf %bitcast_convert_type3A_593, %bitcast_convert_type3A_594 : vector<16xf32>
        %max3A_610 = arith.maximumf %bitcast_convert_type3A_593, %bitcast_convert_type3A_594 : vector<16xf32>
        %min3A_611 = arith.minimumf %bitcast_convert_type3A_595, %bitcast_convert_type3A_596 : vector<16xf32>
        %max3A_612 = arith.maximumf %bitcast_convert_type3A_595, %bitcast_convert_type3A_596 : vector<16xf32>
        %min3A_613 = arith.minimumf %bitcast_convert_type3A_597, %bitcast_convert_type3A_598 : vector<16xf32>
        %max3A_614 = arith.maximumf %bitcast_convert_type3A_597, %bitcast_convert_type3A_598 : vector<16xf32>
        %min3A_615 = arith.minimumf %bitcast_convert_type3A_599, %bitcast_convert_type3A_600 : vector<16xf32>
        %max3A_616 = arith.maximumf %bitcast_convert_type3A_599, %bitcast_convert_type3A_600 : vector<16xf32>
        %min3A_617 = arith.minimumf %bitcast_convert_type3A_601, %bitcast_convert_type3A_602 : vector<16xf32>
        %max3A_618 = arith.maximumf %bitcast_convert_type3A_601, %bitcast_convert_type3A_602 : vector<16xf32>
        %min3A_619 = arith.minimumf %bitcast_convert_type3A_603, %bitcast_convert_type3A_604 : vector<16xf32>
        %max3A_620 = arith.maximumf %bitcast_convert_type3A_603, %bitcast_convert_type3A_604 : vector<16xf32>
        %min3A_621 = arith.minimumf %min3A_605, %min3A_607 : vector<16xf32>
        %max3A_622 = arith.maximumf %min3A_605, %min3A_607 : vector<16xf32>
        %min3A_623 = arith.minimumf %max3A_606, %max3A_608 : vector<16xf32>
        %max3A_624 = arith.maximumf %max3A_606, %max3A_608 : vector<16xf32>
        %min3A_625 = arith.minimumf %min3A_609, %min3A_611 : vector<16xf32>
        %max3A_626 = arith.maximumf %min3A_609, %min3A_611 : vector<16xf32>
        %min3A_627 = arith.minimumf %max3A_610, %max3A_612 : vector<16xf32>
        %max3A_628 = arith.maximumf %max3A_610, %max3A_612 : vector<16xf32>
        %min3A_629 = arith.minimumf %min3A_613, %min3A_615 : vector<16xf32>
        %max3A_630 = arith.maximumf %min3A_613, %min3A_615 : vector<16xf32>
        %min3A_631 = arith.minimumf %max3A_614, %max3A_616 : vector<16xf32>
        %max3A_632 = arith.maximumf %max3A_614, %max3A_616 : vector<16xf32>
        %min3A_633 = arith.minimumf %min3A_617, %min3A_619 : vector<16xf32>
        %max3A_634 = arith.maximumf %min3A_617, %min3A_619 : vector<16xf32>
        %min3A_635 = arith.minimumf %max3A_618, %max3A_620 : vector<16xf32>
        %max3A_636 = arith.maximumf %max3A_618, %max3A_620 : vector<16xf32>
        %min3A_637 = arith.minimumf %min3A_623, %max3A_622 : vector<16xf32>
        %max3A_638 = arith.maximumf %min3A_623, %max3A_622 : vector<16xf32>
        %min3A_639 = arith.minimumf %min3A_627, %max3A_626 : vector<16xf32>
        %max3A_640 = arith.maximumf %min3A_627, %max3A_626 : vector<16xf32>
        %min3A_641 = arith.minimumf %min3A_631, %max3A_630 : vector<16xf32>
        %max3A_642 = arith.maximumf %min3A_631, %max3A_630 : vector<16xf32>
        %min3A_643 = arith.minimumf %min3A_635, %max3A_634 : vector<16xf32>
        %max3A_644 = arith.maximumf %min3A_635, %max3A_634 : vector<16xf32>
        %min3A_645 = arith.minimumf %min3A_621, %min3A_625 : vector<16xf32>
        %max3A_646 = arith.maximumf %min3A_621, %min3A_625 : vector<16xf32>
        %min3A_647 = arith.minimumf %min3A_637, %min3A_639 : vector<16xf32>
        %max3A_648 = arith.maximumf %min3A_637, %min3A_639 : vector<16xf32>
        %min3A_649 = arith.minimumf %max3A_638, %max3A_640 : vector<16xf32>
        %max3A_650 = arith.maximumf %max3A_638, %max3A_640 : vector<16xf32>
        %min3A_651 = arith.minimumf %max3A_624, %max3A_628 : vector<16xf32>
        %max3A_652 = arith.maximumf %max3A_624, %max3A_628 : vector<16xf32>
        %min3A_653 = arith.minimumf %min3A_629, %min3A_633 : vector<16xf32>
        %max3A_654 = arith.maximumf %min3A_629, %min3A_633 : vector<16xf32>
        %min3A_655 = arith.minimumf %min3A_641, %min3A_643 : vector<16xf32>
        %max3A_656 = arith.maximumf %min3A_641, %min3A_643 : vector<16xf32>
        %min3A_657 = arith.minimumf %max3A_642, %max3A_644 : vector<16xf32>
        %max3A_658 = arith.maximumf %max3A_642, %max3A_644 : vector<16xf32>
        %min3A_659 = arith.minimumf %max3A_632, %max3A_636 : vector<16xf32>
        %max3A_660 = arith.maximumf %max3A_632, %max3A_636 : vector<16xf32>
        %min3A_661 = arith.minimumf %min3A_649, %max3A_646 : vector<16xf32>
        %max3A_662 = arith.maximumf %min3A_649, %max3A_646 : vector<16xf32>
        %min3A_663 = arith.minimumf %min3A_651, %max3A_648 : vector<16xf32>
        %max3A_664 = arith.maximumf %min3A_651, %max3A_648 : vector<16xf32>
        %min3A_665 = arith.minimumf %min3A_657, %max3A_654 : vector<16xf32>
        %max3A_666 = arith.maximumf %min3A_657, %max3A_654 : vector<16xf32>
        %min3A_667 = arith.minimumf %min3A_659, %max3A_656 : vector<16xf32>
        %max3A_668 = arith.maximumf %min3A_659, %max3A_656 : vector<16xf32>
        %min3A_669 = arith.minimumf %min3A_647, %min3A_661 : vector<16xf32>
        %max3A_670 = arith.maximumf %min3A_647, %min3A_661 : vector<16xf32>
        %min3A_671 = arith.minimumf %min3A_663, %max3A_662 : vector<16xf32>
        %max3A_672 = arith.maximumf %min3A_663, %max3A_662 : vector<16xf32>
        %min3A_673 = arith.minimumf %max3A_664, %max3A_650 : vector<16xf32>
        %max3A_674 = arith.maximumf %max3A_664, %max3A_650 : vector<16xf32>
        %min3A_675 = arith.minimumf %min3A_655, %min3A_665 : vector<16xf32>
        %max3A_676 = arith.maximumf %min3A_655, %min3A_665 : vector<16xf32>
        %min3A_677 = arith.minimumf %min3A_667, %max3A_666 : vector<16xf32>
        %max3A_678 = arith.maximumf %min3A_667, %max3A_666 : vector<16xf32>
        %min3A_679 = arith.minimumf %max3A_668, %max3A_658 : vector<16xf32>
        %max3A_680 = arith.maximumf %max3A_668, %max3A_658 : vector<16xf32>
        %max3A_681 = arith.maximumf %min3A_645, %min3A_653 : vector<16xf32>
        %max3A_682 = arith.maximumf %min3A_669, %min3A_675 : vector<16xf32>
        %max3A_683 = arith.maximumf %max3A_670, %max3A_676 : vector<16xf32>
        %max3A_684 = arith.maximumf %min3A_671, %min3A_677 : vector<16xf32>
        %min3A_685 = arith.minimumf %max3A_672, %max3A_678 : vector<16xf32>
        %min3A_686 = arith.minimumf %min3A_673, %min3A_679 : vector<16xf32>
        %min3A_687 = arith.minimumf %max3A_674, %max3A_680 : vector<16xf32>
        %min3A_688 = arith.minimumf %max3A_652, %max3A_660 : vector<16xf32>
        %max3A_689 = arith.maximumf %min3A_685, %max3A_681 : vector<16xf32>
        %max3A_690 = arith.maximumf %min3A_686, %max3A_682 : vector<16xf32>
        %min3A_691 = arith.minimumf %min3A_687, %max3A_683 : vector<16xf32>
        %min3A_692 = arith.minimumf %min3A_688, %max3A_684 : vector<16xf32>
        %max3A_693 = arith.maximumf %min3A_691, %max3A_689 : vector<16xf32>
        %min3A_694 = arith.minimumf %min3A_692, %max3A_690 : vector<16xf32>
        %min3A_695 = arith.minimumf %min3A_694, %max3A_693 : vector<16xf32>
        %max3A_696 = arith.maximumf %min3A_694, %max3A_693 : vector<16xf32>
        %min3A_697 = arith.minimumf %bitcast_convert_type3A_588, %max3A_696 : vector<16xf32>
        %max3A_698 = arith.maximumf %min3A_695, %min3A_697 : vector<16xf32>
        %max3A_699 = arith.constant 0.000000e+00 : f32
        %max3A_700 = vector.broadcast %max3A_699 : f32 to vector<16xf32>
        %max3A_701 = arith.maximumf %max3A_587, %max3A_700 : vector<16xf32>
        %max3A_702 = arith.constant 0.000000e+00 : f32
        %max3A_703 = vector.broadcast %max3A_702 : f32 to vector<16xf32>
        %max3A_704 = arith.maximumf %max3A_698, %max3A_703 : vector<16xf32>
        %bitcast_convert_type3A_705 = tpu.bitcast %max3A_701 : vector<16xf32> -> vector<16xi32>
        %bitcast_convert_type3A_706 = tpu.bitcast %max3A_704 : vector<16xf32> -> vector<16xi32>
        %shift_right_logical3A = arith.constant 16 : i32
        %shift_right_logical3A_707 = vector.broadcast %shift_right_logical3A : i32 to vector<16xi32>
        %shift_right_logical3A_708 = arith.shrui %bitcast_convert_type3A_705, %shift_right_logical3A_707 : vector<16xi32>
        %and3A_709 = arith.constant -65536 : i32
        %and3A_710 = vector.broadcast %and3A_709 : i32 to vector<16xi32>
        %and3A_711 = arith.andi %bitcast_convert_type3A_706, %and3A_710 : vector<16xi32>
        %or3A = arith.ori %shift_right_logical3A_708, %and3A_711 : vector<16xi32>
        %swap3A = arith.constant 0 : i32
        %swap3A_712 = arith.index_cast %swap3A : i32 to index
        %swap3A_713 = arith.index_cast %select_n3A : i32 to index
        %swap3A_714 = arith.index_cast %mul3A_264 : i32 to index
        %swap3A_715 = tpu.vector_load %arg8[%swap3A_712, %swap3A_713, %swap3A_714] {strides = array<i32>} : memref<2x8x128xi32, #tpu.memory_space<vmem>>, vector<1x1x16xi32>,
        %swap3A_716 = vector.shape_cast %swap3A_715 : vector<1x1x16xi32> to vector<16xi32>
        %swap3A_717 = vector.shape_cast %or3A : vector<16xi32> to vector<1x1x16xi32>
        tpu.vector_store %arg8[%swap3A_712, %swap3A_713, %swap3A_714], %swap3A_717 {strides = array<i32>} : memref<2x8x128xi32, #tpu.memory_space<vmem>>, vector<1x1x16xi32>,
      }
      %scan3A_143 = arith.constant 64 : i32
      %mul3A_144 = arith.constant 8 : i32
      %mul3A_145 = arith.muli %add3A_108, %mul3A_144 : i32
      %add3A_146 = arith.addi %mul3A_2, %mul3A_145 : i32
      %dma_start3A_147 = arith.constant 0 : i32
      %dma_start3A_148 = arith.constant 0 : i32
      %dma_start3A_149 = arith.constant 0 : i32
      %dma_start3A_150 = tpu.memref_slice %arg8[%dma_start3A_147, %dma_start3A_148, %dma_start3A_149] : memref<2x8x128xi32, #tpu.memory_space<vmem>> -> memref<1x8x128xi32, #tpu.memory_space<vmem>>
      %dma_start3A_151 = tpu.memref_squeeze %dma_start3A_150 : memref<1x8x128xi32, #tpu.memory_space<vmem>> -> memref<8x128xi32, #tpu.memory_space<vmem>>
      %dma_start3A_152 = arith.constant 0 : i32
      %dma_start3A_153 = tpu.memref_slice %arg4[%add3A_146, %dma_start3A_152] : memref<10240x128xi32, #tpu.memory_space<hbm>> -> memref<8x128xi32, #tpu.memory_space<hbm>>
      %dma_start3A_154 = arith.constant 0 : i32
      %dma_start3A_155 = tpu.memref_slice %arg4[%add3A_146, %dma_start3A_154] : memref<10240x128xi32, #tpu.memory_space<hbm>> -> memref<8x128xi32, #tpu.memory_space<hbm>>
      %dma_start3A_156 = arith.constant 0 : i32
      %dma_start3A_157 = arith.constant 0 : i32
      %dma_start3A_158 = tpu.memref_slice %arg8[%dma_start3A_147, %dma_start3A_156, %dma_start3A_157] : memref<2x8x128xi32, #tpu.memory_space<vmem>> -> memref<1x8x128xi32, #tpu.memory_space<vmem>>
      %dma_start3A_159 = tpu.memref_squeeze %dma_start3A_158 : memref<1x8x128xi32, #tpu.memory_space<vmem>> -> memref<8x128xi32, #tpu.memory_space<vmem>>
      tpu.enqueue_dma source(%dma_start3A_159 : memref<8x128xi32, #tpu.memory_space<vmem>>) target(%dma_start3A_155 : memref<8x128xi32, #tpu.memory_space<hbm>>) target_semaphore(%arg14 : memref<!tpu.dma_semaphore, #tpu.memory_space<semaphore_mem>>)
      %add3A_160 = arith.constant 2 : i32
      %add3A_161 = arith.addi %add3A_108, %add3A_160 : i32
      %lt3A = arith.constant 40 : i32
      %lt3A_162 = arith.cmpi slt, %add3A_161, %lt3A : i32
      %convert_element_type3A_163 = arith.extui %lt3A_162 : i1 to i32
      %cond3A_164 = arith.constant 0 : i32
      %cond3A_165 = arith.cmpi ne, %convert_element_type3A_163, %cond3A_164 : i32
      scf.if %cond3A_165 {
        %add3A_231 = arith.constant 2 : i32
        %add3A_232 = arith.addi %add3A_108, %add3A_231 : i32
        %mul3A_233 = arith.constant 8 : i32
        %mul3A_234 = arith.muli %add3A_232, %mul3A_233 : i32
        %add3A_235 = arith.addi %mul3A_2, %mul3A_234 : i32
        %mul3A_236 = arith.constant 128 : i32
        %mul3A_237 = arith.muli %add3A_232, %mul3A_236 : i32
        %dma_start3A_238 = arith.constant 0 : i32
        %dma_start3A_239 = arith.constant 0 : i32
        %dma_start3A_240 = arith.constant 0 : i32
        %dma_start3A_241 = tpu.memref_slice %arg6[%dma_start3A_238, %dma_start3A_239, %dma_start3A_240] : memref<2x128x128xi32, #tpu.memory_space<vmem>> -> memref<1x128x128xi32, #tpu.memory_space<vmem>>
        %dma_start3A_242 = tpu.memref_squeeze %dma_start3A_241 : memref<1x128x128xi32, #tpu.memory_space<vmem>> -> memref<128x128xi32, #tpu.memory_space<vmem>>
        %dma_start3A_243 = tpu.memref_slice %arg5[%mul3A_237] : memref<5120xi32, #tpu.memory_space<vmem>> -> memref<128xi32, #tpu.memory_space<vmem>>
        %dma_start3A_244 = arith.constant 0 : i32
        %dma_start3A_245 = arith.constant 0 : i32
        %dma_start3A_246 = tpu.memref_slice %arg9[%dma_start3A_244, %dma_start3A_245] : memref<10240x128xi32, #tpu.memory_space<vmem_shared>> -> memref<10240x128xi32, #tpu.memory_space<vmem_shared>>
        tpu.enqueue_indirect_dma source(%dma_start3A_246 : memref<10240x128xi32, #tpu.memory_space<vmem_shared>>) target(%dma_start3A_242 : memref<128x128xi32, #tpu.memory_space<vmem>>) offsets(%dma_start3A_243 : memref<128xi32, #tpu.memory_space<vmem>>) semaphore(%arg10 : memref<!tpu.dma_semaphore, #tpu.memory_space<semaphore_mem>>)
        %dma_start3A_247 = arith.constant 0 : i32
        %dma_start3A_248 = arith.constant 0 : i32
        %dma_start3A_249 = arith.constant 0 : i32
        %dma_start3A_250 = tpu.memref_slice %arg7[%dma_start3A_247, %dma_start3A_248, %dma_start3A_249] : memref<2x8x128xi32, #tpu.memory_space<vmem>> -> memref<1x8x128xi32, #tpu.memory_space<vmem>>
        %dma_start3A_251 = tpu.memref_squeeze %dma_start3A_250 : memref<1x8x128xi32, #tpu.memory_space<vmem>> -> memref<8x128xi32, #tpu.memory_space<vmem>>
        %dma_start3A_252 = arith.constant 0 : i32
        %dma_start3A_253 = tpu.memref_slice %arg9[%add3A_235, %dma_start3A_252] : memref<10240x128xi32, #tpu.memory_space<vmem_shared>> -> memref<8x128xi32, #tpu.memory_space<vmem_shared>>
        %dma_start3A_254 = arith.constant 0 : i32
        %dma_start3A_255 = arith.constant 0 : i32
        %dma_start3A_256 = tpu.memref_slice %arg7[%dma_start3A_247, %dma_start3A_254, %dma_start3A_255] : memref<2x8x128xi32, #tpu.memory_space<vmem>> -> memref<1x8x128xi32, #tpu.memory_space<vmem>>
        %dma_start3A_257 = tpu.memref_squeeze %dma_start3A_256 : memref<1x8x128xi32, #tpu.memory_space<vmem>> -> memref<8x128xi32, #tpu.memory_space<vmem>>
        %dma_start3A_258 = arith.constant 0 : i32
        %dma_start3A_259 = tpu.memref_slice %arg9[%add3A_235, %dma_start3A_258] : memref<10240x128xi32, #tpu.memory_space<vmem_shared>> -> memref<8x128xi32, #tpu.memory_space<vmem_shared>>
        tpu.enqueue_dma source(%dma_start3A_259 : memref<8x128xi32, #tpu.memory_space<vmem_shared>>) target(%dma_start3A_257 : memref<8x128xi32, #tpu.memory_space<vmem>>) target_semaphore(%arg12 : memref<!tpu.dma_semaphore, #tpu.memory_space<semaphore_mem>>)
      } else {
      }
      %mul3A_166 = arith.constant 2 : i32
      %mul3A_167 = arith.muli %scan3A_104, %mul3A_166 : i32
      %add3A_168 = arith.constant 1 : i32
      %add3A_169 = arith.addi %mul3A_167, %add3A_168 : i32
      %mul3A_170 = arith.constant 8 : i32
      %mul3A_171 = arith.muli %add3A_169, %mul3A_170 : i32
      %add3A_172 = arith.addi %mul3A_2, %mul3A_171 : i32
      %mul3A_173 = arith.constant 128 : i32
      %mul3A_174 = arith.muli %add3A_169, %mul3A_173 : i32
      %dma_wait3A_175 = arith.constant 1 : i32
      %dma_wait3A_176 = arith.constant 0 : i32
      %dma_wait3A_177 = arith.constant 0 : i32
      %dma_wait3A_178 = tpu.memref_slice %arg6[%dma_wait3A_175, %dma_wait3A_176, %dma_wait3A_177] : memref<2x128x128xi32, #tpu.memory_space<vmem>> -> memref<1x128x128xi32, #tpu.memory_space<vmem>>
      %dma_wait3A_179 = tpu.memref_squeeze %dma_wait3A_178 : memref<1x128x128xi32, #tpu.memory_space<vmem>> -> memref<128x128xi32, #tpu.memory_space<vmem>>
      %dma_wait3A_180 = tpu.memref_slice %arg5[%mul3A_174] : memref<5120xi32, #tpu.memory_space<vmem>> -> memref<128xi32, #tpu.memory_space<vmem>>
      %dma_wait3A_181 = arith.constant 0 : i32
      %dma_wait3A_182 = arith.constant 0 : i32
      %dma_wait3A_183 = tpu.memref_slice %arg9[%dma_wait3A_181, %dma_wait3A_182] : memref<10240x128xi32, #tpu.memory_space<vmem_shared>> -> memref<10240x128xi32, #tpu.memory_space<vmem_shared>>
      tpu.wait_indirect_dma semaphore(%arg11 : memref<!tpu.dma_semaphore, #tpu.memory_space<semaphore_mem>>) src(%dma_wait3A_183 : memref<10240x128xi32, #tpu.memory_space<vmem_shared>>) dst(%dma_wait3A_179 : memref<128x128xi32, #tpu.memory_space<vmem>>)
      %dma_wait3A_184 = arith.constant 1 : i32
      %dma_wait3A_185 = arith.constant 0 : i32
      %dma_wait3A_186 = arith.constant 0 : i32
      %dma_wait3A_187 = tpu.memref_slice %arg7[%dma_wait3A_184, %dma_wait3A_185, %dma_wait3A_186] : memref<2x8x128xi32, #tpu.memory_space<vmem>> -> memref<1x8x128xi32, #tpu.memory_space<vmem>>
      %dma_wait3A_188 = tpu.memref_squeeze %dma_wait3A_187 : memref<1x8x128xi32, #tpu.memory_space<vmem>> -> memref<8x128xi32, #tpu.memory_space<vmem>>
      %dma_wait3A_189 = arith.constant 0 : i32
      %dma_wait3A_190 = tpu.memref_slice %arg9[%add3A_172, %dma_wait3A_189] : memref<10240x128xi32, #tpu.memory_space<vmem_shared>> -> memref<8x128xi32, #tpu.memory_space<vmem_shared>>
      %dma_wait3A_191 = arith.constant 0 : i32
      %dma_wait3A_192 = arith.constant 0 : i32
      %dma_wait3A_193 = tpu.memref_slice %arg7[%dma_wait3A_184, %dma_wait3A_191, %dma_wait3A_192] : memref<2x8x128xi32, #tpu.memory_space<vmem>> -> memref<1x8x128xi32, #tpu.memory_space<vmem>>
      %dma_wait3A_194 = tpu.memref_squeeze %dma_wait3A_193 : memref<1x8x128xi32, #tpu.memory_space<vmem>> -> memref<8x128xi32, #tpu.memory_space<vmem>>
      %dma_wait3A_195 = arith.constant 0 : i32
      %dma_wait3A_196 = tpu.memref_slice %arg9[%add3A_172, %dma_wait3A_195] : memref<10240x128xi32, #tpu.memory_space<vmem_shared>> -> memref<8x128xi32, #tpu.memory_space<vmem_shared>>
      tpu.wait_dma2 semaphore(%arg13 : memref<!tpu.dma_semaphore, #tpu.memory_space<semaphore_mem>>) src(%dma_wait3A_196 : memref<8x128xi32, #tpu.memory_space<vmem_shared>>) dst(%dma_wait3A_194 : memref<8x128xi32, #tpu.memory_space<vmem>>)
      %ge3A_197 = arith.constant 2 : i32
      %ge3A_198 = arith.cmpi sge, %add3A_169, %ge3A_197 : i32
      %convert_element_type3A_199 = arith.extui %ge3A_198 : i1 to i32
      %cond3A_200 = arith.constant 0 : i32
      %cond3A_201 = arith.cmpi ne, %convert_element_type3A_199, %cond3A_200 : i32
      scf.if %cond3A_201 {
        %sub3A = arith.constant 2 : i32
        %sub3A_231 = arith.subi %add3A_169, %sub3A : i32
        %mul3A_232 = arith.constant 8 : i32
        %mul3A_233 = arith.muli %sub3A_231, %mul3A_232 : i32
        %add3A_234 = arith.addi %mul3A_2, %mul3A_233 : i32
        %dma_wait3A_235 = arith.constant 1 : i32
        %dma_wait3A_236 = arith.constant 0 : i32
        %dma_wait3A_237 = arith.constant 0 : i32
        %dma_wait3A_238 = tpu.memref_slice %arg8[%dma_wait3A_235, %dma_wait3A_236, %dma_wait3A_237] : memref<2x8x128xi32, #tpu.memory_space<vmem>> -> memref<1x8x128xi32, #tpu.memory_space<vmem>>
        %dma_wait3A_239 = tpu.memref_squeeze %dma_wait3A_238 : memref<1x8x128xi32, #tpu.memory_space<vmem>> -> memref<8x128xi32, #tpu.memory_space<vmem>>
        %dma_wait3A_240 = arith.constant 0 : i32
        %dma_wait3A_241 = tpu.memref_slice %arg4[%add3A_234, %dma_wait3A_240] : memref<10240x128xi32, #tpu.memory_space<hbm>> -> memref<8x128xi32, #tpu.memory_space<hbm>>
        %dma_wait3A_242 = arith.constant 0 : i32
        %dma_wait3A_243 = tpu.memref_slice %arg4[%add3A_234, %dma_wait3A_242] : memref<10240x128xi32, #tpu.memory_space<hbm>> -> memref<8x128xi32, #tpu.memory_space<hbm>>
        %dma_wait3A_244 = arith.constant 0 : i32
        %dma_wait3A_245 = arith.constant 0 : i32
        %dma_wait3A_246 = tpu.memref_slice %arg8[%dma_wait3A_235, %dma_wait3A_244, %dma_wait3A_245] : memref<2x8x128xi32, #tpu.memory_space<vmem>> -> memref<1x8x128xi32, #tpu.memory_space<vmem>>
        %dma_wait3A_247 = tpu.memref_squeeze %dma_wait3A_246 : memref<1x8x128xi32, #tpu.memory_space<vmem>> -> memref<8x128xi32, #tpu.memory_space<vmem>>
        tpu.wait_dma2 semaphore(%arg15 : memref<!tpu.dma_semaphore, #tpu.memory_space<semaphore_mem>>) src(%dma_wait3A_247 : memref<8x128xi32, #tpu.memory_space<vmem>>) dst(%dma_wait3A_243 : memref<8x128xi32, #tpu.memory_space<hbm>>)
      } else {
      }
      %scan3A_202 = arith.constant 0 : i32
      %scan3A_203 = arith.constant 0 : i32
      %scan3A_204 = arith.constant 64 : i32
      %scan3A_205 = arith.addi %scan3A_203, %scan3A_204 : i32
      %scan3A_206 = arith.constant 1 : i32
      scf.for %scan3A_231 = %scan3A_203 to %scan3A_205 step %scan3A_206  : i32 {
        %jit3A = arith.constant 8 : i32
        %div3A = arith.divsi %scan3A_231, %jit3A : i32
        %sign3A = arith.constant 0 : i32
        %sign3A_232 = arith.cmpi sgt, %scan3A_231, %sign3A : i32
        %sign3A_233 = arith.extui %sign3A_232 : i1 to i32
        %sign3A_234 = arith.constant 0 : i32
        %sign3A_235 = arith.cmpi slt, %scan3A_231, %sign3A_234 : i32
        %sign3A_236 = arith.extui %sign3A_235 : i1 to i32
        %sign3A_237 = arith.subi %sign3A_233, %sign3A_236 : i32
        %sign3A_238 = arith.constant 0 : i32
        %sign3A_239 = arith.cmpi sgt, %jit3A, %sign3A_238 : i32
        %sign3A_240 = arith.extui %sign3A_239 : i1 to i32
        %sign3A_241 = arith.constant 0 : i32
        %sign3A_242 = arith.cmpi slt, %jit3A, %sign3A_241 : i32
        %sign3A_243 = arith.extui %sign3A_242 : i1 to i32
        %sign3A_244 = arith.subi %sign3A_240, %sign3A_243 : i32
        %ne3A = arith.cmpi ne, %sign3A_237, %sign3A_244 : i32
        %rem3A = arith.remsi %scan3A_231, %jit3A : i32
        %ne3A_245 = arith.constant 0 : i32
        %ne3A_246 = arith.cmpi ne, %rem3A, %ne3A_245 : i32
        %and3A = arith.andi %ne3A, %ne3A_246 : i1
        %sub3A = arith.constant 1 : i32
        %sub3A_247 = arith.subi %div3A, %sub3A : i32
        %select_n3A = arith.select %and3A, %sub3A_247, %div3A : i32
        %jit3A_248 = arith.constant 8 : i32
        %eq3A = arith.constant 0 : i32
        %eq3A_249 = arith.cmpi eq, %jit3A_248, %eq3A : i32
        %jit3A_250 = arith.constant 1 : i32
        %select_n3A_251 = arith.select %eq3A_249, %jit3A_250, %jit3A_248 : i32
        %rem3A_252 = arith.remsi %scan3A_231, %select_n3A_251 : i32
        %ne3A_253 = arith.constant 0 : i32
        %ne3A_254 = arith.cmpi ne, %rem3A_252, %ne3A_253 : i32
        %lt3A_255 = arith.constant 0 : i32
        %lt3A_256 = arith.cmpi slt, %rem3A_252, %lt3A_255 : i32
        %lt3A_257 = arith.constant 0 : i32
        %lt3A_258 = arith.cmpi slt, %select_n3A_251, %lt3A_257 : i32
        %ne3A_259 = arith.xori %lt3A_256, %lt3A_258 : i1
        %and3A_260 = arith.andi %ne3A_259, %ne3A_254 : i1
        %add3A_261 = arith.addi %rem3A_252, %select_n3A_251 : i32
        %select_n3A_262 = arith.select %and3A_260, %add3A_261, %rem3A_252 : i32
        %mul3A_263 = arith.constant 16 : i32
        %mul3A_264 = arith.muli %select_n3A_262, %mul3A_263 : i32
        %get3A = arith.constant 1 : i32
        %get3A_265 = arith.index_cast %get3A : i32 to index
        %get3A_266 = arith.index_cast %select_n3A : i32 to index
        %get3A_267 = arith.index_cast %mul3A_264 : i32 to index
        %get3A_268 = tpu.vector_load %arg7[%get3A_265, %get3A_266, %get3A_267] {strides = array<i32>} : memref<2x8x128xi32, #tpu.memory_space<vmem>>, vector<1x1x16xi32>,
        %get3A_269 = vector.shape_cast %get3A_268 : vector<1x1x16xi32> to vector<16xi32>
        %mul3A_270 = arith.constant 16 : i32
        %mul3A_271 = arith.muli %select_n3A, %mul3A_270 : i32
        %add3A_272 = arith.constant 0 : i32
        %add3A_273 = arith.addi %mul3A_271, %add3A_272 : i32
        %get3A_274 = arith.constant 1 : i32
        %get3A_275 = arith.index_cast %get3A_274 : i32 to index
        %get3A_276 = arith.index_cast %add3A_273 : i32 to index
        %get3A_277 = arith.index_cast %mul3A_264 : i32 to index
        %get3A_278 = tpu.vector_load %arg6[%get3A_275, %get3A_276, %get3A_277] {strides = array<i32>} : memref<2x128x128xi32, #tpu.memory_space<vmem>>, vector<1x1x16xi32>,
        %get3A_279 = vector.shape_cast %get3A_278 : vector<1x1x16xi32> to vector<16xi32>
        %mul3A_280 = arith.constant 16 : i32
        %mul3A_281 = arith.muli %select_n3A, %mul3A_280 : i32
        %add3A_282 = arith.constant 1 : i32
        %add3A_283 = arith.addi %mul3A_281, %add3A_282 : i32
        %get3A_284 = arith.constant 1 : i32
        %get3A_285 = arith.index_cast %get3A_284 : i32 to index
        %get3A_286 = arith.index_cast %add3A_283 : i32 to index
        %get3A_287 = arith.index_cast %mul3A_264 : i32 to index
        %get3A_288 = tpu.vector_load %arg6[%get3A_285, %get3A_286, %get3A_287] {strides = array<i32>} : memref<2x128x128xi32, #tpu.memory_space<vmem>>, vector<1x1x16xi32>,
        %get3A_289 = vector.shape_cast %get3A_288 : vector<1x1x16xi32> to vector<16xi32>
        %mul3A_290 = arith.constant 16 : i32
        %mul3A_291 = arith.muli %select_n3A, %mul3A_290 : i32
        %add3A_292 = arith.constant 2 : i32
        %add3A_293 = arith.addi %mul3A_291, %add3A_292 : i32
        %get3A_294 = arith.constant 1 : i32
        %get3A_295 = arith.index_cast %get3A_294 : i32 to index
        %get3A_296 = arith.index_cast %add3A_293 : i32 to index
        %get3A_297 = arith.index_cast %mul3A_264 : i32 to index
        %get3A_298 = tpu.vector_load %arg6[%get3A_295, %get3A_296, %get3A_297] {strides = array<i32>} : memref<2x128x128xi32, #tpu.memory_space<vmem>>, vector<1x1x16xi32>,
        %get3A_299 = vector.shape_cast %get3A_298 : vector<1x1x16xi32> to vector<16xi32>
        %mul3A_300 = arith.constant 16 : i32
        %mul3A_301 = arith.muli %select_n3A, %mul3A_300 : i32
        %add3A_302 = arith.constant 3 : i32
        %add3A_303 = arith.addi %mul3A_301, %add3A_302 : i32
        %get3A_304 = arith.constant 1 : i32
        %get3A_305 = arith.index_cast %get3A_304 : i32 to index
        %get3A_306 = arith.index_cast %add3A_303 : i32 to index
        %get3A_307 = arith.index_cast %mul3A_264 : i32 to index
        %get3A_308 = tpu.vector_load %arg6[%get3A_305, %get3A_306, %get3A_307] {strides = array<i32>} : memref<2x128x128xi32, #tpu.memory_space<vmem>>, vector<1x1x16xi32>,
        %get3A_309 = vector.shape_cast %get3A_308 : vector<1x1x16xi32> to vector<16xi32>
        %mul3A_310 = arith.constant 16 : i32
        %mul3A_311 = arith.muli %select_n3A, %mul3A_310 : i32
        %add3A_312 = arith.constant 4 : i32
        %add3A_313 = arith.addi %mul3A_311, %add3A_312 : i32
        %get3A_314 = arith.constant 1 : i32
        %get3A_315 = arith.index_cast %get3A_314 : i32 to index
        %get3A_316 = arith.index_cast %add3A_313 : i32 to index
        %get3A_317 = arith.index_cast %mul3A_264 : i32 to index
        %get3A_318 = tpu.vector_load %arg6[%get3A_315, %get3A_316, %get3A_317] {strides = array<i32>} : memref<2x128x128xi32, #tpu.memory_space<vmem>>, vector<1x1x16xi32>,
        %get3A_319 = vector.shape_cast %get3A_318 : vector<1x1x16xi32> to vector<16xi32>
        %mul3A_320 = arith.constant 16 : i32
        %mul3A_321 = arith.muli %select_n3A, %mul3A_320 : i32
        %add3A_322 = arith.constant 5 : i32
        %add3A_323 = arith.addi %mul3A_321, %add3A_322 : i32
        %get3A_324 = arith.constant 1 : i32
        %get3A_325 = arith.index_cast %get3A_324 : i32 to index
        %get3A_326 = arith.index_cast %add3A_323 : i32 to index
        %get3A_327 = arith.index_cast %mul3A_264 : i32 to index
        %get3A_328 = tpu.vector_load %arg6[%get3A_325, %get3A_326, %get3A_327] {strides = array<i32>} : memref<2x128x128xi32, #tpu.memory_space<vmem>>, vector<1x1x16xi32>,
        %get3A_329 = vector.shape_cast %get3A_328 : vector<1x1x16xi32> to vector<16xi32>
        %mul3A_330 = arith.constant 16 : i32
        %mul3A_331 = arith.muli %select_n3A, %mul3A_330 : i32
        %add3A_332 = arith.constant 6 : i32
        %add3A_333 = arith.addi %mul3A_331, %add3A_332 : i32
        %get3A_334 = arith.constant 1 : i32
        %get3A_335 = arith.index_cast %get3A_334 : i32 to index
        %get3A_336 = arith.index_cast %add3A_333 : i32 to index
        %get3A_337 = arith.index_cast %mul3A_264 : i32 to index
        %get3A_338 = tpu.vector_load %arg6[%get3A_335, %get3A_336, %get3A_337] {strides = array<i32>} : memref<2x128x128xi32, #tpu.memory_space<vmem>>, vector<1x1x16xi32>,
        %get3A_339 = vector.shape_cast %get3A_338 : vector<1x1x16xi32> to vector<16xi32>
        %mul3A_340 = arith.constant 16 : i32
        %mul3A_341 = arith.muli %select_n3A, %mul3A_340 : i32
        %add3A_342 = arith.constant 7 : i32
        %add3A_343 = arith.addi %mul3A_341, %add3A_342 : i32
        %get3A_344 = arith.constant 1 : i32
        %get3A_345 = arith.index_cast %get3A_344 : i32 to index
        %get3A_346 = arith.index_cast %add3A_343 : i32 to index
        %get3A_347 = arith.index_cast %mul3A_264 : i32 to index
        %get3A_348 = tpu.vector_load %arg6[%get3A_345, %get3A_346, %get3A_347] {strides = array<i32>} : memref<2x128x128xi32, #tpu.memory_space<vmem>>, vector<1x1x16xi32>,
        %get3A_349 = vector.shape_cast %get3A_348 : vector<1x1x16xi32> to vector<16xi32>
        %mul3A_350 = arith.constant 16 : i32
        %mul3A_351 = arith.muli %select_n3A, %mul3A_350 : i32
        %add3A_352 = arith.constant 8 : i32
        %add3A_353 = arith.addi %mul3A_351, %add3A_352 : i32
        %get3A_354 = arith.constant 1 : i32
        %get3A_355 = arith.index_cast %get3A_354 : i32 to index
        %get3A_356 = arith.index_cast %add3A_353 : i32 to index
        %get3A_357 = arith.index_cast %mul3A_264 : i32 to index
        %get3A_358 = tpu.vector_load %arg6[%get3A_355, %get3A_356, %get3A_357] {strides = array<i32>} : memref<2x128x128xi32, #tpu.memory_space<vmem>>, vector<1x1x16xi32>,
        %get3A_359 = vector.shape_cast %get3A_358 : vector<1x1x16xi32> to vector<16xi32>
        %mul3A_360 = arith.constant 16 : i32
        %mul3A_361 = arith.muli %select_n3A, %mul3A_360 : i32
        %add3A_362 = arith.constant 9 : i32
        %add3A_363 = arith.addi %mul3A_361, %add3A_362 : i32
        %get3A_364 = arith.constant 1 : i32
        %get3A_365 = arith.index_cast %get3A_364 : i32 to index
        %get3A_366 = arith.index_cast %add3A_363 : i32 to index
        %get3A_367 = arith.index_cast %mul3A_264 : i32 to index
        %get3A_368 = tpu.vector_load %arg6[%get3A_365, %get3A_366, %get3A_367] {strides = array<i32>} : memref<2x128x128xi32, #tpu.memory_space<vmem>>, vector<1x1x16xi32>,
        %get3A_369 = vector.shape_cast %get3A_368 : vector<1x1x16xi32> to vector<16xi32>
        %mul3A_370 = arith.constant 16 : i32
        %mul3A_371 = arith.muli %select_n3A, %mul3A_370 : i32
        %add3A_372 = arith.constant 10 : i32
        %add3A_373 = arith.addi %mul3A_371, %add3A_372 : i32
        %get3A_374 = arith.constant 1 : i32
        %get3A_375 = arith.index_cast %get3A_374 : i32 to index
        %get3A_376 = arith.index_cast %add3A_373 : i32 to index
        %get3A_377 = arith.index_cast %mul3A_264 : i32 to index
        %get3A_378 = tpu.vector_load %arg6[%get3A_375, %get3A_376, %get3A_377] {strides = array<i32>} : memref<2x128x128xi32, #tpu.memory_space<vmem>>, vector<1x1x16xi32>,
        %get3A_379 = vector.shape_cast %get3A_378 : vector<1x1x16xi32> to vector<16xi32>
        %mul3A_380 = arith.constant 16 : i32
        %mul3A_381 = arith.muli %select_n3A, %mul3A_380 : i32
        %add3A_382 = arith.constant 11 : i32
        %add3A_383 = arith.addi %mul3A_381, %add3A_382 : i32
        %get3A_384 = arith.constant 1 : i32
        %get3A_385 = arith.index_cast %get3A_384 : i32 to index
        %get3A_386 = arith.index_cast %add3A_383 : i32 to index
        %get3A_387 = arith.index_cast %mul3A_264 : i32 to index
        %get3A_388 = tpu.vector_load %arg6[%get3A_385, %get3A_386, %get3A_387] {strides = array<i32>} : memref<2x128x128xi32, #tpu.memory_space<vmem>>, vector<1x1x16xi32>,
        %get3A_389 = vector.shape_cast %get3A_388 : vector<1x1x16xi32> to vector<16xi32>
        %mul3A_390 = arith.constant 16 : i32
        %mul3A_391 = arith.muli %select_n3A, %mul3A_390 : i32
        %add3A_392 = arith.constant 12 : i32
        %add3A_393 = arith.addi %mul3A_391, %add3A_392 : i32
        %get3A_394 = arith.constant 1 : i32
        %get3A_395 = arith.index_cast %get3A_394 : i32 to index
        %get3A_396 = arith.index_cast %add3A_393 : i32 to index
        %get3A_397 = arith.index_cast %mul3A_264 : i32 to index
        %get3A_398 = tpu.vector_load %arg6[%get3A_395, %get3A_396, %get3A_397] {strides = array<i32>} : memref<2x128x128xi32, #tpu.memory_space<vmem>>, vector<1x1x16xi32>,
        %get3A_399 = vector.shape_cast %get3A_398 : vector<1x1x16xi32> to vector<16xi32>
        %mul3A_400 = arith.constant 16 : i32
        %mul3A_401 = arith.muli %select_n3A, %mul3A_400 : i32
        %add3A_402 = arith.constant 13 : i32
        %add3A_403 = arith.addi %mul3A_401, %add3A_402 : i32
        %get3A_404 = arith.constant 1 : i32
        %get3A_405 = arith.index_cast %get3A_404 : i32 to index
        %get3A_406 = arith.index_cast %add3A_403 : i32 to index
        %get3A_407 = arith.index_cast %mul3A_264 : i32 to index
        %get3A_408 = tpu.vector_load %arg6[%get3A_405, %get3A_406, %get3A_407] {strides = array<i32>} : memref<2x128x128xi32, #tpu.memory_space<vmem>>, vector<1x1x16xi32>,
        %get3A_409 = vector.shape_cast %get3A_408 : vector<1x1x16xi32> to vector<16xi32>
        %mul3A_410 = arith.constant 16 : i32
        %mul3A_411 = arith.muli %select_n3A, %mul3A_410 : i32
        %add3A_412 = arith.constant 14 : i32
        %add3A_413 = arith.addi %mul3A_411, %add3A_412 : i32
        %get3A_414 = arith.constant 1 : i32
        %get3A_415 = arith.index_cast %get3A_414 : i32 to index
        %get3A_416 = arith.index_cast %add3A_413 : i32 to index
        %get3A_417 = arith.index_cast %mul3A_264 : i32 to index
        %get3A_418 = tpu.vector_load %arg6[%get3A_415, %get3A_416, %get3A_417] {strides = array<i32>} : memref<2x128x128xi32, #tpu.memory_space<vmem>>, vector<1x1x16xi32>,
        %get3A_419 = vector.shape_cast %get3A_418 : vector<1x1x16xi32> to vector<16xi32>
        %mul3A_420 = arith.constant 16 : i32
        %mul3A_421 = arith.muli %select_n3A, %mul3A_420 : i32
        %add3A_422 = arith.constant 15 : i32
        %add3A_423 = arith.addi %mul3A_421, %add3A_422 : i32
        %get3A_424 = arith.constant 1 : i32
        %get3A_425 = arith.index_cast %get3A_424 : i32 to index
        %get3A_426 = arith.index_cast %add3A_423 : i32 to index
        %get3A_427 = arith.index_cast %mul3A_264 : i32 to index
        %get3A_428 = tpu.vector_load %arg6[%get3A_425, %get3A_426, %get3A_427] {strides = array<i32>} : memref<2x128x128xi32, #tpu.memory_space<vmem>>, vector<1x1x16xi32>,
        %get3A_429 = vector.shape_cast %get3A_428 : vector<1x1x16xi32> to vector<16xi32>
        %shift_left3A = arith.constant 16 : i32
        %shift_left3A_430 = vector.broadcast %shift_left3A : i32 to vector<16xi32>
        %shift_left3A_431 = arith.shli %get3A_269, %shift_left3A_430 : vector<16xi32>
        %bitcast_convert_type3A = tpu.bitcast %shift_left3A_431 : vector<16xi32> -> vector<16xf32>
        %shift_left3A_432 = arith.constant 16 : i32
        %shift_left3A_433 = vector.broadcast %shift_left3A_432 : i32 to vector<16xi32>
        %shift_left3A_434 = arith.shli %get3A_279, %shift_left3A_433 : vector<16xi32>
        %bitcast_convert_type3A_435 = tpu.bitcast %shift_left3A_434 : vector<16xi32> -> vector<16xf32>
        %shift_left3A_436 = arith.constant 16 : i32
        %shift_left3A_437 = vector.broadcast %shift_left3A_436 : i32 to vector<16xi32>
        %shift_left3A_438 = arith.shli %get3A_289, %shift_left3A_437 : vector<16xi32>
        %bitcast_convert_type3A_439 = tpu.bitcast %shift_left3A_438 : vector<16xi32> -> vector<16xf32>
        %shift_left3A_440 = arith.constant 16 : i32
        %shift_left3A_441 = vector.broadcast %shift_left3A_440 : i32 to vector<16xi32>
        %shift_left3A_442 = arith.shli %get3A_299, %shift_left3A_441 : vector<16xi32>
        %bitcast_convert_type3A_443 = tpu.bitcast %shift_left3A_442 : vector<16xi32> -> vector<16xf32>
        %shift_left3A_444 = arith.constant 16 : i32
        %shift_left3A_445 = vector.broadcast %shift_left3A_444 : i32 to vector<16xi32>
        %shift_left3A_446 = arith.shli %get3A_309, %shift_left3A_445 : vector<16xi32>
        %bitcast_convert_type3A_447 = tpu.bitcast %shift_left3A_446 : vector<16xi32> -> vector<16xf32>
        %shift_left3A_448 = arith.constant 16 : i32
        %shift_left3A_449 = vector.broadcast %shift_left3A_448 : i32 to vector<16xi32>
        %shift_left3A_450 = arith.shli %get3A_319, %shift_left3A_449 : vector<16xi32>
        %bitcast_convert_type3A_451 = tpu.bitcast %shift_left3A_450 : vector<16xi32> -> vector<16xf32>
        %shift_left3A_452 = arith.constant 16 : i32
        %shift_left3A_453 = vector.broadcast %shift_left3A_452 : i32 to vector<16xi32>
        %shift_left3A_454 = arith.shli %get3A_329, %shift_left3A_453 : vector<16xi32>
        %bitcast_convert_type3A_455 = tpu.bitcast %shift_left3A_454 : vector<16xi32> -> vector<16xf32>
        %shift_left3A_456 = arith.constant 16 : i32
        %shift_left3A_457 = vector.broadcast %shift_left3A_456 : i32 to vector<16xi32>
        %shift_left3A_458 = arith.shli %get3A_339, %shift_left3A_457 : vector<16xi32>
        %bitcast_convert_type3A_459 = tpu.bitcast %shift_left3A_458 : vector<16xi32> -> vector<16xf32>
        %shift_left3A_460 = arith.constant 16 : i32
        %shift_left3A_461 = vector.broadcast %shift_left3A_460 : i32 to vector<16xi32>
        %shift_left3A_462 = arith.shli %get3A_349, %shift_left3A_461 : vector<16xi32>
        %bitcast_convert_type3A_463 = tpu.bitcast %shift_left3A_462 : vector<16xi32> -> vector<16xf32>
        %shift_left3A_464 = arith.constant 16 : i32
        %shift_left3A_465 = vector.broadcast %shift_left3A_464 : i32 to vector<16xi32>
        %shift_left3A_466 = arith.shli %get3A_359, %shift_left3A_465 : vector<16xi32>
        %bitcast_convert_type3A_467 = tpu.bitcast %shift_left3A_466 : vector<16xi32> -> vector<16xf32>
        %shift_left3A_468 = arith.constant 16 : i32
        %shift_left3A_469 = vector.broadcast %shift_left3A_468 : i32 to vector<16xi32>
        %shift_left3A_470 = arith.shli %get3A_369, %shift_left3A_469 : vector<16xi32>
        %bitcast_convert_type3A_471 = tpu.bitcast %shift_left3A_470 : vector<16xi32> -> vector<16xf32>
        %shift_left3A_472 = arith.constant 16 : i32
        %shift_left3A_473 = vector.broadcast %shift_left3A_472 : i32 to vector<16xi32>
        %shift_left3A_474 = arith.shli %get3A_379, %shift_left3A_473 : vector<16xi32>
        %bitcast_convert_type3A_475 = tpu.bitcast %shift_left3A_474 : vector<16xi32> -> vector<16xf32>
        %shift_left3A_476 = arith.constant 16 : i32
        %shift_left3A_477 = vector.broadcast %shift_left3A_476 : i32 to vector<16xi32>
        %shift_left3A_478 = arith.shli %get3A_389, %shift_left3A_477 : vector<16xi32>
        %bitcast_convert_type3A_479 = tpu.bitcast %shift_left3A_478 : vector<16xi32> -> vector<16xf32>
        %shift_left3A_480 = arith.constant 16 : i32
        %shift_left3A_481 = vector.broadcast %shift_left3A_480 : i32 to vector<16xi32>
        %shift_left3A_482 = arith.shli %get3A_399, %shift_left3A_481 : vector<16xi32>
        %bitcast_convert_type3A_483 = tpu.bitcast %shift_left3A_482 : vector<16xi32> -> vector<16xf32>
        %shift_left3A_484 = arith.constant 16 : i32
        %shift_left3A_485 = vector.broadcast %shift_left3A_484 : i32 to vector<16xi32>
        %shift_left3A_486 = arith.shli %get3A_409, %shift_left3A_485 : vector<16xi32>
        %bitcast_convert_type3A_487 = tpu.bitcast %shift_left3A_486 : vector<16xi32> -> vector<16xf32>
        %shift_left3A_488 = arith.constant 16 : i32
        %shift_left3A_489 = vector.broadcast %shift_left3A_488 : i32 to vector<16xi32>
        %shift_left3A_490 = arith.shli %get3A_419, %shift_left3A_489 : vector<16xi32>
        %bitcast_convert_type3A_491 = tpu.bitcast %shift_left3A_490 : vector<16xi32> -> vector<16xf32>
        %shift_left3A_492 = arith.constant 16 : i32
        %shift_left3A_493 = vector.broadcast %shift_left3A_492 : i32 to vector<16xi32>
        %shift_left3A_494 = arith.shli %get3A_429, %shift_left3A_493 : vector<16xi32>
        %bitcast_convert_type3A_495 = tpu.bitcast %shift_left3A_494 : vector<16xi32> -> vector<16xf32>
        %min3A = arith.minimumf %bitcast_convert_type3A_435, %bitcast_convert_type3A_439 : vector<16xf32>
        %max3A = arith.maximumf %bitcast_convert_type3A_435, %bitcast_convert_type3A_439 : vector<16xf32>
        %min3A_496 = arith.minimumf %bitcast_convert_type3A_443, %bitcast_convert_type3A_447 : vector<16xf32>
        %max3A_497 = arith.maximumf %bitcast_convert_type3A_443, %bitcast_convert_type3A_447 : vector<16xf32>
        %min3A_498 = arith.minimumf %bitcast_convert_type3A_451, %bitcast_convert_type3A_455 : vector<16xf32>
        %max3A_499 = arith.maximumf %bitcast_convert_type3A_451, %bitcast_convert_type3A_455 : vector<16xf32>
        %min3A_500 = arith.minimumf %bitcast_convert_type3A_459, %bitcast_convert_type3A_463 : vector<16xf32>
        %max3A_501 = arith.maximumf %bitcast_convert_type3A_459, %bitcast_convert_type3A_463 : vector<16xf32>
        %min3A_502 = arith.minimumf %bitcast_convert_type3A_467, %bitcast_convert_type3A_471 : vector<16xf32>
        %max3A_503 = arith.maximumf %bitcast_convert_type3A_467, %bitcast_convert_type3A_471 : vector<16xf32>
        %min3A_504 = arith.minimumf %bitcast_convert_type3A_475, %bitcast_convert_type3A_479 : vector<16xf32>
        %max3A_505 = arith.maximumf %bitcast_convert_type3A_475, %bitcast_convert_type3A_479 : vector<16xf32>
        %min3A_506 = arith.minimumf %bitcast_convert_type3A_483, %bitcast_convert_type3A_487 : vector<16xf32>
        %max3A_507 = arith.maximumf %bitcast_convert_type3A_483, %bitcast_convert_type3A_487 : vector<16xf32>
        %min3A_508 = arith.minimumf %bitcast_convert_type3A_491, %bitcast_convert_type3A_495 : vector<16xf32>
        %max3A_509 = arith.maximumf %bitcast_convert_type3A_491, %bitcast_convert_type3A_495 : vector<16xf32>
        %min3A_510 = arith.minimumf %min3A, %min3A_496 : vector<16xf32>
        %max3A_511 = arith.maximumf %min3A, %min3A_496 : vector<16xf32>
        %min3A_512 = arith.minimumf %max3A, %max3A_497 : vector<16xf32>
        %max3A_513 = arith.maximumf %max3A, %max3A_497 : vector<16xf32>
        %min3A_514 = arith.minimumf %min3A_498, %min3A_500 : vector<16xf32>
        %max3A_515 = arith.maximumf %min3A_498, %min3A_500 : vector<16xf32>
        %min3A_516 = arith.minimumf %max3A_499, %max3A_501 : vector<16xf32>
        %max3A_517 = arith.maximumf %max3A_499, %max3A_501 : vector<16xf32>
        %min3A_518 = arith.minimumf %min3A_502, %min3A_504 : vector<16xf32>
        %max3A_519 = arith.maximumf %min3A_502, %min3A_504 : vector<16xf32>
        %min3A_520 = arith.minimumf %max3A_503, %max3A_505 : vector<16xf32>
        %max3A_521 = arith.maximumf %max3A_503, %max3A_505 : vector<16xf32>
        %min3A_522 = arith.minimumf %min3A_506, %min3A_508 : vector<16xf32>
        %max3A_523 = arith.maximumf %min3A_506, %min3A_508 : vector<16xf32>
        %min3A_524 = arith.minimumf %max3A_507, %max3A_509 : vector<16xf32>
        %max3A_525 = arith.maximumf %max3A_507, %max3A_509 : vector<16xf32>
        %min3A_526 = arith.minimumf %min3A_512, %max3A_511 : vector<16xf32>
        %max3A_527 = arith.maximumf %min3A_512, %max3A_511 : vector<16xf32>
        %min3A_528 = arith.minimumf %min3A_516, %max3A_515 : vector<16xf32>
        %max3A_529 = arith.maximumf %min3A_516, %max3A_515 : vector<16xf32>
        %min3A_530 = arith.minimumf %min3A_520, %max3A_519 : vector<16xf32>
        %max3A_531 = arith.maximumf %min3A_520, %max3A_519 : vector<16xf32>
        %min3A_532 = arith.minimumf %min3A_524, %max3A_523 : vector<16xf32>
        %max3A_533 = arith.maximumf %min3A_524, %max3A_523 : vector<16xf32>
        %min3A_534 = arith.minimumf %min3A_510, %min3A_514 : vector<16xf32>
        %max3A_535 = arith.maximumf %min3A_510, %min3A_514 : vector<16xf32>
        %min3A_536 = arith.minimumf %min3A_526, %min3A_528 : vector<16xf32>
        %max3A_537 = arith.maximumf %min3A_526, %min3A_528 : vector<16xf32>
        %min3A_538 = arith.minimumf %max3A_527, %max3A_529 : vector<16xf32>
        %max3A_539 = arith.maximumf %max3A_527, %max3A_529 : vector<16xf32>
        %min3A_540 = arith.minimumf %max3A_513, %max3A_517 : vector<16xf32>
        %max3A_541 = arith.maximumf %max3A_513, %max3A_517 : vector<16xf32>
        %min3A_542 = arith.minimumf %min3A_518, %min3A_522 : vector<16xf32>
        %max3A_543 = arith.maximumf %min3A_518, %min3A_522 : vector<16xf32>
        %min3A_544 = arith.minimumf %min3A_530, %min3A_532 : vector<16xf32>
        %max3A_545 = arith.maximumf %min3A_530, %min3A_532 : vector<16xf32>
        %min3A_546 = arith.minimumf %max3A_531, %max3A_533 : vector<16xf32>
        %max3A_547 = arith.maximumf %max3A_531, %max3A_533 : vector<16xf32>
        %min3A_548 = arith.minimumf %max3A_521, %max3A_525 : vector<16xf32>
        %max3A_549 = arith.maximumf %max3A_521, %max3A_525 : vector<16xf32>
        %min3A_550 = arith.minimumf %min3A_538, %max3A_535 : vector<16xf32>
        %max3A_551 = arith.maximumf %min3A_538, %max3A_535 : vector<16xf32>
        %min3A_552 = arith.minimumf %min3A_540, %max3A_537 : vector<16xf32>
        %max3A_553 = arith.maximumf %min3A_540, %max3A_537 : vector<16xf32>
        %min3A_554 = arith.minimumf %min3A_546, %max3A_543 : vector<16xf32>
        %max3A_555 = arith.maximumf %min3A_546, %max3A_543 : vector<16xf32>
        %min3A_556 = arith.minimumf %min3A_548, %max3A_545 : vector<16xf32>
        %max3A_557 = arith.maximumf %min3A_548, %max3A_545 : vector<16xf32>
        %min3A_558 = arith.minimumf %min3A_536, %min3A_550 : vector<16xf32>
        %max3A_559 = arith.maximumf %min3A_536, %min3A_550 : vector<16xf32>
        %min3A_560 = arith.minimumf %min3A_552, %max3A_551 : vector<16xf32>
        %max3A_561 = arith.maximumf %min3A_552, %max3A_551 : vector<16xf32>
        %min3A_562 = arith.minimumf %max3A_553, %max3A_539 : vector<16xf32>
        %max3A_563 = arith.maximumf %max3A_553, %max3A_539 : vector<16xf32>
        %min3A_564 = arith.minimumf %min3A_544, %min3A_554 : vector<16xf32>
        %max3A_565 = arith.maximumf %min3A_544, %min3A_554 : vector<16xf32>
        %min3A_566 = arith.minimumf %min3A_556, %max3A_555 : vector<16xf32>
        %max3A_567 = arith.maximumf %min3A_556, %max3A_555 : vector<16xf32>
        %min3A_568 = arith.minimumf %max3A_557, %max3A_547 : vector<16xf32>
        %max3A_569 = arith.maximumf %max3A_557, %max3A_547 : vector<16xf32>
        %max3A_570 = arith.maximumf %min3A_534, %min3A_542 : vector<16xf32>
        %max3A_571 = arith.maximumf %min3A_558, %min3A_564 : vector<16xf32>
        %max3A_572 = arith.maximumf %max3A_559, %max3A_565 : vector<16xf32>
        %max3A_573 = arith.maximumf %min3A_560, %min3A_566 : vector<16xf32>
        %min3A_574 = arith.minimumf %max3A_561, %max3A_567 : vector<16xf32>
        %min3A_575 = arith.minimumf %min3A_562, %min3A_568 : vector<16xf32>
        %min3A_576 = arith.minimumf %max3A_563, %max3A_569 : vector<16xf32>
        %min3A_577 = arith.minimumf %max3A_541, %max3A_549 : vector<16xf32>
        %max3A_578 = arith.maximumf %min3A_574, %max3A_570 : vector<16xf32>
        %max3A_579 = arith.maximumf %min3A_575, %max3A_571 : vector<16xf32>
        %min3A_580 = arith.minimumf %min3A_576, %max3A_572 : vector<16xf32>
        %min3A_581 = arith.minimumf %min3A_577, %max3A_573 : vector<16xf32>
        %max3A_582 = arith.maximumf %min3A_580, %max3A_578 : vector<16xf32>
        %min3A_583 = arith.minimumf %min3A_581, %max3A_579 : vector<16xf32>
        %min3A_584 = arith.minimumf %min3A_583, %max3A_582 : vector<16xf32>
        %max3A_585 = arith.maximumf %min3A_583, %max3A_582 : vector<16xf32>
        %min3A_586 = arith.minimumf %bitcast_convert_type3A, %max3A_585 : vector<16xf32>
        %max3A_587 = arith.maximumf %min3A_584, %min3A_586 : vector<16xf32>
        %bitcast_convert_type3A_588 = tpu.bitcast %get3A_269 : vector<16xi32> -> vector<16xf32>
        %bitcast_convert_type3A_589 = tpu.bitcast %get3A_279 : vector<16xi32> -> vector<16xf32>
        %bitcast_convert_type3A_590 = tpu.bitcast %get3A_289 : vector<16xi32> -> vector<16xf32>
        %bitcast_convert_type3A_591 = tpu.bitcast %get3A_299 : vector<16xi32> -> vector<16xf32>
        %bitcast_convert_type3A_592 = tpu.bitcast %get3A_309 : vector<16xi32> -> vector<16xf32>
        %bitcast_convert_type3A_593 = tpu.bitcast %get3A_319 : vector<16xi32> -> vector<16xf32>
        %bitcast_convert_type3A_594 = tpu.bitcast %get3A_329 : vector<16xi32> -> vector<16xf32>
        %bitcast_convert_type3A_595 = tpu.bitcast %get3A_339 : vector<16xi32> -> vector<16xf32>
        %bitcast_convert_type3A_596 = tpu.bitcast %get3A_349 : vector<16xi32> -> vector<16xf32>
        %bitcast_convert_type3A_597 = tpu.bitcast %get3A_359 : vector<16xi32> -> vector<16xf32>
        %bitcast_convert_type3A_598 = tpu.bitcast %get3A_369 : vector<16xi32> -> vector<16xf32>
        %bitcast_convert_type3A_599 = tpu.bitcast %get3A_379 : vector<16xi32> -> vector<16xf32>
        %bitcast_convert_type3A_600 = tpu.bitcast %get3A_389 : vector<16xi32> -> vector<16xf32>
        %bitcast_convert_type3A_601 = tpu.bitcast %get3A_399 : vector<16xi32> -> vector<16xf32>
        %bitcast_convert_type3A_602 = tpu.bitcast %get3A_409 : vector<16xi32> -> vector<16xf32>
        %bitcast_convert_type3A_603 = tpu.bitcast %get3A_419 : vector<16xi32> -> vector<16xf32>
        %bitcast_convert_type3A_604 = tpu.bitcast %get3A_429 : vector<16xi32> -> vector<16xf32>
        %min3A_605 = arith.minimumf %bitcast_convert_type3A_589, %bitcast_convert_type3A_590 : vector<16xf32>
        %max3A_606 = arith.maximumf %bitcast_convert_type3A_589, %bitcast_convert_type3A_590 : vector<16xf32>
        %min3A_607 = arith.minimumf %bitcast_convert_type3A_591, %bitcast_convert_type3A_592 : vector<16xf32>
        %max3A_608 = arith.maximumf %bitcast_convert_type3A_591, %bitcast_convert_type3A_592 : vector<16xf32>
        %min3A_609 = arith.minimumf %bitcast_convert_type3A_593, %bitcast_convert_type3A_594 : vector<16xf32>
        %max3A_610 = arith.maximumf %bitcast_convert_type3A_593, %bitcast_convert_type3A_594 : vector<16xf32>
        %min3A_611 = arith.minimumf %bitcast_convert_type3A_595, %bitcast_convert_type3A_596 : vector<16xf32>
        %max3A_612 = arith.maximumf %bitcast_convert_type3A_595, %bitcast_convert_type3A_596 : vector<16xf32>
        %min3A_613 = arith.minimumf %bitcast_convert_type3A_597, %bitcast_convert_type3A_598 : vector<16xf32>
        %max3A_614 = arith.maximumf %bitcast_convert_type3A_597, %bitcast_convert_type3A_598 : vector<16xf32>
        %min3A_615 = arith.minimumf %bitcast_convert_type3A_599, %bitcast_convert_type3A_600 : vector<16xf32>
        %max3A_616 = arith.maximumf %bitcast_convert_type3A_599, %bitcast_convert_type3A_600 : vector<16xf32>
        %min3A_617 = arith.minimumf %bitcast_convert_type3A_601, %bitcast_convert_type3A_602 : vector<16xf32>
        %max3A_618 = arith.maximumf %bitcast_convert_type3A_601, %bitcast_convert_type3A_602 : vector<16xf32>
        %min3A_619 = arith.minimumf %bitcast_convert_type3A_603, %bitcast_convert_type3A_604 : vector<16xf32>
        %max3A_620 = arith.maximumf %bitcast_convert_type3A_603, %bitcast_convert_type3A_604 : vector<16xf32>
        %min3A_621 = arith.minimumf %min3A_605, %min3A_607 : vector<16xf32>
        %max3A_622 = arith.maximumf %min3A_605, %min3A_607 : vector<16xf32>
        %min3A_623 = arith.minimumf %max3A_606, %max3A_608 : vector<16xf32>
        %max3A_624 = arith.maximumf %max3A_606, %max3A_608 : vector<16xf32>
        %min3A_625 = arith.minimumf %min3A_609, %min3A_611 : vector<16xf32>
        %max3A_626 = arith.maximumf %min3A_609, %min3A_611 : vector<16xf32>
        %min3A_627 = arith.minimumf %max3A_610, %max3A_612 : vector<16xf32>
        %max3A_628 = arith.maximumf %max3A_610, %max3A_612 : vector<16xf32>
        %min3A_629 = arith.minimumf %min3A_613, %min3A_615 : vector<16xf32>
        %max3A_630 = arith.maximumf %min3A_613, %min3A_615 : vector<16xf32>
        %min3A_631 = arith.minimumf %max3A_614, %max3A_616 : vector<16xf32>
        %max3A_632 = arith.maximumf %max3A_614, %max3A_616 : vector<16xf32>
        %min3A_633 = arith.minimumf %min3A_617, %min3A_619 : vector<16xf32>
        %max3A_634 = arith.maximumf %min3A_617, %min3A_619 : vector<16xf32>
        %min3A_635 = arith.minimumf %max3A_618, %max3A_620 : vector<16xf32>
        %max3A_636 = arith.maximumf %max3A_618, %max3A_620 : vector<16xf32>
        %min3A_637 = arith.minimumf %min3A_623, %max3A_622 : vector<16xf32>
        %max3A_638 = arith.maximumf %min3A_623, %max3A_622 : vector<16xf32>
        %min3A_639 = arith.minimumf %min3A_627, %max3A_626 : vector<16xf32>
        %max3A_640 = arith.maximumf %min3A_627, %max3A_626 : vector<16xf32>
        %min3A_641 = arith.minimumf %min3A_631, %max3A_630 : vector<16xf32>
        %max3A_642 = arith.maximumf %min3A_631, %max3A_630 : vector<16xf32>
        %min3A_643 = arith.minimumf %min3A_635, %max3A_634 : vector<16xf32>
        %max3A_644 = arith.maximumf %min3A_635, %max3A_634 : vector<16xf32>
        %min3A_645 = arith.minimumf %min3A_621, %min3A_625 : vector<16xf32>
        %max3A_646 = arith.maximumf %min3A_621, %min3A_625 : vector<16xf32>
        %min3A_647 = arith.minimumf %min3A_637, %min3A_639 : vector<16xf32>
        %max3A_648 = arith.maximumf %min3A_637, %min3A_639 : vector<16xf32>
        %min3A_649 = arith.minimumf %max3A_638, %max3A_640 : vector<16xf32>
        %max3A_650 = arith.maximumf %max3A_638, %max3A_640 : vector<16xf32>
        %min3A_651 = arith.minimumf %max3A_624, %max3A_628 : vector<16xf32>
        %max3A_652 = arith.maximumf %max3A_624, %max3A_628 : vector<16xf32>
        %min3A_653 = arith.minimumf %min3A_629, %min3A_633 : vector<16xf32>
        %max3A_654 = arith.maximumf %min3A_629, %min3A_633 : vector<16xf32>
        %min3A_655 = arith.minimumf %min3A_641, %min3A_643 : vector<16xf32>
        %max3A_656 = arith.maximumf %min3A_641, %min3A_643 : vector<16xf32>
        %min3A_657 = arith.minimumf %max3A_642, %max3A_644 : vector<16xf32>
        %max3A_658 = arith.maximumf %max3A_642, %max3A_644 : vector<16xf32>
        %min3A_659 = arith.minimumf %max3A_632, %max3A_636 : vector<16xf32>
        %max3A_660 = arith.maximumf %max3A_632, %max3A_636 : vector<16xf32>
        %min3A_661 = arith.minimumf %min3A_649, %max3A_646 : vector<16xf32>
        %max3A_662 = arith.maximumf %min3A_649, %max3A_646 : vector<16xf32>
        %min3A_663 = arith.minimumf %min3A_651, %max3A_648 : vector<16xf32>
        %max3A_664 = arith.maximumf %min3A_651, %max3A_648 : vector<16xf32>
        %min3A_665 = arith.minimumf %min3A_657, %max3A_654 : vector<16xf32>
        %max3A_666 = arith.maximumf %min3A_657, %max3A_654 : vector<16xf32>
        %min3A_667 = arith.minimumf %min3A_659, %max3A_656 : vector<16xf32>
        %max3A_668 = arith.maximumf %min3A_659, %max3A_656 : vector<16xf32>
        %min3A_669 = arith.minimumf %min3A_647, %min3A_661 : vector<16xf32>
        %max3A_670 = arith.maximumf %min3A_647, %min3A_661 : vector<16xf32>
        %min3A_671 = arith.minimumf %min3A_663, %max3A_662 : vector<16xf32>
        %max3A_672 = arith.maximumf %min3A_663, %max3A_662 : vector<16xf32>
        %min3A_673 = arith.minimumf %max3A_664, %max3A_650 : vector<16xf32>
        %max3A_674 = arith.maximumf %max3A_664, %max3A_650 : vector<16xf32>
        %min3A_675 = arith.minimumf %min3A_655, %min3A_665 : vector<16xf32>
        %max3A_676 = arith.maximumf %min3A_655, %min3A_665 : vector<16xf32>
        %min3A_677 = arith.minimumf %min3A_667, %max3A_666 : vector<16xf32>
        %max3A_678 = arith.maximumf %min3A_667, %max3A_666 : vector<16xf32>
        %min3A_679 = arith.minimumf %max3A_668, %max3A_658 : vector<16xf32>
        %max3A_680 = arith.maximumf %max3A_668, %max3A_658 : vector<16xf32>
        %max3A_681 = arith.maximumf %min3A_645, %min3A_653 : vector<16xf32>
        %max3A_682 = arith.maximumf %min3A_669, %min3A_675 : vector<16xf32>
        %max3A_683 = arith.maximumf %max3A_670, %max3A_676 : vector<16xf32>
        %max3A_684 = arith.maximumf %min3A_671, %min3A_677 : vector<16xf32>
        %min3A_685 = arith.minimumf %max3A_672, %max3A_678 : vector<16xf32>
        %min3A_686 = arith.minimumf %min3A_673, %min3A_679 : vector<16xf32>
        %min3A_687 = arith.minimumf %max3A_674, %max3A_680 : vector<16xf32>
        %min3A_688 = arith.minimumf %max3A_652, %max3A_660 : vector<16xf32>
        %max3A_689 = arith.maximumf %min3A_685, %max3A_681 : vector<16xf32>
        %max3A_690 = arith.maximumf %min3A_686, %max3A_682 : vector<16xf32>
        %min3A_691 = arith.minimumf %min3A_687, %max3A_683 : vector<16xf32>
        %min3A_692 = arith.minimumf %min3A_688, %max3A_684 : vector<16xf32>
        %max3A_693 = arith.maximumf %min3A_691, %max3A_689 : vector<16xf32>
        %min3A_694 = arith.minimumf %min3A_692, %max3A_690 : vector<16xf32>
        %min3A_695 = arith.minimumf %min3A_694, %max3A_693 : vector<16xf32>
        %max3A_696 = arith.maximumf %min3A_694, %max3A_693 : vector<16xf32>
        %min3A_697 = arith.minimumf %bitcast_convert_type3A_588, %max3A_696 : vector<16xf32>
        %max3A_698 = arith.maximumf %min3A_695, %min3A_697 : vector<16xf32>
        %max3A_699 = arith.constant 0.000000e+00 : f32
        %max3A_700 = vector.broadcast %max3A_699 : f32 to vector<16xf32>
        %max3A_701 = arith.maximumf %max3A_587, %max3A_700 : vector<16xf32>
        %max3A_702 = arith.constant 0.000000e+00 : f32
        %max3A_703 = vector.broadcast %max3A_702 : f32 to vector<16xf32>
        %max3A_704 = arith.maximumf %max3A_698, %max3A_703 : vector<16xf32>
        %bitcast_convert_type3A_705 = tpu.bitcast %max3A_701 : vector<16xf32> -> vector<16xi32>
        %bitcast_convert_type3A_706 = tpu.bitcast %max3A_704 : vector<16xf32> -> vector<16xi32>
        %shift_right_logical3A = arith.constant 16 : i32
        %shift_right_logical3A_707 = vector.broadcast %shift_right_logical3A : i32 to vector<16xi32>
        %shift_right_logical3A_708 = arith.shrui %bitcast_convert_type3A_705, %shift_right_logical3A_707 : vector<16xi32>
        %and3A_709 = arith.constant -65536 : i32
        %and3A_710 = vector.broadcast %and3A_709 : i32 to vector<16xi32>
        %and3A_711 = arith.andi %bitcast_convert_type3A_706, %and3A_710 : vector<16xi32>
        %or3A = arith.ori %shift_right_logical3A_708, %and3A_711 : vector<16xi32>
        %swap3A = arith.constant 1 : i32
        %swap3A_712 = arith.index_cast %swap3A : i32 to index
        %swap3A_713 = arith.index_cast %select_n3A : i32 to index
        %swap3A_714 = arith.index_cast %mul3A_264 : i32 to index
        %swap3A_715 = tpu.vector_load %arg8[%swap3A_712, %swap3A_713, %swap3A_714] {strides = array<i32>} : memref<2x8x128xi32, #tpu.memory_space<vmem>>, vector<1x1x16xi32>,
        %swap3A_716 = vector.shape_cast %swap3A_715 : vector<1x1x16xi32> to vector<16xi32>
        %swap3A_717 = vector.shape_cast %or3A : vector<16xi32> to vector<1x1x16xi32>
        tpu.vector_store %arg8[%swap3A_712, %swap3A_713, %swap3A_714], %swap3A_717 {strides = array<i32>} : memref<2x8x128xi32, #tpu.memory_space<vmem>>, vector<1x1x16xi32>,
      }
      %scan3A_207 = arith.constant 64 : i32
      %mul3A_208 = arith.constant 8 : i32
      %mul3A_209 = arith.muli %add3A_169, %mul3A_208 : i32
      %add3A_210 = arith.addi %mul3A_2, %mul3A_209 : i32
      %dma_start3A_211 = arith.constant 1 : i32
      %dma_start3A_212 = arith.constant 0 : i32
      %dma_start3A_213 = arith.constant 0 : i32
      %dma_start3A_214 = tpu.memref_slice %arg8[%dma_start3A_211, %dma_start3A_212, %dma_start3A_213] : memref<2x8x128xi32, #tpu.memory_space<vmem>> -> memref<1x8x128xi32, #tpu.memory_space<vmem>>
      %dma_start3A_215 = tpu.memref_squeeze %dma_start3A_214 : memref<1x8x128xi32, #tpu.memory_space<vmem>> -> memref<8x128xi32, #tpu.memory_space<vmem>>
      %dma_start3A_216 = arith.constant 0 : i32
      %dma_start3A_217 = tpu.memref_slice %arg4[%add3A_210, %dma_start3A_216] : memref<10240x128xi32, #tpu.memory_space<hbm>> -> memref<8x128xi32, #tpu.memory_space<hbm>>
      %dma_start3A_218 = arith.constant 0 : i32
      %dma_start3A_219 = tpu.memref_slice %arg4[%add3A_210, %dma_start3A_218] : memref<10240x128xi32, #tpu.memory_space<hbm>> -> memref<8x128xi32, #tpu.memory_space<hbm>>
      %dma_start3A_220 = arith.constant 0 : i32
      %dma_start3A_221 = arith.constant 0 : i32
      %dma_start3A_222 = tpu.memref_slice %arg8[%dma_start3A_211, %dma_start3A_220, %dma_start3A_221] : memref<2x8x128xi32, #tpu.memory_space<vmem>> -> memref<1x8x128xi32, #tpu.memory_space<vmem>>
      %dma_start3A_223 = tpu.memref_squeeze %dma_start3A_222 : memref<1x8x128xi32, #tpu.memory_space<vmem>> -> memref<8x128xi32, #tpu.memory_space<vmem>>
      tpu.enqueue_dma source(%dma_start3A_223 : memref<8x128xi32, #tpu.memory_space<vmem>>) target(%dma_start3A_219 : memref<8x128xi32, #tpu.memory_space<hbm>>) target_semaphore(%arg15 : memref<!tpu.dma_semaphore, #tpu.memory_space<semaphore_mem>>)
      %add3A_224 = arith.constant 2 : i32
      %add3A_225 = arith.addi %add3A_169, %add3A_224 : i32
      %lt3A_226 = arith.constant 40 : i32
      %lt3A_227 = arith.cmpi slt, %add3A_225, %lt3A_226 : i32
      %convert_element_type3A_228 = arith.extui %lt3A_227 : i1 to i32
      %cond3A_229 = arith.constant 0 : i32
      %cond3A_230 = arith.cmpi ne, %convert_element_type3A_228, %cond3A_229 : i32
      scf.if %cond3A_230 {
        %add3A_231 = arith.constant 2 : i32
        %add3A_232 = arith.addi %add3A_169, %add3A_231 : i32
        %mul3A_233 = arith.constant 8 : i32
        %mul3A_234 = arith.muli %add3A_232, %mul3A_233 : i32
        %add3A_235 = arith.addi %mul3A_2, %mul3A_234 : i32
        %mul3A_236 = arith.constant 128 : i32
        %mul3A_237 = arith.muli %add3A_232, %mul3A_236 : i32
        %dma_start3A_238 = arith.constant 1 : i32
        %dma_start3A_239 = arith.constant 0 : i32
        %dma_start3A_240 = arith.constant 0 : i32
        %dma_start3A_241 = tpu.memref_slice %arg6[%dma_start3A_238, %dma_start3A_239, %dma_start3A_240] : memref<2x128x128xi32, #tpu.memory_space<vmem>> -> memref<1x128x128xi32, #tpu.memory_space<vmem>>
        %dma_start3A_242 = tpu.memref_squeeze %dma_start3A_241 : memref<1x128x128xi32, #tpu.memory_space<vmem>> -> memref<128x128xi32, #tpu.memory_space<vmem>>
        %dma_start3A_243 = tpu.memref_slice %arg5[%mul3A_237] : memref<5120xi32, #tpu.memory_space<vmem>> -> memref<128xi32, #tpu.memory_space<vmem>>
        %dma_start3A_244 = arith.constant 0 : i32
        %dma_start3A_245 = arith.constant 0 : i32
        %dma_start3A_246 = tpu.memref_slice %arg9[%dma_start3A_244, %dma_start3A_245] : memref<10240x128xi32, #tpu.memory_space<vmem_shared>> -> memref<10240x128xi32, #tpu.memory_space<vmem_shared>>
        tpu.enqueue_indirect_dma source(%dma_start3A_246 : memref<10240x128xi32, #tpu.memory_space<vmem_shared>>) target(%dma_start3A_242 : memref<128x128xi32, #tpu.memory_space<vmem>>) offsets(%dma_start3A_243 : memref<128xi32, #tpu.memory_space<vmem>>) semaphore(%arg11 : memref<!tpu.dma_semaphore, #tpu.memory_space<semaphore_mem>>)
        %dma_start3A_247 = arith.constant 1 : i32
        %dma_start3A_248 = arith.constant 0 : i32
        %dma_start3A_249 = arith.constant 0 : i32
        %dma_start3A_250 = tpu.memref_slice %arg7[%dma_start3A_247, %dma_start3A_248, %dma_start3A_249] : memref<2x8x128xi32, #tpu.memory_space<vmem>> -> memref<1x8x128xi32, #tpu.memory_space<vmem>>
        %dma_start3A_251 = tpu.memref_squeeze %dma_start3A_250 : memref<1x8x128xi32, #tpu.memory_space<vmem>> -> memref<8x128xi32, #tpu.memory_space<vmem>>
        %dma_start3A_252 = arith.constant 0 : i32
        %dma_start3A_253 = tpu.memref_slice %arg9[%add3A_235, %dma_start3A_252] : memref<10240x128xi32, #tpu.memory_space<vmem_shared>> -> memref<8x128xi32, #tpu.memory_space<vmem_shared>>
        %dma_start3A_254 = arith.constant 0 : i32
        %dma_start3A_255 = arith.constant 0 : i32
        %dma_start3A_256 = tpu.memref_slice %arg7[%dma_start3A_247, %dma_start3A_254, %dma_start3A_255] : memref<2x8x128xi32, #tpu.memory_space<vmem>> -> memref<1x8x128xi32, #tpu.memory_space<vmem>>
        %dma_start3A_257 = tpu.memref_squeeze %dma_start3A_256 : memref<1x8x128xi32, #tpu.memory_space<vmem>> -> memref<8x128xi32, #tpu.memory_space<vmem>>
        %dma_start3A_258 = arith.constant 0 : i32
        %dma_start3A_259 = tpu.memref_slice %arg9[%add3A_235, %dma_start3A_258] : memref<10240x128xi32, #tpu.memory_space<vmem_shared>> -> memref<8x128xi32, #tpu.memory_space<vmem_shared>>
        tpu.enqueue_dma source(%dma_start3A_259 : memref<8x128xi32, #tpu.memory_space<vmem_shared>>) target(%dma_start3A_257 : memref<8x128xi32, #tpu.memory_space<vmem>>) target_semaphore(%arg13 : memref<!tpu.dma_semaphore, #tpu.memory_space<semaphore_mem>>)
      } else {
      }
    }
    %scan3A_70 = arith.constant 20 : i32
    %mul3A_71 = arith.constant 38 : i32
    %mul3A_72 = arith.constant 8 : i32
    %mul3A_73 = arith.muli %mul3A_71, %mul3A_72 : i32
    %add3A_74 = arith.addi %mul3A_2, %mul3A_73 : i32
    %dma_wait3A = arith.constant 0 : i32
    %dma_wait3A_75 = arith.constant 0 : i32
    %dma_wait3A_76 = arith.constant 0 : i32
    %dma_wait3A_77 = tpu.memref_slice %arg8[%dma_wait3A, %dma_wait3A_75, %dma_wait3A_76] : memref<2x8x128xi32, #tpu.memory_space<vmem>> -> memref<1x8x128xi32, #tpu.memory_space<vmem>>
    %dma_wait3A_78 = tpu.memref_squeeze %dma_wait3A_77 : memref<1x8x128xi32, #tpu.memory_space<vmem>> -> memref<8x128xi32, #tpu.memory_space<vmem>>
    %dma_wait3A_79 = arith.constant 0 : i32
    %dma_wait3A_80 = tpu.memref_slice %arg4[%add3A_74, %dma_wait3A_79] : memref<10240x128xi32, #tpu.memory_space<hbm>> -> memref<8x128xi32, #tpu.memory_space<hbm>>
    %dma_wait3A_81 = arith.constant 0 : i32
    %dma_wait3A_82 = tpu.memref_slice %arg4[%add3A_74, %dma_wait3A_81] : memref<10240x128xi32, #tpu.memory_space<hbm>> -> memref<8x128xi32, #tpu.memory_space<hbm>>
    %dma_wait3A_83 = arith.constant 0 : i32
    %dma_wait3A_84 = arith.constant 0 : i32
    %dma_wait3A_85 = tpu.memref_slice %arg8[%dma_wait3A, %dma_wait3A_83, %dma_wait3A_84] : memref<2x8x128xi32, #tpu.memory_space<vmem>> -> memref<1x8x128xi32, #tpu.memory_space<vmem>>
    %dma_wait3A_86 = tpu.memref_squeeze %dma_wait3A_85 : memref<1x8x128xi32, #tpu.memory_space<vmem>> -> memref<8x128xi32, #tpu.memory_space<vmem>>
    tpu.wait_dma2 semaphore(%arg14 : memref<!tpu.dma_semaphore, #tpu.memory_space<semaphore_mem>>) src(%dma_wait3A_86 : memref<8x128xi32, #tpu.memory_space<vmem>>) dst(%dma_wait3A_82 : memref<8x128xi32, #tpu.memory_space<hbm>>)
    %mul3A_87 = arith.constant 39 : i32
    %mul3A_88 = arith.constant 8 : i32
    %mul3A_89 = arith.muli %mul3A_87, %mul3A_88 : i32
    %add3A_90 = arith.addi %mul3A_2, %mul3A_89 : i32
    %dma_wait3A_91 = arith.constant 1 : i32
    %dma_wait3A_92 = arith.constant 0 : i32
    %dma_wait3A_93 = arith.constant 0 : i32
    %dma_wait3A_94 = tpu.memref_slice %arg8[%dma_wait3A_91, %dma_wait3A_92, %dma_wait3A_93] : memref<2x8x128xi32, #tpu.memory_space<vmem>> -> memref<1x8x128xi32, #tpu.memory_space<vmem>>
    %dma_wait3A_95 = tpu.memref_squeeze %dma_wait3A_94 : memref<1x8x128xi32, #tpu.memory_space<vmem>> -> memref<8x128xi32, #tpu.memory_space<vmem>>
    %dma_wait3A_96 = arith.constant 0 : i32
    %dma_wait3A_97 = tpu.memref_slice %arg4[%add3A_90, %dma_wait3A_96] : memref<10240x128xi32, #tpu.memory_space<hbm>> -> memref<8x128xi32, #tpu.memory_space<hbm>>
    %dma_wait3A_98 = arith.constant 0 : i32
    %dma_wait3A_99 = tpu.memref_slice %arg4[%add3A_90, %dma_wait3A_98] : memref<10240x128xi32, #tpu.memory_space<hbm>> -> memref<8x128xi32, #tpu.memory_space<hbm>>
    %dma_wait3A_100 = arith.constant 0 : i32
    %dma_wait3A_101 = arith.constant 0 : i32
    %dma_wait3A_102 = tpu.memref_slice %arg8[%dma_wait3A_91, %dma_wait3A_100, %dma_wait3A_101] : memref<2x8x128xi32, #tpu.memory_space<vmem>> -> memref<1x8x128xi32, #tpu.memory_space<vmem>>
    %dma_wait3A_103 = tpu.memref_squeeze %dma_wait3A_102 : memref<1x8x128xi32, #tpu.memory_space<vmem>> -> memref<8x128xi32, #tpu.memory_space<vmem>>
    tpu.wait_dma2 semaphore(%arg15 : memref<!tpu.dma_semaphore, #tpu.memory_space<semaphore_mem>>) src(%dma_wait3A_103 : memref<8x128xi32, #tpu.memory_space<vmem>>) dst(%dma_wait3A_99 : memref<8x128xi32, #tpu.memory_space<hbm>>)
    return
  }
}

module attributes {stable_mosaic.version = 14 : i64} {
  func.func @_mm_body(%arg0: i32, %arg1: memref<512x256xf32, #tpu.memory_space<vmem>>, %arg2: memref<256x256xf32, #tpu.memory_space<vmem>>, %arg3: memref<512x256xbf16, #tpu.memory_space<vmem>>) attributes {dimension_semantics = [#tpu.dimension_semantics<arbitrary>], iteration_bounds = array<i64: 20>, scalar_prefetch = 0 : i64, scratch_operands = 0 : i64, tpu.core_type = #tpu.core_type<tc>, window_params = [{transform_indices = @transform_0, window_bounds = array<i64: 512, 256>}, {pipeline_mode = #tpu.pipeline_mode<synchronous>, transform_indices = @transform_1, window_bounds = array<i64: 256, 256>}, {transform_indices = @transform_2, window_bounds = array<i64: 512, 256>}]} {
    %get3A = arith.constant 0 : index
    %get3A_0 = arith.constant 0 : index
    %get3A_1 = vector.load %arg1[%get3A, %get3A_0] : memref<512x256xf32, #tpu.memory_space<vmem>>, vector<512x256xf32>
    %get3A_2 = arith.constant 0 : index
    %get3A_3 = arith.constant 0 : index
    %get3A_4 = vector.load %arg2[%get3A_2, %get3A_3] : memref<256x256xf32, #tpu.memory_space<vmem>>, vector<256x256xf32>
    %dot_general3A = arith.constant dense<0.000000e+00> : vector<512x256xf32>
    %dot_general3A_5 = tpu.matmul %get3A_1, %get3A_4, %dot_general3A {dimension_numbers = #tpu.dot_dimension_numbers<[1], [0], [0], [1], [0, 0, 1, 1], [], []>, transpose_lhs_hint = false} : vector<512x256xf32>, vector<256x256xf32>, vector<512x256xf32> -> vector<512x256xf32>
    %convert_element_type3A = arith.truncf %dot_general3A_5 : vector<512x256xf32> to vector<512x256xbf16>
    %swap3A = arith.constant 0 : index
    %swap3A_6 = arith.constant 0 : index
    %swap3A_7 = vector.load %arg3[%swap3A, %swap3A_6] : memref<512x256xbf16, #tpu.memory_space<vmem>>, vector<512x256xbf16>
    tpu.vector_store %arg3[%swap3A, %swap3A_6], %convert_element_type3A {strides = array<i32>} : memref<512x256xbf16, #tpu.memory_space<vmem>>, vector<512x256xbf16>,
    return
  }
  func.func @transform_0(%arg0: i32) -> (i32, i32) {
    %c0_i32 = arith.constant 0 : i32
    %c0_i32_0 = arith.constant 0 : i32
    return %arg0, %c0_i32 : i32, i32
  }
  func.func @transform_1(%arg0: i32) -> (i32, i32) {
    %c0_i32 = arith.constant 0 : i32
    %c0_i32_0 = arith.constant 0 : i32
    %c0_i32_1 = arith.constant 0 : i32
    return %c0_i32, %c0_i32_0 : i32, i32
  }
  func.func @transform_2(%arg0: i32) -> (i32, i32) {
    %c0_i32 = arith.constant 0 : i32
    %c0_i32_0 = arith.constant 0 : i32
    return %arg0, %c0_i32 : i32, i32
  }
}

module attributes {stable_mosaic.version = 14 : i64} {
  func.func @_mm_body(%arg0: i32, %arg1: memref<512x256xbf16, #tpu.memory_space<vmem>>, %arg2: memref<256x256xf32, #tpu.memory_space<vmem>>, %arg3: memref<512x256xbf16, #tpu.memory_space<vmem>>) attributes {dimension_semantics = [#tpu.dimension_semantics<arbitrary>], iteration_bounds = array<i64: 20>, scalar_prefetch = 0 : i64, scratch_operands = 0 : i64, tpu.core_type = #tpu.core_type<tc>, window_params = [{transform_indices = @transform_0, window_bounds = array<i64: 512, 256>}, {pipeline_mode = #tpu.pipeline_mode<synchronous>, transform_indices = @transform_1, window_bounds = array<i64: 256, 256>}, {transform_indices = @transform_2, window_bounds = array<i64: 512, 256>}]} {
    %get3A = arith.constant 0 : index
    %get3A_0 = arith.constant 0 : index
    %get3A_1 = vector.load %arg1[%get3A, %get3A_0] : memref<512x256xbf16, #tpu.memory_space<vmem>>, vector<512x256xbf16>
    %get3A_2 = arith.constant 0 : index
    %get3A_3 = arith.constant 0 : index
    %get3A_4 = vector.load %arg2[%get3A_2, %get3A_3] : memref<256x256xf32, #tpu.memory_space<vmem>>, vector<256x256xf32>
    %dot_general3A = arith.constant dense<0.000000e+00> : vector<512x256xf32>
    %dot_general3A_5 = tpu.matmul %get3A_1, %get3A_4, %dot_general3A {dimension_numbers = #tpu.dot_dimension_numbers<[1], [0], [0], [1], [0, 0, 1, 1], [], []>, transpose_lhs_hint = false} : vector<512x256xbf16>, vector<256x256xf32>, vector<512x256xf32> -> vector<512x256xf32>
    %convert_element_type3A = arith.truncf %dot_general3A_5 : vector<512x256xf32> to vector<512x256xbf16>
    %swap3A = arith.constant 0 : index
    %swap3A_6 = arith.constant 0 : index
    %swap3A_7 = vector.load %arg3[%swap3A, %swap3A_6] : memref<512x256xbf16, #tpu.memory_space<vmem>>, vector<512x256xbf16>
    tpu.vector_store %arg3[%swap3A, %swap3A_6], %convert_element_type3A {strides = array<i32>} : memref<512x256xbf16, #tpu.memory_space<vmem>>, vector<512x256xbf16>,
    return
  }
  func.func @transform_0(%arg0: i32) -> (i32, i32) {
    %c0_i32 = arith.constant 0 : i32
    %c0_i32_0 = arith.constant 0 : i32
    return %arg0, %c0_i32 : i32, i32
  }
  func.func @transform_1(%arg0: i32) -> (i32, i32) {
    %c0_i32 = arith.constant 0 : i32
    %c0_i32_0 = arith.constant 0 : i32
    %c0_i32_1 = arith.constant 0 : i32
    return %c0_i32, %c0_i32_0 : i32, i32
  }
  func.func @transform_2(%arg0: i32) -> (i32, i32) {
    %c0_i32 = arith.constant 0 : i32
    %c0_i32_0 = arith.constant 0 : i32
    return %arg0, %c0_i32 : i32, i32
  }
}

</mosaic_0001>

<sc_bundles>
// kernel: kernel.6.cloned.1.call-start
scs
__scs_entry_jumppad:
0x0: {  	(pc) =	sbr.rel $0x88, $3  }
0x1: {  	(tag) =	ssettag $0x0;
	lr =	simm.s32 $0x1  }
0x2: {  	[smem:$0x3F9D] =	sst lr;
	_ =	strace $0xD0000000  }
0x3: {  	_ = 	snop  }
0x4: {  	_ = 	snop  }
0x5: {  	_ = 	snop  }
0x6: {  	_ = 	snop  }
0x7: {  	_ = 	snop  }
__scs_overlays_trampoline_lowered:
0x8: {  	[smem:$0x3FAC] =	sst s0  }
0x9: {  	[smem:$0x3FAD] =	sst s1  }
0xa: {  	[smem:$0x3FAE] =	sst s2  }
0xb: {  	[smem:$0x3FAF] =	sst s3  }
0xc: {  	[smem:$0x3FB0] =	sst s4  }
0xd: {  	[smem:$0x3FB1] =	sst s5  }
0xe: {  	[smem:$0x3FB2] =	sst s6  }
0xf: {  	[smem:$0x3FB3] =	sst s7  }
0x10: {  	[smem:$0x3FB4] =	sst s8  }
0x11: {  	[smem:$0x3FB5] =	sst s9;
	s0 =	simm.s32 @!p0 $0x0  }
0x12: {  	s1 =	sld [smem:$0x3F9B];
	s0 =	simm.s32 @p0 $0x1  }
0x13: {  	[smem:$0x3FB6] =	sst s0;
	s0 =	simm.s32 @!p1 $0x0  }
0x14: {  	s2 =	sld [smem:$0x3F9A];
	s0 =	simm.s32 @p1 $0x1  }
0x15: {  	[smem:$0x3FB7] =	sst s0;
	s0 =	simm.s32 @!p2 $0x0  }
0x16: {  	s3 =	sld [smem:$0x3FDB];
	s0 =	simm.s32 @p2 $0x1  }
0x17: {  	s4 =	simm.s32 $0x1BF5;
	[smem:$0x3FB9] =	sst s0  }
0x18: {  	s0 =	sld [smem:$0x3F9C];
	_ =	swait.ge [sflag:s4], $0x0  }
0x19: {  	s7 =	sld [smem:$0x3F9D]  }
0x1a: {  	s8 =	sadd.s32 $0xFFFFE003, lr  }
0x1b: {  	s9 =	sadd.s32 $0xFFFFFEF7, lr;
	s5 =	simm.s32 $0xFFFFFFFF;
	p2 =	slt.u32 s8, $0xFFFFF086  }
0x1c: {  	p1 =	slt.u32 s9, $0xF7A;
	s5 =	simm.s32 @!p2 $0x0  }
0x1d: {  	s5 =	simm.s32 @p1 $0x1;
	p0 =	seq.s32 s7, s2  }
0x1e: {  	s7 =	smul.u32 @!p0 $0xF7A, s2;
	p2 =	seq.s32 @!p0 s5, $0x0  }
0x1f: {  	s9 =	smul.u32 $0xF7A, s1;
	s8 =	simm.s32 @!p0 $0x1BF5;
	p2 =	por !p2, p0  }
0x20: {  	[sflag:s8] =	ssyncset.s32 @!p0 $0xFFFFF086;
	s6 =	sadd.s32 @!p0 s3, s7;
	s7 =	simm.s32 @!p0 $0x108  }
0x21: {  	s3 =	sadd.s32 s3, s9;
	s6 =	sadd.s32 @!p0 $0x88, s6;
	s7 =	simm.s32 @p2 $0x1082  }
0x22: {  	[simem:s7], [sflag:s8] =	dma.local @!p0 [hbm:s6], $0xF7A  }
0x23: {  	s9 =	sor.u32 $0xD0000000, s2;
	s6 =	simm.s32 $0x108;
	_ =	swait.ge @!p0 [sflag:s8], $0x0  }
0x24: {  	s3 =	sadd.s32 $0x88, s3;
	s6 =	simm.s32 @!p1 $0x1082;
	[sflag:s4] =	ssyncset.s32 $0xFFFFF086  }
0x25: {  	[simem:s6], [sflag:s4] =	dma.local [hbm:s3], $0xF7A  }
0x26: {  	[smem:$0x3F9D] =	sst s1;
	(tag) =	ssettag s2;
	_ =	strace s9  }
0x27: {  	s1 =	sld [smem:$0x3FAD]  }
0x28: {  	s2 =	sld [smem:$0x3FAE]  }
0x29: {  	s4 =	sld [smem:$0x3FB0]  }
0x2a: {  	p0 =	seq.s32 s5, $0x0;
	s5 =	sld [smem:$0x3FB1]  }
0x2b: {  	s6 =	sld [smem:$0x3FB2]  }
0x2c: {  	s7 =	sld [smem:$0x3FB3]  }
0x2d: {  	s3 =	simm.s32 $0x108;
	s8 =	sld [smem:$0x3FB4]  }
0x2e: {  	s3 =	simm.s32 @!p0 $0x1082;
	s9 =	sld [smem:$0x3FB5]  }
0x2f: {  	lr =	sadd.s32 s0, s3;
	s0 =	sld [smem:$0x3FAC]  }
0x30: {  	s3 =	sld [smem:$0x3FAF]  }
0x31: {  	[smem:$0x3FB8] =	sst s10  }
0x32: {  	s10 =	sld [smem:$0x3FB6];
	_ =	sdelay $0x3  }
0x33: {  	p0 =	seq.s32 s10, $0x1;
	s10 =	sld [smem:$0x3FB8];
	_ =	sdelay $0x3  }
0x34: {  	[smem:$0x3FB8] =	sst s10  }
0x35: {  	s10 =	sld [smem:$0x3FB7];
	_ =	sdelay $0x3  }
0x36: {  	p1 =	seq.s32 s10, $0x1;
	s10 =	sld [smem:$0x3FB8];
	_ =	sdelay $0x3  }
0x37: {  	[smem:$0x3FB8] =	sst s10  }
0x38: {  	s10 =	sld [smem:$0x3FB9]  }
0x39: {  	_ = 	snop;
	(pc) =	sbr.ind lr, $3  }
0x3a: {  	_ = 	snop  }
0x3b: {  	_ = 	snop  }
0x3c: {  	p2 =	seq.s32 s10, $0x1;
	s10 =	sld [smem:$0x3FB8]  }
0x3d: {  	_ =	shalt  }
0x3e: {  	_ =	shalt  }
0x3f: {  	_ =	shalt  }
0x40: {  	_ =	shalt  }
0x41: {  	_ =	shalt  }
0x42: {  	_ =	shalt  }
0x43: {  	_ =	shalt  }
0x44: {  	_ =	shalt  }
0x45: {  	_ =	shalt  }
0x46: {  	_ =	shalt  }
0x47: {  	_ =	shalt  }
0x48: {  	_ =	shalt  }
0x49: {  	_ =	shalt  }
0x4a: {  	_ =	shalt  }
0x4b: {  	_ =	shalt  }
0x4c: {  	_ =	shalt  }
0x4d: {  	_ =	shalt  }
0x4e: {  	_ =	shalt  }
0x4f: {  	_ =	shalt  }
0x50: {  	_ =	shalt  }
0x51: {  	_ =	shalt  }
0x52: {  	_ =	shalt  }
0x53: {  	_ =	shalt  }
0x54: {  	_ =	shalt  }
0x55: {  	_ =	shalt  }
0x56: {  	_ =	shalt  }
0x57: {  	_ =	shalt  }
0x58: {  	_ =	shalt  }
0x59: {  	_ =	shalt  }
0x5a: {  	_ =	shalt  }
0x5b: {  	_ =	shalt  }
0x5c: {  	_ =	shalt  }
0x5d: {  	_ =	shalt  }
0x5e: {  	_ =	shalt  }
0x5f: {  	_ =	shalt  }
0x60: {  	_ =	shalt  }
0x61: {  	_ =	shalt  }
0x62: {  	_ =	shalt  }
0x63: {  	_ =	shalt  }
0x64: {  	_ =	shalt  }
0x65: {  	_ =	shalt  }
0x66: {  	_ =	shalt  }
0x67: {  	_ =	shalt  }
0x68: {  	_ =	shalt  }
0x69: {  	_ =	shalt  }
0x6a: {  	_ =	shalt  }
0x6b: {  	_ =	shalt  }
0x6c: {  	_ =	shalt  }
0x6d: {  	_ =	shalt  }
0x6e: {  	_ =	shalt  }
0x6f: {  	_ =	shalt  }
0x70: {  	_ =	shalt  }
0x71: {  	_ =	shalt  }
0x72: {  	_ =	shalt  }
0x73: {  	_ =	shalt  }
0x74: {  	_ =	shalt  }
0x75: {  	_ =	shalt  }
0x76: {  	_ =	shalt  }
0x77: {  	_ =	shalt  }
0x78: {  	_ =	shalt  }
0x79: {  	_ =	shalt  }
0x7a: {  	_ =	shalt  }
0x7b: {  	_ =	shalt  }
0x7c: {  	_ =	shalt  }
0x7d: {  	_ =	shalt  }
0x7e: {  	_ =	shalt  }
0x7f: {  	_ =	shalt  }
0x80: {  	_ =	shalt  }
0x81: {  	_ =	shalt  }
0x82: {  	_ =	shalt  }
0x83: {  	_ =	shalt  }
0x84: {  	_ =	shalt  }
0x85: {  	_ =	shalt  }
0x86: {  	_ =	shalt  }
0x87: {  	_ =	shalt  }
.Lfunc_end0:
.L_simem_size_0:
called_computation_lowered:
.L_overlay_start_0:
0x88: {  	s2 =	sld [smem:$0x3FD9]  }
0x89: {  	s3 =	sld [smem:$0x3FFE];
	_ =	sdelay $0x1  }
0x8a: {  	s1 =	srdreg.scid  }
0x8b: {  	s0 =	sand.u32 $0x1, s1  }
0x8c: {  	s17 =	sshll.u32 s0, $0xA;
	s2 =	sadd.s32 s3, s2  }
0x8d: {  	s2 =	sadd.s32 s2, s17  }
0x8e: {  	[smem:$0x3FC4] =	sst s2  }
0x8f: {  	_ = 	snop  }
0x90: {  	s2 =	sld [smem:$0x3FD0];
	(tm) =	ssettm $0x1  }
0x91: {  	s18 =	sld [smem:$0x3FFB];
	_ =	sdelay $0x3  }
0x92: {  	_ =	strace s18  }
0x93: {  	s3 =	sld [smem:$0x3FFC];
	_ =	sdelay $0x3  }
0x94: {  	_ =	strace s3  }
0x95: {  	s3 =	sld [smem:$0x3FFD];
	_ =	sdelay $0x3  }
0x96: {  	_ =	strace s3  }
0x97: {  	_ =	strace $0x8FFFFFFF  }
0x98: {  	s19 =	sld [smem:$0x3FDB];
	_ =	sdelay $0x1  }
0x99: {  	s4 =	simm.s32 $_scs_section_size  }
0x9a: {  	s5 =	simm.s32 $_size__tile_overlayer_lowered;
	s6 =	simm.s32 $_tile_overlayer_lowered  }
0x9b: {  	s22 =	simm.s32 $0x1BFF;
	s21 =	sshll.u32 s6, $0x1;
	s3 =	sadd.s32 s4, s19  }
0x9c: {  	s7 =	simm.s32 $0x0;
	s20 =	sshll.u32 s5, $0x1;
	s5 =	sadd.s32 s21, s3  }
0x9d: {  	[timem:s7], [sflag:s22] =	dma.local [hbm:s5], s20  }
0x9e: {  	_ =	swait.ge [sflag:s22], s20  }
0x9f: {  	s4 =	ssub.s32 $0x0, s20;
	[sflag:s22] =	ssyncset.done $0x0  }
0xa0: {  	[sflag:s22] =	ssyncadd.s32 s4;
	_ =	sdelay $0x1  }
0xa1: {  	s23 =	simm.s32 $0x1B8B  }
0xa2: {  	_ =	swait.ge [sflag:s23], $0x1  }
0xa3: {  	[sflag:s23] =	ssyncset.done $0x0  }
0xa4: {  	s25 =	simm.s32 $0x1B8E;
	s24 =	sld [smem:$0x3FFE];
	[sflag:s23] =	ssyncadd.s32 $0xFFFFFFFF  }
0xa5: {  	s26 =	simm.s32 $execute0_lowered;
	[smem:$0x3FD2] =	sst s25  }
0xa6: {  	s5 =	sshll.u32 s26, $0x1;
	_ =	strace $0x80000046;
	[dreg:$0x1] =	wrdreg $0xFFFFFFFF  }
0xa7: {  	s28 =	simm.s32 $_size_execute0_lowered;
	s3 =	sadd.s32 s3, s5;
	[dreg:$0x0] =	wrdreg $0x0  }
0xa8: {  	s5 =	sshll.u32 s28, $0x1;
	[dreg:$0x2] =	wrdreg s3  }
0xa9: {  	[dreg:$0x3] =	wrdreg s5  }
0xaa: {  	[dreg:$0x4] =	wrdreg $0xC0  }
0xab: {  	_ =	task [dreg:s7], $0x5FFFF  }
0xac: {  	[dreg:$0x1] =	wrdreg $0xFFFFFFFF  }
0xad: {  	[dreg:$0x0] =	wrdreg $0x60  }
0xae: {  	[dreg:$0x2] =	wrdreg s2  }
0xaf: {  	[dreg:$0x3] =	wrdreg s24  }
0xb0: {  	[dreg:$0x4] =	wrdreg $0xA4000  }
0xb1: {  	[dreg:$0x5] =	wrdreg $0x9  }
0xb2: {  	_ =	task.clear_ibuf [dreg:s7], $0x6FFFF;
	_ =	strace $0x90000046  }
0xb3: {  	s29 =	simm.s32 $0x9;
	_ =	strace $0x80000048  }
0xb4: {  	_ =	swait.ge [sflag:s29], $0x1  }
0xb5: {  	[sflag:s29] =	ssyncadd.s32 $0xFFFFFFFF  }
0xb6: {  	_ =	strace $0x90000048  }
0xb7: {  	_ =	sfence  }
0xb8: {  	s30 =	sld [smem:$0x0];
	_ =	sdelay $0x2  }
0xb9: {  	s31 =	sshll.u32 s1, $0xD;
	s1 =	sshrl.u32 s1, $0x2  }
0xba: {  	s3 =	sand.u32 $0x4000, s31;
	s1 =	sadd.s32 s1, s30  }
0xbb: {  	s0 =	sor.u32 s3, s0;
	s1 =	sshll.u32 s1, $0x11  }
0xbc: {  	s0 =	sor.u32 s1, s0  }
0xbd: {  	s0 =	sadd.s32 $0x8F2B, s0  }
0xbe: {  	[sflag:s0] =	ssyncadd.remote.s32 $0x1  }
0xbf: {  	_ =	sfence.sel $0xFFFF  }
0xc0: {  	[dreg:$0x0] =	wrdreg $0xFFFFFFFF;
	(pc) =	sbr.abs _section_cstart, $3  }
0xc1: {  	[dreg:$0x1] =	wrdreg $0xFFFFFFFF  }
0xc2: {  	_ =	task.clear_ibuf [dreg:s7], $0x2FFFF;
	_ =	strace $0x9FFFFFFF  }
0xc3: {  	(tm) =	ssettm $0x7FFFFFFF  }
tec
execute0_lowered:
.L_overlay_start_1:
0x0: {  	(tag) =	ssettag $0x1  }
0x1: {  	s0 =	rddreg [dreg:$0x0]  }
0x2: {  	s1 =	rddreg [dreg:$0x1];
	s3 =	srdreg.scid  }
0x3: {  	s12 =	stileid.u32;
	s2 =	rddreg [dreg:$0x2];
	s15 =	simm.s32 $0x80  }
0x4: {  	s18 =	simm.s32 $0x5400;
	s19 =	simm.s32 $0x9800;
	s20 =	simm.s32 $0x1  }
0x5: {  	s21 =	simm.s32 $0x3;
	s22 =	simm.s32 $0x9C00;
	s28 =	simm.s32 $0x6  }
0x6: {  	s29 =	simm.s32 $0x0;
	s4 =	sand.u32 $0x1, s3;
	s7 =	smul.u32 $0x50000, s12  }
0x7: {  	s5 =	sshll.u32 s12, $0x1;
	s3 =	simm.s32 $0x0;
	s25 =	smul.u32 $0x2800, s12  }
0x8: {  	s31 =	sshll.u32 s12, $0x6;
	s12 =	simm.s32 $0x7;
	s9 =	sor.u32 s4, s5  }
0x9: {  	[smem:$0x7FF] =	sst s3;
	s6 =	ssub.s32 $0x2, s4;
	s5 =	smul.u32 $0x280, s9  }
0xa: {  	s4 =	sadd.s32 $0x5E00, s1;
	s13 =	sor.u32 $0x1C07, s31;
	s10 =	smul.u32 $0x28000, s9  }
0xb: {  	_ =	strace $0x80000047;
	s8 =	sshrl.u32 s6, $0x1;
	s11 =	smul.u32 $0x1400, s9  }
0xc: {  	s24 =	sshrl.u32 s7, $0x2;
	s0 =	sadd.s32 s0, s25;
	s9 =	smul.u32 $0xA000, s9  }
0xd: {  	s25 =	simm.s32 $0xA000;
	s23 =	ssub.s32 s6, s8;
	s14 =	sadd.s32 s24, s2  }
.Ltmp0:
0xe: {  	[dreg:$0x5] =	wrdreg s0;
	s24 =	simm.s32 $0x4;
	(pc) =	sbr.rel .LBB2_1-.Ltmp0, $4  }
0xf: {  	s5 =	sadd.s32 s5, s1;
	s26 =	sshrl.u32 s10, $0x2;
	s10 =	smax.u32 s23, $0x1  }
0x10: {  	s30 =	sadd.s32 s11, s4;
	s14 =	sshrl.u32 s14, $0x3;
	s23 =	simm.s32 $0x2  }
0x11: {  	s5 =	sadd.s32 $0xE00, s5;
	s6 =	sadd.s32 s26, s2;
	s11 =	sadd.s32 $0x80, s30  }
0x12: {  	s26 =	simm.s32 $0x5;
	[dreg:$0x4] =	wrdreg s5;
	s8 =	sadd.s32 $0x400, s6  }
.LBB2_8:
0x13: {  	s29 =	sadd.s32 $0x1, s29  }
0x14: {  	_ =	swait.ge [sflag:s26], $0x400;
	p0 =	sne.s32 s29, s10  }
.Ltmp1:
0x15: {  	[sflag:s26] =	ssyncset.done $0x0;
	(pc) =	sbr.rel @!p0 .LBB2_9-.Ltmp1, $4  }
0x16: {  	[sflag:s26] =	ssyncadd.s32 $0xFFFFFC00  }
0x17: {  	_ =	swait.ge [sflag:s28], $0x400  }
0x18: {  	[sflag:s28] =	ssyncset.done $0x0  }
0x19: {  	[sflag:s28] =	ssyncadd.s32 $0xFFFFFC00  }
.LBB2_1:
0x1a: {  	s0 =	rddreg [dreg:$0x4]  }
0x1b: {  	[tilespmem:s3], [sflag:$0x7] =	stream.linear.gather [hbm4b:s0+s3], $0x1400, $0x38;
	[tilespmem:$0x1E400] =	vst v63  }
0x1c: {  	_ =	swait.ge [sflag:s12], $0x1400  }
0x1d: {  	[sflag:s12] =	ssyncset.done $0x0  }
0x1e: {  	s16 =	rddreg [dreg:$0x5];
	[sflag:s12] =	ssyncadd.s32 $0xFFFFEC00  }
0x1f: {  	[spmem:s14], [sflag:s13] =	dma.local [hbm:s16], $0x2800  }
0x20: {  	_ =	swait.ge [sflag:s12], $0x2800  }
0x21: {  	[sflag:s12] =	ssyncset.done $0x0  }
0x22: {  	[sflag:s12] =	ssyncadd.s32 $0xFFFFD800  }
0x23: {  	s17 =	simm.s32 $0x1400;
	[bflag:$0x0] =	sbarrier.arrive $0xFFFF  }
0x24: {  	[tilespmem:s17], [sflag:$0x1] =	stream.indirect.gather [spmem:s2], $0x80, s3, s15, $0xb8;
	[tilespmem:$0x1E400] =	vst v63  }
0x25: {  	s31 =	simm.s32 $0x9400  }
0x26: {  	[tilespmem:s31], [sflag:$0x3] =	stream.linear.gather [spmem:s6], $0x400, $0x38;
	[tilespmem:$0x1E400] =	vst v63  }
0x27: {  	_ = 	snop  }
0x28: {  	[tilespmem:s18], [sflag:$0x2] =	stream.indirect.gather [spmem:s2], $0x80, s15, s15, $0xb8;
	[tilespmem:$0x1E400] =	vst v63  }
0x29: {  	s30 =	simm.s32 $0x0  }
0x2a: {  	[tilespmem:s19], [sflag:$0x4] =	stream.linear.gather [spmem:s8], $0x400, $0x38;
	[tilespmem:$0x1E400] =	vst v63  }
.LBB2_2:
0x2b: {  	_ =	swait.ge [sflag:s20], $0x4000  }
0x2c: {  	[sflag:s20] =	ssyncset.done $0x0  }
0x2d: {  	[sflag:s20] =	ssyncadd.s32 $0xFFFFC000  }
0x2e: {  	_ =	swait.ge [sflag:s21], $0x400  }
0x2f: {  	p0 =	seq.s32 s30, $0x0;
	[sflag:s21] =	ssyncset.done $0x0  }
0x30: {  	s0 =	simm.s32 @!p0 $0x5;
	[sflag:s21] =	ssyncadd.s32 $0xFFFFFC00  }
0x31: {  	_ =	swait.ge @!p0 [sflag:s0], $0x400  }
0x32: {  	s31 =	sshll.u32 s30, $0x1;
	[sflag:s0] =	ssyncset.done @!p0 $0x0  }
0x33: {  	s1 =	simm.s32 $0x0;
	[sflag:s0] =	ssyncadd.s32 @!p0 $0xFFFFFC00;
	s0 =	simm.s32 $0x0  }
.LBB2_3:
0x34: {  	s16 =	sshll.u32 s0, $0x4  }
0x35: {  	s17 =	sand.u32 $0x70, s1;
	s5 =	sshll.u32 s0, $0x8;
	s16 =	sand.u32 $0xFFFFFF80, s16  }
0x36: {  	s5 =	sand.u32 $0x3FFFF800, s5;
	s16 =	sor.u32 s17, s16  }
0x37: {  	s5 =	sor.u32 s17, s5;
	v0 =	vld [tilespmem:s16+$0x9400]  }
0x38: {  	v2 =	vld [tilespmem:s5+$0x1400]  }
0x39: {  	v3 =	vld [tilespmem:s5+$0x1480]  }
0x3a: {  	v4 =	vld [tilespmem:s5+$0x1500]  }
0x3b: {  	v5 =	vld [tilespmem:s5+$0x1580]  }
0x3c: {  	v6 =	vld [tilespmem:s5+$0x1600]  }
0x3d: {  	v7 =	vld [tilespmem:s5+$0x1680]  }
0x3e: {  	v8 =	vld [tilespmem:s5+$0x1700]  }
0x3f: {  	v9 =	vld [tilespmem:s5+$0x1780]  }
0x40: {  	v10 =	vld [tilespmem:s5+$0x1800]  }
0x41: {  	v11 =	vld [tilespmem:s5+$0x1880]  }
0x42: {  	v12 =	vld [tilespmem:s5+$0x1900]  }
0x43: {  	v13 =	vld [tilespmem:s5+$0x1980]  }
0x44: {  	v14 =	vld [tilespmem:s5+$0x1A00]  }
0x45: {  	v15 =	vld [tilespmem:s5+$0x1A80]  }
0x46: {  	v16 =	vld [tilespmem:s5+$0x1B00]  }
0x47: {  	v17 =	vld [tilespmem:s5+$0x1B80];
	v1 =	vshll.u32 v0, $0x10;
	v18 =	vshll.u32 v2, $0x10  }
0x48: {  	v19 =	vshll.u32 v3, $0x10;
	v20 =	vshll.u32 v4, $0x10;
	v21 =	vshll.u32 v5, $0x10  }
0x49: {  	v22 =	vshll.u32 v6, $0x10;
	v23 =	vshll.u32 v7, $0x10;
	v24 =	vshll.u32 v8, $0x10  }
0x4a: {  	v25 =	vshll.u32 v9, $0x10;
	v26 =	vshll.u32 v10, $0x10;
	v27 =	vshll.u32 v11, $0x10  }
0x4b: {  	v28 =	vshll.u32 v12, $0x10;
	v29 =	vshll.u32 v13, $0x10;
	v30 =	vshll.u32 v14, $0x10  }
0x4c: {  	v31 =	vshll.u32 v15, $0x10;
	v32 =	vshll.u32 v16, $0x10;
	v33 =	vshll.u32 v17, $0x10  }
0x4d: {  	v34 =	vmin.f32 v18, v19;
	v18 =	vmax.f32 v18, v19;
	v47 =	vmin.f32 v20, v21  }
0x4e: {  	v20 =	vmax.f32 v20, v21;
	v48 =	vmin.f32 v22, v23;
	v22 =	vmax.f32 v22, v23  }
0x4f: {  	v49 =	vmin.f32 v24, v25;
	v24 =	vmax.f32 v24, v25;
	v50 =	vmin.f32 v26, v27  }
0x50: {  	v26 =	vmax.f32 v26, v27;
	v51 =	vmin.f32 v28, v29;
	v28 =	vmax.f32 v28, v29  }
0x51: {  	v52 =	vmin.f32 v30, v31;
	v30 =	vmax.f32 v30, v31;
	v53 =	vmin.f32 v32, v33  }
0x52: {  	v32 =	vmax.f32 v32, v33;
	v54 =	vmin.f32 v34, v47;
	v19 =	vmax.f32 v34, v47  }
0x53: {  	v55 =	vmin.f32 v18, v20;
	v18 =	vmax.f32 v18, v20;
	v56 =	vmin.f32 v48, v49  }
0x54: {  	v21 =	vmax.f32 v48, v49;
	v57 =	vmin.f32 v22, v24;
	v22 =	vmax.f32 v22, v24  }
0x55: {  	v58 =	vmin.f32 v50, v51;
	v25 =	vmax.f32 v50, v51;
	v59 =	vmin.f32 v26, v28  }
0x56: {  	v26 =	vmax.f32 v26, v28;
	v60 =	vmin.f32 v52, v53;
	v29 =	vmax.f32 v52, v53  }
0x57: {  	v61 =	vmin.f32 v30, v32;
	v30 =	vmax.f32 v30, v32;
	v62 =	vmin.f32 v55, v19  }
0x58: {  	v19 =	vmax.f32 v55, v19;
	v63 =	vmin.f32 v57, v21;
	v21 =	vmax.f32 v57, v21  }
0x59: {  	v36 =	vmin.f32 v59, v25;
	v25 =	vmax.f32 v59, v25;
	v37 =	vmin.f32 v61, v29  }
0x5a: {  	v29 =	vmax.f32 v61, v29;
	v38 =	vmin.f32 v54, v56;
	v20 =	vmax.f32 v54, v56  }
0x5b: {  	v41 =	vmin.f32 v18, v22;
	v18 =	vmax.f32 v18, v22;
	v42 =	vmin.f32 v58, v60  }
0x5c: {  	v24 =	vmax.f32 v58, v60;
	v45 =	vmin.f32 v26, v30;
	v26 =	vmax.f32 v26, v30  }
0x5d: {  	v59 =	vmin.f32 v2, v3;
	v2 =	vmax.f32 v2, v3;
	v60 =	vmin.f32 v4, v5  }
0x5e: {  	v4 =	vmax.f32 v4, v5;
	v61 =	vmin.f32 v6, v7;
	v6 =	vmax.f32 v6, v7  }
0x5f: {  	v39 =	vmin.f32 v62, v63;
	v32 =	vmax.f32 v62, v63;
	v40 =	vmin.f32 v19, v21  }
0x60: {  	v19 =	vmax.f32 v19, v21;
	v43 =	vmin.f32 v36, v37;
	v23 =	vmax.f32 v36, v37  }
0x61: {  	v44 =	vmin.f32 v25, v29;
	v25 =	vmax.f32 v25, v29;
	v22 =	vmax.f32 v38, v42  }
0x62: {  	v18 =	vmin.f32 v18, v26;
	v62 =	vmin.f32 v8, v9;
	v8 =	vmax.f32 v8, v9  }
0x63: {  	v63 =	vmin.f32 v10, v11;
	v10 =	vmax.f32 v10, v11;
	v26 =	vmin.f32 v16, v17  }
0x64: {  	v16 =	vmax.f32 v16, v17;
	v27 =	vmin.f32 v59, v60;
	v3 =	vmax.f32 v59, v60  }
0x65: {  	v46 =	vmin.f32 v40, v20;
	v20 =	vmax.f32 v40, v20;
	v47 =	vmin.f32 v41, v32  }
0x66: {  	v21 =	vmax.f32 v41, v32;
	v48 =	vmin.f32 v44, v24;
	v24 =	vmax.f32 v44, v24  }
0x67: {  	v49 =	vmin.f32 v45, v23;
	v23 =	vmax.f32 v45, v23;
	v29 =	vmin.f32 v61, v62  }
0x68: {  	v5 =	vmax.f32 v61, v62;
	v50 =	vmin.f32 v39, v46;
	v30 =	vmax.f32 v39, v46  }
0x69: {  	v51 =	vmin.f32 v47, v20;
	v20 =	vmax.f32 v47, v20;
	v52 =	vmin.f32 v21, v19  }
0x6a: {  	v19 =	vmax.f32 v21, v19;
	v53 =	vmin.f32 v43, v48;
	v28 =	vmax.f32 v43, v48  }
0x6b: {  	v54 =	vmin.f32 v49, v24;
	v24 =	vmax.f32 v49, v24;
	v55 =	vmin.f32 v23, v25  }
0x6c: {  	v23 =	vmax.f32 v23, v25;
	v25 =	vmin.f32 v14, v15;
	v14 =	vmax.f32 v14, v15  }
0x6d: {  	v39 =	vmin.f32 v27, v29;
	v21 =	vmax.f32 v50, v53;
	v56 =	vmax.f32 v30, v28  }
0x6e: {  	v57 =	vmax.f32 v51, v54;
	v20 =	vmin.f32 v20, v24;
	v58 =	vmin.f32 v52, v55  }
0x6f: {  	v19 =	vmin.f32 v19, v23;
	v24 =	vmin.f32 v12, v13;
	v12 =	vmax.f32 v12, v13  }
0x70: {  	v28 =	vmin.f32 v2, v4;
	v2 =	vmax.f32 v2, v4;
	v30 =	vmin.f32 v6, v8  }
0x71: {  	v6 =	vmax.f32 v6, v8;
	v33 =	vmin.f32 v25, v26;
	v13 =	vmax.f32 v25, v26  }
0x72: {  	v34 =	vmin.f32 v14, v16;
	v14 =	vmax.f32 v14, v16;
	v4 =	vmax.f32 v27, v29  }
0x73: {  	v20 =	vmax.f32 v20, v22;
	v21 =	vmax.f32 v58, v21;
	v19 =	vmin.f32 v19, v56  }
0x74: {  	v18 =	vmin.f32 v18, v57;
	v31 =	vmin.f32 v63, v24;
	v9 =	vmax.f32 v63, v24  }
0x75: {  	v32 =	vmin.f32 v10, v12;
	v10 =	vmax.f32 v10, v12;
	v35 =	vmin.f32 v28, v3  }
0x76: {  	v3 =	vmax.f32 v28, v3;
	v36 =	vmin.f32 v30, v5;
	v5 =	vmax.f32 v30, v5  }
0x77: {  	v38 =	vmin.f32 v34, v13;
	v13 =	vmax.f32 v34, v13;
	v42 =	vmin.f32 v2, v6  }
0x78: {  	v2 =	vmax.f32 v2, v6;
	v19 =	vmax.f32 v19, v20;
	v37 =	vmin.f32 v32, v9  }
0x79: {  	v9 =	vmax.f32 v32, v9;
	v40 =	vmin.f32 v35, v36;
	v16 =	vmax.f32 v35, v36  }
0x7a: {  	v41 =	vmin.f32 v3, v5;
	v3 =	vmax.f32 v3, v5;
	v43 =	vmin.f32 v31, v33  }
0x7b: {  	v8 =	vmax.f32 v31, v33;
	v46 =	vmin.f32 v10, v14;
	v10 =	vmax.f32 v10, v14  }
0x7c: {  	v44 =	vmin.f32 v37, v38;
	v7 =	vmax.f32 v37, v38;
	v45 =	vmin.f32 v9, v13  }
0x7d: {  	v9 =	vmax.f32 v9, v13;
	v47 =	vmin.f32 v41, v4;
	v4 =	vmax.f32 v41, v4  }
0x7e: {  	v48 =	vmin.f32 v42, v16;
	v5 =	vmax.f32 v42, v16;
	v6 =	vmax.f32 v39, v43  }
0x7f: {  	v2 =	vmin.f32 v2, v10;
	v49 =	vmin.f32 v45, v8;
	v8 =	vmax.f32 v45, v8  }
0x80: {  	v50 =	vmin.f32 v46, v7;
	v7 =	vmax.f32 v46, v7;
	v51 =	vmin.f32 v40, v47  }
0x81: {  	v14 =	vmax.f32 v40, v47;
	v52 =	vmin.f32 v48, v4;
	v4 =	vmax.f32 v48, v4  }
0x82: {  	v53 =	vmin.f32 v5, v3;
	v3 =	vmax.f32 v5, v3;
	v54 =	vmin.f32 v44, v49  }
0x83: {  	v12 =	vmax.f32 v44, v49;
	v55 =	vmin.f32 v50, v8;
	v8 =	vmax.f32 v50, v8  }
0x84: {  	v56 =	vmin.f32 v7, v9;
	v7 =	vmax.f32 v7, v9;
	v5 =	vmax.f32 v51, v54  }
0x85: {  	v57 =	vmax.f32 v14, v12;
	v58 =	vmax.f32 v52, v55;
	v4 =	vmin.f32 v4, v8  }
0x86: {  	v59 =	vmin.f32 v53, v56;
	v3 =	vmin.f32 v3, v7;
	v4 =	vmax.f32 v4, v6  }
0x87: {  	v5 =	vmax.f32 v59, v5;
	v3 =	vmin.f32 v3, v57;
	v2 =	vmin.f32 v2, v58  }
0x88: {  	v60 =	vmin.f32 v18, v21;
	v3 =	vmax.f32 v3, v4;
	v2 =	vmin.f32 v2, v5  }
0x89: {  	v61 =	vmin.f32 v60, v19;
	v62 =	vmax.f32 v60, v19;
	v63 =	vmax.f32 v2, v3  }
0x8a: {  	p1 =	sne.s32 s0, $0x3F;
	v1 =	vmin.f32 v1, v62;
	v2 =	vmin.f32 v2, v3;
	v0 =	vmin.f32 v0, v63  }
.Ltmp2:
0x8b: {  	v1 =	vmax.f32 v61, v1;
	v0 =	vmax.f32 v2, v0;
	(pc) =	sbr.rel @p1 .LBB2_3-.Ltmp2, $4  }
0x8c: {  	v1 =	vmax.f32 v1, $0.0e+00;
	v0 =	vmax.f32 v0, $0.0e+00  }
0x8d: {  	v1 =	vshrl.u32 v1, $0x10;
	v0 =	vand.u32 $0xFFFF0000, v0  }
0x8e: {  	v0 =	vor.u32 v0, v1  }
0x8f: {  	s1 =	sadd.s32 $0x10, s1;
	s0 =	sadd.s32 $0x1, s0;
	[tilespmem:s16+$0x9C00] =	vst v0  }
0x90: {  	s0 =	sshll.u32 s30, $0xB  }
0x91: {  	s0 =	sadd.s32 s9, s0  }
0x92: {  	s0 =	sshrl.u32 s0, $0x3  }
0x93: {  	p1 =	seq.s32 s30, $0x13;
	s0 =	sadd.s32 s4, s0  }
0x94: {  	[hbm4b:s0+s3] =	stream.linear.scatter [tilespmem:s22], [sflag:$0x5], $0x400, $0x38;
	[tilespmem:$0x1E400] =	vst v63  }
0x95: {  	s0 =	sadd.s32 @!p1 $0x2, s31  }
0x96: {  	s16 =	simm.s32 @!p1 $0x1400;
	s1 =	sshll.u32 @!p1 s0, $0x7;
	s0 =	sshll.u32 @!p1 s0, $0xA  }
0x97: {  	s5 =	simm.s32 @!p1 $0x80;
	s1 =	sand.u32 @!p1 $0x3FFFFF80, s1;
	s0 =	sand.u32 @!p1 $0x3FFFFC00, s0  }
0x98: {  	[tilespmem:s16], [sflag:$0x1] =	stream.indirect.gather @!p1 [spmem:s2], $0x80, s1, s5, $0xb8;
	[tilespmem:$0x1E400] =	vst v63  }
0x99: {  	s0 =	sadd.s32 @!p1 s0, s6;
	s1 =	simm.s32 @!p1 $0x9400  }
0x9a: {  	[tilespmem:s1], [sflag:$0x3] =	stream.linear.gather @!p1 [spmem:s0], $0x400, $0x38;
	[tilespmem:$0x1E400] =	vst v63  }
0x9b: {  	_ =	swait.ge [sflag:s23], $0x4000  }
0x9c: {  	[sflag:s23] =	ssyncset.done $0x0  }
0x9d: {  	[sflag:s23] =	ssyncadd.s32 $0xFFFFC000  }
0x9e: {  	_ =	swait.ge [sflag:s24], $0x400  }
0x9f: {  	[sflag:s24] =	ssyncset.done $0x0  }
0xa0: {  	s0 =	simm.s32 @!p0 $0x6;
	[sflag:s24] =	ssyncadd.s32 $0xFFFFFC00  }
0xa1: {  	_ =	swait.ge @!p0 [sflag:s0], $0x400  }
0xa2: {  	[sflag:s0] =	ssyncset.done @!p0 $0x0  }
0xa3: {  	s1 =	simm.s32 $0x0;
	[sflag:s0] =	ssyncadd.s32 @!p0 $0xFFFFFC00;
	s0 =	simm.s32 $0x0  }
.LBB2_5:
0xa4: {  	s5 =	sshll.u32 s0, $0x4  }
0xa5: {  	s17 =	sand.u32 $0x70, s1;
	s7 =	sshll.u32 s0, $0x8;
	s5 =	sand.u32 $0xFFFFFF80, s5  }
0xa6: {  	s7 =	sand.u32 $0x3FFFF800, s7;
	s16 =	sor.u32 s17, s5  }
0xa7: {  	s5 =	sor.u32 s17, s7;
	v0 =	vld [tilespmem:s16+$0x9800]  }
0xa8: {  	v2 =	vld [tilespmem:s5+$0x5400]  }
0xa9: {  	v3 =	vld [tilespmem:s5+$0x5480]  }
0xaa: {  	v4 =	vld [tilespmem:s5+$0x5500]  }
0xab: {  	v5 =	vld [tilespmem:s5+$0x5580]  }
0xac: {  	v6 =	vld [tilespmem:s5+$0x5600]  }
0xad: {  	v7 =	vld [tilespmem:s5+$0x5680]  }
0xae: {  	v8 =	vld [tilespmem:s5+$0x5700]  }
0xaf: {  	v9 =	vld [tilespmem:s5+$0x5780]  }
0xb0: {  	v10 =	vld [tilespmem:s5+$0x5800]  }
0xb1: {  	v11 =	vld [tilespmem:s5+$0x5880]  }
0xb2: {  	v12 =	vld [tilespmem:s5+$0x5900]  }
0xb3: {  	v13 =	vld [tilespmem:s5+$0x5980]  }
0xb4: {  	v14 =	vld [tilespmem:s5+$0x5A00]  }
0xb5: {  	v15 =	vld [tilespmem:s5+$0x5A80]  }
0xb6: {  	v16 =	vld [tilespmem:s5+$0x5B00]  }
0xb7: {  	v17 =	vld [tilespmem:s5+$0x5B80];
	v1 =	vshll.u32 v0, $0x10;
	v18 =	vshll.u32 v2, $0x10  }
0xb8: {  	v19 =	vshll.u32 v3, $0x10;
	v20 =	vshll.u32 v4, $0x10;
	v21 =	vshll.u32 v5, $0x10  }
0xb9: {  	v22 =	vshll.u32 v6, $0x10;
	v23 =	vshll.u32 v7, $0x10;
	v24 =	vshll.u32 v8, $0x10  }
0xba: {  	v25 =	vshll.u32 v9, $0x10;
	v26 =	vshll.u32 v10, $0x10;
	v27 =	vshll.u32 v11, $0x10  }
0xbb: {  	v28 =	vshll.u32 v12, $0x10;
	v29 =	vshll.u32 v13, $0x10;
	v30 =	vshll.u32 v14, $0x10  }
0xbc: {  	v31 =	vshll.u32 v15, $0x10;
	v32 =	vshll.u32 v16, $0x10;
	v33 =	vshll.u32 v17, $0x10  }
0xbd: {  	v34 =	vmin.f32 v18, v19;
	v18 =	vmax.f32 v18, v19;
	v47 =	vmin.f32 v20, v21  }
0xbe: {  	v20 =	vmax.f32 v20, v21;
	v48 =	vmin.f32 v22, v23;
	v22 =	vmax.f32 v22, v23  }
0xbf: {  	v49 =	vmin.f32 v24, v25;
	v24 =	vmax.f32 v24, v25;
	v50 =	vmin.f32 v26, v27  }
0xc0: {  	v26 =	vmax.f32 v26, v27;
	v51 =	vmin.f32 v28, v29;
	v28 =	vmax.f32 v28, v29  }
0xc1: {  	v52 =	vmin.f32 v30, v31;
	v30 =	vmax.f32 v30, v31;
	v53 =	vmin.f32 v32, v33  }
0xc2: {  	v32 =	vmax.f32 v32, v33;
	v54 =	vmin.f32 v34, v47;
	v19 =	vmax.f32 v34, v47  }
0xc3: {  	v55 =	vmin.f32 v18, v20;
	v18 =	vmax.f32 v18, v20;
	v56 =	vmin.f32 v48, v49  }
0xc4: {  	v21 =	vmax.f32 v48, v49;
	v57 =	vmin.f32 v22, v24;
	v22 =	vmax.f32 v22, v24  }
0xc5: {  	v58 =	vmin.f32 v50, v51;
	v25 =	vmax.f32 v50, v51;
	v59 =	vmin.f32 v26, v28  }
0xc6: {  	v26 =	vmax.f32 v26, v28;
	v60 =	vmin.f32 v52, v53;
	v29 =	vmax.f32 v52, v53  }
0xc7: {  	v61 =	vmin.f32 v30, v32;
	v30 =	vmax.f32 v30, v32;
	v62 =	vmin.f32 v55, v19  }
0xc8: {  	v19 =	vmax.f32 v55, v19;
	v63 =	vmin.f32 v57, v21;
	v21 =	vmax.f32 v57, v21  }
0xc9: {  	v36 =	vmin.f32 v59, v25;
	v25 =	vmax.f32 v59, v25;
	v37 =	vmin.f32 v61, v29  }
0xca: {  	v29 =	vmax.f32 v61, v29;
	v38 =	vmin.f32 v54, v56;
	v20 =	vmax.f32 v54, v56  }
0xcb: {  	v41 =	vmin.f32 v18, v22;
	v18 =	vmax.f32 v18, v22;
	v42 =	vmin.f32 v58, v60  }
0xcc: {  	v24 =	vmax.f32 v58, v60;
	v45 =	vmin.f32 v26, v30;
	v26 =	vmax.f32 v26, v30  }
0xcd: {  	v59 =	vmin.f32 v2, v3;
	v2 =	vmax.f32 v2, v3;
	v60 =	vmin.f32 v4, v5  }
0xce: {  	v4 =	vmax.f32 v4, v5;
	v61 =	vmin.f32 v6, v7;
	v6 =	vmax.f32 v6, v7  }
0xcf: {  	v39 =	vmin.f32 v62, v63;
	v32 =	vmax.f32 v62, v63;
	v40 =	vmin.f32 v19, v21  }
0xd0: {  	v19 =	vmax.f32 v19, v21;
	v43 =	vmin.f32 v36, v37;
	v23 =	vmax.f32 v36, v37  }
0xd1: {  	v44 =	vmin.f32 v25, v29;
	v25 =	vmax.f32 v25, v29;
	v22 =	vmax.f32 v38, v42  }
0xd2: {  	v18 =	vmin.f32 v18, v26;
	v62 =	vmin.f32 v8, v9;
	v8 =	vmax.f32 v8, v9  }
0xd3: {  	v63 =	vmin.f32 v10, v11;
	v10 =	vmax.f32 v10, v11;
	v26 =	vmin.f32 v16, v17  }
0xd4: {  	v16 =	vmax.f32 v16, v17;
	v27 =	vmin.f32 v59, v60;
	v3 =	vmax.f32 v59, v60  }
0xd5: {  	v46 =	vmin.f32 v40, v20;
	v20 =	vmax.f32 v40, v20;
	v47 =	vmin.f32 v41, v32  }
0xd6: {  	v21 =	vmax.f32 v41, v32;
	v48 =	vmin.f32 v44, v24;
	v24 =	vmax.f32 v44, v24  }
0xd7: {  	v49 =	vmin.f32 v45, v23;
	v23 =	vmax.f32 v45, v23;
	v29 =	vmin.f32 v61, v62  }
0xd8: {  	v5 =	vmax.f32 v61, v62;
	v50 =	vmin.f32 v39, v46;
	v30 =	vmax.f32 v39, v46  }
0xd9: {  	v51 =	vmin.f32 v47, v20;
	v20 =	vmax.f32 v47, v20;
	v52 =	vmin.f32 v21, v19  }
0xda: {  	v19 =	vmax.f32 v21, v19;
	v53 =	vmin.f32 v43, v48;
	v28 =	vmax.f32 v43, v48  }
0xdb: {  	v54 =	vmin.f32 v49, v24;
	v24 =	vmax.f32 v49, v24;
	v55 =	vmin.f32 v23, v25  }
0xdc: {  	v23 =	vmax.f32 v23, v25;
	v25 =	vmin.f32 v14, v15;
	v14 =	vmax.f32 v14, v15  }
0xdd: {  	v39 =	vmin.f32 v27, v29;
	v21 =	vmax.f32 v50, v53;
	v56 =	vmax.f32 v30, v28  }
0xde: {  	v57 =	vmax.f32 v51, v54;
	v20 =	vmin.f32 v20, v24;
	v58 =	vmin.f32 v52, v55  }
0xdf: {  	v19 =	vmin.f32 v19, v23;
	v24 =	vmin.f32 v12, v13;
	v12 =	vmax.f32 v12, v13  }
0xe0: {  	v28 =	vmin.f32 v2, v4;
	v2 =	vmax.f32 v2, v4;
	v30 =	vmin.f32 v6, v8  }
0xe1: {  	v6 =	vmax.f32 v6, v8;
	v33 =	vmin.f32 v25, v26;
	v13 =	vmax.f32 v25, v26  }
0xe2: {  	v34 =	vmin.f32 v14, v16;
	v14 =	vmax.f32 v14, v16;
	v4 =	vmax.f32 v27, v29  }
0xe3: {  	v20 =	vmax.f32 v20, v22;
	v21 =	vmax.f32 v58, v21;
	v19 =	vmin.f32 v19, v56  }
0xe4: {  	v18 =	vmin.f32 v18, v57;
	v31 =	vmin.f32 v63, v24;
	v9 =	vmax.f32 v63, v24  }
0xe5: {  	v32 =	vmin.f32 v10, v12;
	v10 =	vmax.f32 v10, v12;
	v35 =	vmin.f32 v28, v3  }
0xe6: {  	v3 =	vmax.f32 v28, v3;
	v36 =	vmin.f32 v30, v5;
	v5 =	vmax.f32 v30, v5  }
0xe7: {  	v38 =	vmin.f32 v34, v13;
	v13 =	vmax.f32 v34, v13;
	v42 =	vmin.f32 v2, v6  }
0xe8: {  	v2 =	vmax.f32 v2, v6;
	v19 =	vmax.f32 v19, v20;
	v37 =	vmin.f32 v32, v9  }
0xe9: {  	v9 =	vmax.f32 v32, v9;
	v40 =	vmin.f32 v35, v36;
	v16 =	vmax.f32 v35, v36  }
0xea: {  	v41 =	vmin.f32 v3, v5;
	v3 =	vmax.f32 v3, v5;
	v43 =	vmin.f32 v31, v33  }
0xeb: {  	v8 =	vmax.f32 v31, v33;
	v46 =	vmin.f32 v10, v14;
	v10 =	vmax.f32 v10, v14  }
0xec: {  	v44 =	vmin.f32 v37, v38;
	v7 =	vmax.f32 v37, v38;
	v45 =	vmin.f32 v9, v13  }
0xed: {  	v9 =	vmax.f32 v9, v13;
	v47 =	vmin.f32 v41, v4;
	v4 =	vmax.f32 v41, v4  }
0xee: {  	v48 =	vmin.f32 v42, v16;
	v5 =	vmax.f32 v42, v16;
	v6 =	vmax.f32 v39, v43  }
0xef: {  	v2 =	vmin.f32 v2, v10;
	v49 =	vmin.f32 v45, v8;
	v8 =	vmax.f32 v45, v8  }
0xf0: {  	v50 =	vmin.f32 v46, v7;
	v7 =	vmax.f32 v46, v7;
	v51 =	vmin.f32 v40, v47  }
0xf1: {  	v14 =	vmax.f32 v40, v47;
	v52 =	vmin.f32 v48, v4;
	v4 =	vmax.f32 v48, v4  }
0xf2: {  	v53 =	vmin.f32 v5, v3;
	v3 =	vmax.f32 v5, v3;
	v54 =	vmin.f32 v44, v49  }
0xf3: {  	v12 =	vmax.f32 v44, v49;
	v55 =	vmin.f32 v50, v8;
	v8 =	vmax.f32 v50, v8  }
0xf4: {  	v56 =	vmin.f32 v7, v9;
	v7 =	vmax.f32 v7, v9;
	v5 =	vmax.f32 v51, v54  }
0xf5: {  	v57 =	vmax.f32 v14, v12;
	v58 =	vmax.f32 v52, v55;
	v4 =	vmin.f32 v4, v8  }
0xf6: {  	v59 =	vmin.f32 v53, v56;
	v3 =	vmin.f32 v3, v7;
	v4 =	vmax.f32 v4, v6  }
0xf7: {  	v5 =	vmax.f32 v59, v5;
	v3 =	vmin.f32 v3, v57;
	v2 =	vmin.f32 v2, v58  }
0xf8: {  	v60 =	vmin.f32 v18, v21;
	v3 =	vmax.f32 v3, v4;
	v2 =	vmin.f32 v2, v5  }
0xf9: {  	v61 =	vmin.f32 v60, v19;
	v62 =	vmax.f32 v60, v19;
	v63 =	vmax.f32 v2, v3  }
0xfa: {  	p0 =	sne.s32 s0, $0x3F;
	v1 =	vmin.f32 v1, v62;
	v2 =	vmin.f32 v2, v3;
	v0 =	vmin.f32 v0, v63  }
.Ltmp3:
0xfb: {  	v1 =	vmax.f32 v61, v1;
	v0 =	vmax.f32 v2, v0;
	(pc) =	sbr.rel @p0 .LBB2_5-.Ltmp3, $4  }
0xfc: {  	v1 =	vmax.f32 v1, $0.0e+00;
	v0 =	vmax.f32 v0, $0.0e+00  }
0xfd: {  	v1 =	vshrl.u32 v1, $0x10;
	v0 =	vand.u32 $0xFFFF0000, v0  }
0xfe: {  	v0 =	vor.u32 v0, v1  }
0xff: {  	s1 =	sadd.s32 $0x10, s1;
	s0 =	sadd.s32 $0x1, s0;
	[tilespmem:s16+$0xA000] =	vst v0  }
.Ltmp4:
0x100: {  	(pc) =	sbr.rel @p1 .LBB2_8-.Ltmp4, $4  }
0x101: {  	_ = 	snop  }
0x102: {  	s0 =	sshll.u32 s30, $0x8  }
0x103: {  	s0 =	sadd.s32 s11, s0  }
0x104: {  	[hbm4b:s0+s3] =	stream.linear.scatter [tilespmem:s25], [sflag:$0x6], $0x400, $0x38;
	[tilespmem:$0x1E400] =	vst v63  }
0x105: {  	s0 =	sadd.s32 $0x3, s31  }
.Ltmp5:
0x106: {  	s1 =	sshll.u32 s0, $0x7;
	s0 =	sshll.u32 s0, $0xA;
	(pc) =	sbr.rel .LBB2_2-.Ltmp5, $4  }
0x107: {  	s1 =	sand.u32 $0x3FFFFF80, s1;
	s0 =	sand.u32 $0x3FFFFC00, s0  }
0x108: {  	[tilespmem:s18], [sflag:$0x2] =	stream.indirect.gather [spmem:s2], $0x80, s1, s15, $0xb8;
	[tilespmem:$0x1E400] =	vst v63  }
0x109: {  	s30 =	sadd.s32 $0x1, s30;
	s0 =	sadd.s32 s0, s6  }
0x10a: {  	[tilespmem:s19], [sflag:$0x4] =	stream.linear.gather [spmem:s0], $0x400, $0x38;
	[tilespmem:$0x1E400] =	vst v63  }
.LBB2_9:
0x10b: {  	_ =	sfence.sel $0x180000  }
0x10c: {  	[bflag:$0x0] =	sbarrier.arrive $0xFFFF  }
0x10d: {  	_ =	strace $0x90000047  }
0x10e: {  	s0 =	stileid.u32;
	[bflag:$0x2] =	sbarrier.arrive $0xFFFF  }
0x10f: {  	p0 =	sne.s32 s0, $0x0;
	s0 =	rddreg [dreg:$0x3]  }
0x110: {  	s0 =	sadd.s32 @!p0 $0x100000, s0  }
0x111: {  	[sflag:s0] =	ssyncadd.tile.s32 @!p0 $0x1;
	_ =	shalt  }
.Lfunc_end2:
_tile_overlayer_lowered:
.L_overlay_start_2:
0x112: {  	(tag) =	ssettag $0x2  }
0x113: {  	s0 =	rddreg [dreg:$0x0];
	s2 =	stileid.u32  }
0x114: {  	s1 =	rddreg [dreg:$0x1];
	p0 =	sne.s32 s2, $0x0  }
0x115: {  	s3 =	rddreg [dreg:$0x2];
	[bflag:$0x3] =	sbarrier.arrive $0xFFFF;
	s2 =	simm.s32 @!p0 $0x1C07  }
0x116: {  	[timem:s3], [sflag:s2] =	dma.local @!p0 [hbm:s0], s1  }
0x117: {  	s0 =	simm.s32 @!p0 $0x7  }
0x118: {  	_ =	swait.ge @!p0 [sflag:s0], s1  }
0x119: {  	s1 =	ssub.s32 @!p0 $0x0, s1;
	[sflag:s0] =	ssyncset.done @!p0 $0x0  }
0x11a: {  	[sflag:s0] =	ssyncadd.s32 @!p0 s1  }
0x11b: {  	[bflag:$0x3] =	sbarrier.arrive $0xFFFF  }
0x11c: {  	_ =	shalt  }

// kernel: kernel.9.cloned.1.call-start
scs
__scs_entry_jumppad:
0x0: {  	(pc) =	sbr.rel $0x88, $3  }
0x1: {  	(tag) =	ssettag $0x0;
	lr =	simm.s32 $0x1  }
0x2: {  	[smem:$0x3F9D] =	sst lr;
	_ =	strace $0xD0000000  }
0x3: {  	_ = 	snop  }
0x4: {  	_ = 	snop  }
0x5: {  	_ = 	snop  }
0x6: {  	_ = 	snop  }
0x7: {  	_ = 	snop  }
__scs_overlays_trampoline_lowered:
0x8: {  	[smem:$0x3FAC] =	sst s0  }
0x9: {  	[smem:$0x3FAD] =	sst s1  }
0xa: {  	[smem:$0x3FAE] =	sst s2  }
0xb: {  	[smem:$0x3FAF] =	sst s3  }
0xc: {  	[smem:$0x3FB0] =	sst s4  }
0xd: {  	[smem:$0x3FB1] =	sst s5  }
0xe: {  	[smem:$0x3FB2] =	sst s6  }
0xf: {  	[smem:$0x3FB3] =	sst s7  }
0x10: {  	[smem:$0x3FB4] =	sst s8  }
0x11: {  	[smem:$0x3FB5] =	sst s9;
	s0 =	simm.s32 @!p0 $0x0  }
0x12: {  	s1 =	sld [smem:$0x3F9B];
	s0 =	simm.s32 @p0 $0x1  }
0x13: {  	[smem:$0x3FB6] =	sst s0;
	s0 =	simm.s32 @!p1 $0x0  }
0x14: {  	s2 =	sld [smem:$0x3F9A];
	s0 =	simm.s32 @p1 $0x1  }
0x15: {  	[smem:$0x3FB7] =	sst s0;
	s0 =	simm.s32 @!p2 $0x0  }
0x16: {  	s3 =	sld [smem:$0x3FDB];
	s0 =	simm.s32 @p2 $0x1  }
0x17: {  	s4 =	simm.s32 $0x1BF5;
	[smem:$0x3FB9] =	sst s0  }
0x18: {  	s0 =	sld [smem:$0x3F9C];
	_ =	swait.ge [sflag:s4], $0x0  }
0x19: {  	s7 =	sld [smem:$0x3F9D]  }
0x1a: {  	s8 =	sadd.s32 $0xFFFFE003, lr  }
0x1b: {  	s9 =	sadd.s32 $0xFFFFFEF7, lr;
	s5 =	simm.s32 $0xFFFFFFFF;
	p2 =	slt.u32 s8, $0xFFFFF086  }
0x1c: {  	p1 =	slt.u32 s9, $0xF7A;
	s5 =	simm.s32 @!p2 $0x0  }
0x1d: {  	s5 =	simm.s32 @p1 $0x1;
	p0 =	seq.s32 s7, s2  }
0x1e: {  	s7 =	smul.u32 @!p0 $0xF7A, s2;
	p2 =	seq.s32 @!p0 s5, $0x0  }
0x1f: {  	s9 =	smul.u32 $0xF7A, s1;
	s8 =	simm.s32 @!p0 $0x1BF5;
	p2 =	por !p2, p0  }
0x20: {  	[sflag:s8] =	ssyncset.s32 @!p0 $0xFFFFF086;
	s6 =	sadd.s32 @!p0 s3, s7;
	s7 =	simm.s32 @!p0 $0x108  }
0x21: {  	s3 =	sadd.s32 s3, s9;
	s6 =	sadd.s32 @!p0 $0x88, s6;
	s7 =	simm.s32 @p2 $0x1082  }
0x22: {  	[simem:s7], [sflag:s8] =	dma.local @!p0 [hbm:s6], $0xF7A  }
0x23: {  	s9 =	sor.u32 $0xD0000000, s2;
	s6 =	simm.s32 $0x108;
	_ =	swait.ge @!p0 [sflag:s8], $0x0  }
0x24: {  	s3 =	sadd.s32 $0x88, s3;
	s6 =	simm.s32 @!p1 $0x1082;
	[sflag:s4] =	ssyncset.s32 $0xFFFFF086  }
0x25: {  	[simem:s6], [sflag:s4] =	dma.local [hbm:s3], $0xF7A  }
0x26: {  	[smem:$0x3F9D] =	sst s1;
	(tag) =	ssettag s2;
	_ =	strace s9  }
0x27: {  	s1 =	sld [smem:$0x3FAD]  }
0x28: {  	s2 =	sld [smem:$0x3FAE]  }
0x29: {  	s4 =	sld [smem:$0x3FB0]  }
0x2a: {  	p0 =	seq.s32 s5, $0x0;
	s5 =	sld [smem:$0x3FB1]  }
0x2b: {  	s6 =	sld [smem:$0x3FB2]  }
0x2c: {  	s7 =	sld [smem:$0x3FB3]  }
0x2d: {  	s3 =	simm.s32 $0x108;
	s8 =	sld [smem:$0x3FB4]  }
0x2e: {  	s3 =	simm.s32 @!p0 $0x1082;
	s9 =	sld [smem:$0x3FB5]  }
0x2f: {  	lr =	sadd.s32 s0, s3;
	s0 =	sld [smem:$0x3FAC]  }
0x30: {  	s3 =	sld [smem:$0x3FAF]  }
0x31: {  	[smem:$0x3FB8] =	sst s10  }
0x32: {  	s10 =	sld [smem:$0x3FB6];
	_ =	sdelay $0x3  }
0x33: {  	p0 =	seq.s32 s10, $0x1;
	s10 =	sld [smem:$0x3FB8];
	_ =	sdelay $0x3  }
0x34: {  	[smem:$0x3FB8] =	sst s10  }
0x35: {  	s10 =	sld [smem:$0x3FB7];
	_ =	sdelay $0x3  }
0x36: {  	p1 =	seq.s32 s10, $0x1;
	s10 =	sld [smem:$0x3FB8];
	_ =	sdelay $0x3  }
0x37: {  	[smem:$0x3FB8] =	sst s10  }
0x38: {  	s10 =	sld [smem:$0x3FB9]  }
0x39: {  	_ = 	snop;
	(pc) =	sbr.ind lr, $3  }
0x3a: {  	_ = 	snop  }
0x3b: {  	_ = 	snop  }
0x3c: {  	p2 =	seq.s32 s10, $0x1;
	s10 =	sld [smem:$0x3FB8]  }
0x3d: {  	_ =	shalt  }
0x3e: {  	_ =	shalt  }
0x3f: {  	_ =	shalt  }
0x40: {  	_ =	shalt  }
0x41: {  	_ =	shalt  }
0x42: {  	_ =	shalt  }
0x43: {  	_ =	shalt  }
0x44: {  	_ =	shalt  }
0x45: {  	_ =	shalt  }
0x46: {  	_ =	shalt  }
0x47: {  	_ =	shalt  }
0x48: {  	_ =	shalt  }
0x49: {  	_ =	shalt  }
0x4a: {  	_ =	shalt  }
0x4b: {  	_ =	shalt  }
0x4c: {  	_ =	shalt  }
0x4d: {  	_ =	shalt  }
0x4e: {  	_ =	shalt  }
0x4f: {  	_ =	shalt  }
0x50: {  	_ =	shalt  }
0x51: {  	_ =	shalt  }
0x52: {  	_ =	shalt  }
0x53: {  	_ =	shalt  }
0x54: {  	_ =	shalt  }
0x55: {  	_ =	shalt  }
0x56: {  	_ =	shalt  }
0x57: {  	_ =	shalt  }
0x58: {  	_ =	shalt  }
0x59: {  	_ =	shalt  }
0x5a: {  	_ =	shalt  }
0x5b: {  	_ =	shalt  }
0x5c: {  	_ =	shalt  }
0x5d: {  	_ =	shalt  }
0x5e: {  	_ =	shalt  }
0x5f: {  	_ =	shalt  }
0x60: {  	_ =	shalt  }
0x61: {  	_ =	shalt  }
0x62: {  	_ =	shalt  }
0x63: {  	_ =	shalt  }
0x64: {  	_ =	shalt  }
0x65: {  	_ =	shalt  }
0x66: {  	_ =	shalt  }
0x67: {  	_ =	shalt  }
0x68: {  	_ =	shalt  }
0x69: {  	_ =	shalt  }
0x6a: {  	_ =	shalt  }
0x6b: {  	_ =	shalt  }
0x6c: {  	_ =	shalt  }
0x6d: {  	_ =	shalt  }
0x6e: {  	_ =	shalt  }
0x6f: {  	_ =	shalt  }
0x70: {  	_ =	shalt  }
0x71: {  	_ =	shalt  }
0x72: {  	_ =	shalt  }
0x73: {  	_ =	shalt  }
0x74: {  	_ =	shalt  }
0x75: {  	_ =	shalt  }
0x76: {  	_ =	shalt  }
0x77: {  	_ =	shalt  }
0x78: {  	_ =	shalt  }
0x79: {  	_ =	shalt  }
0x7a: {  	_ =	shalt  }
0x7b: {  	_ =	shalt  }
0x7c: {  	_ =	shalt  }
0x7d: {  	_ =	shalt  }
0x7e: {  	_ =	shalt  }
0x7f: {  	_ =	shalt  }
0x80: {  	_ =	shalt  }
0x81: {  	_ =	shalt  }
0x82: {  	_ =	shalt  }
0x83: {  	_ =	shalt  }
0x84: {  	_ =	shalt  }
0x85: {  	_ =	shalt  }
0x86: {  	_ =	shalt  }
0x87: {  	_ =	shalt  }
.Lfunc_end0:
.L_simem_size_0:
called_computation.1_lowered:
.L_overlay_start_0:
0x88: {  	s2 =	sld [smem:$0x3FD9]  }
0x89: {  	s3 =	sld [smem:$0x3FFE];
	_ =	sdelay $0x1  }
0x8a: {  	s1 =	srdreg.scid  }
0x8b: {  	s0 =	sand.u32 $0x1, s1  }
0x8c: {  	s17 =	sshll.u32 s0, $0xA;
	s2 =	sadd.s32 s3, s2  }
0x8d: {  	s2 =	sadd.s32 s2, s17  }
0x8e: {  	[smem:$0x3FC4] =	sst s2  }
0x8f: {  	_ = 	snop  }
0x90: {  	s2 =	sld [smem:$0x3FD0];
	(tm) =	ssettm $0x1  }
0x91: {  	s18 =	sld [smem:$0x3FFB];
	_ =	sdelay $0x3  }
0x92: {  	_ =	strace s18  }
0x93: {  	s3 =	sld [smem:$0x3FFC];
	_ =	sdelay $0x3  }
0x94: {  	_ =	strace s3  }
0x95: {  	s3 =	sld [smem:$0x3FFD];
	_ =	sdelay $0x3  }
0x96: {  	_ =	strace s3  }
0x97: {  	_ =	strace $0x8FFFFFFF  }
0x98: {  	s19 =	sld [smem:$0x3FDB];
	_ =	sdelay $0x1  }
0x99: {  	s4 =	simm.s32 $_scs_section_size  }
0x9a: {  	s5 =	simm.s32 $_size__tile_overlayer_lowered;
	s6 =	simm.s32 $_tile_overlayer_lowered  }
0x9b: {  	s22 =	simm.s32 $0x1BFF;
	s21 =	sshll.u32 s6, $0x1;
	s3 =	sadd.s32 s4, s19  }
0x9c: {  	s7 =	simm.s32 $0x0;
	s20 =	sshll.u32 s5, $0x1;
	s5 =	sadd.s32 s21, s3  }
0x9d: {  	[timem:s7], [sflag:s22] =	dma.local [hbm:s5], s20  }
0x9e: {  	_ =	swait.ge [sflag:s22], s20  }
0x9f: {  	s4 =	ssub.s32 $0x0, s20;
	[sflag:s22] =	ssyncset.done $0x0  }
0xa0: {  	[sflag:s22] =	ssyncadd.s32 s4;
	_ =	sdelay $0x1  }
0xa1: {  	s23 =	simm.s32 $0x1B8B  }
0xa2: {  	_ =	swait.ge [sflag:s23], $0x1  }
0xa3: {  	[sflag:s23] =	ssyncset.done $0x0  }
0xa4: {  	s25 =	simm.s32 $0x1B8E;
	s24 =	sld [smem:$0x3FFE];
	[sflag:s23] =	ssyncadd.s32 $0xFFFFFFFF  }
0xa5: {  	s26 =	simm.s32 $execute0_lowered;
	[smem:$0x3FD2] =	sst s25  }
0xa6: {  	s5 =	sshll.u32 s26, $0x1;
	_ =	strace $0x80000049;
	[dreg:$0x1] =	wrdreg $0xFFFFFFFF  }
0xa7: {  	s28 =	simm.s32 $_size_execute0_lowered;
	s3 =	sadd.s32 s3, s5;
	[dreg:$0x0] =	wrdreg $0x0  }
0xa8: {  	s5 =	sshll.u32 s28, $0x1;
	[dreg:$0x2] =	wrdreg s3  }
0xa9: {  	[dreg:$0x3] =	wrdreg s5  }
0xaa: {  	[dreg:$0x4] =	wrdreg $0xC0  }
0xab: {  	_ =	task [dreg:s7], $0x5FFFF  }
0xac: {  	[dreg:$0x1] =	wrdreg $0xFFFFFFFF  }
0xad: {  	[dreg:$0x0] =	wrdreg $0x60  }
0xae: {  	[dreg:$0x2] =	wrdreg s2  }
0xaf: {  	[dreg:$0x3] =	wrdreg s24  }
0xb0: {  	[dreg:$0x4] =	wrdreg $0xA4000  }
0xb1: {  	[dreg:$0x5] =	wrdreg $0x9  }
0xb2: {  	_ =	task.clear_ibuf [dreg:s7], $0x6FFFF;
	_ =	strace $0x90000049  }
0xb3: {  	s29 =	simm.s32 $0x9;
	_ =	strace $0x8000004B  }
0xb4: {  	_ =	swait.ge [sflag:s29], $0x1  }
0xb5: {  	[sflag:s29] =	ssyncadd.s32 $0xFFFFFFFF  }
0xb6: {  	_ =	strace $0x9000004B  }
0xb7: {  	_ =	sfence  }
0xb8: {  	s30 =	sld [smem:$0x0];
	_ =	sdelay $0x2  }
0xb9: {  	s31 =	sshll.u32 s1, $0xD;
	s1 =	sshrl.u32 s1, $0x2  }
0xba: {  	s3 =	sand.u32 $0x4000, s31;
	s1 =	sadd.s32 s1, s30  }
0xbb: {  	s0 =	sor.u32 s3, s0;
	s1 =	sshll.u32 s1, $0x11  }
0xbc: {  	s0 =	sor.u32 s1, s0  }
0xbd: {  	s0 =	sadd.s32 $0x8F2B, s0  }
0xbe: {  	[sflag:s0] =	ssyncadd.remote.s32 $0x1  }
0xbf: {  	_ =	sfence.sel $0xFFFF  }
0xc0: {  	[dreg:$0x0] =	wrdreg $0xFFFFFFFF;
	(pc) =	sbr.abs _section_cstart, $3  }
0xc1: {  	[dreg:$0x1] =	wrdreg $0xFFFFFFFF  }
0xc2: {  	_ =	task.clear_ibuf [dreg:s7], $0x2FFFF;
	_ =	strace $0x9FFFFFFF  }
0xc3: {  	(tm) =	ssettm $0x7FFFFFFF  }
tec
execute0_lowered:
.L_overlay_start_1:
0x0: {  	(tag) =	ssettag $0x1  }
0x1: {  	s0 =	rddreg [dreg:$0x0]  }
0x2: {  	s1 =	rddreg [dreg:$0x1];
	s3 =	srdreg.scid  }
0x3: {  	s12 =	stileid.u32;
	s2 =	rddreg [dreg:$0x2];
	s15 =	simm.s32 $0x80  }
0x4: {  	s18 =	simm.s32 $0x5400;
	s19 =	simm.s32 $0x9800;
	s20 =	simm.s32 $0x1  }
0x5: {  	s21 =	simm.s32 $0x3;
	s22 =	simm.s32 $0x9C00;
	s28 =	simm.s32 $0x6  }
0x6: {  	s29 =	simm.s32 $0x0;
	s4 =	sand.u32 $0x1, s3;
	s7 =	smul.u32 $0x50000, s12  }
0x7: {  	s5 =	sshll.u32 s12, $0x1;
	s3 =	simm.s32 $0x0;
	s25 =	smul.u32 $0x2800, s12  }
0x8: {  	s31 =	sshll.u32 s12, $0x6;
	s12 =	simm.s32 $0x7;
	s9 =	sor.u32 s4, s5  }
0x9: {  	[smem:$0x7FF] =	sst s3;
	s6 =	ssub.s32 $0x2, s4;
	s5 =	smul.u32 $0x280, s9  }
0xa: {  	s4 =	sadd.s32 $0x5E00, s1;
	s13 =	sor.u32 $0x1C07, s31;
	s10 =	smul.u32 $0x28000, s9  }
0xb: {  	_ =	strace $0x8000004A;
	s8 =	sshrl.u32 s6, $0x1;
	s11 =	smul.u32 $0x1400, s9  }
0xc: {  	s24 =	sshrl.u32 s7, $0x2;
	s0 =	sadd.s32 s0, s25;
	s9 =	smul.u32 $0xA000, s9  }
0xd: {  	s25 =	simm.s32 $0xA000;
	s23 =	ssub.s32 s6, s8;
	s14 =	sadd.s32 s24, s2  }
.Ltmp0:
0xe: {  	[dreg:$0x5] =	wrdreg s0;
	s24 =	simm.s32 $0x4;
	(pc) =	sbr.rel .LBB2_1-.Ltmp0, $4  }
0xf: {  	s5 =	sadd.s32 s5, s1;
	s26 =	sshrl.u32 s10, $0x2;
	s10 =	smax.u32 s23, $0x1  }
0x10: {  	s30 =	sadd.s32 s11, s4;
	s14 =	sshrl.u32 s14, $0x3;
	s23 =	simm.s32 $0x2  }
0x11: {  	s5 =	sadd.s32 $0xE00, s5;
	s6 =	sadd.s32 s26, s2;
	s11 =	sadd.s32 $0x80, s30  }
0x12: {  	s26 =	simm.s32 $0x5;
	[dreg:$0x4] =	wrdreg s5;
	s8 =	sadd.s32 $0x400, s6  }
.LBB2_8:
0x13: {  	s29 =	sadd.s32 $0x1, s29  }
0x14: {  	_ =	swait.ge [sflag:s26], $0x400;
	p0 =	sne.s32 s29, s10  }
.Ltmp1:
0x15: {  	[sflag:s26] =	ssyncset.done $0x0;
	(pc) =	sbr.rel @!p0 .LBB2_9-.Ltmp1, $4  }
0x16: {  	[sflag:s26] =	ssyncadd.s32 $0xFFFFFC00  }
0x17: {  	_ =	swait.ge [sflag:s28], $0x400  }
0x18: {  	[sflag:s28] =	ssyncset.done $0x0  }
0x19: {  	[sflag:s28] =	ssyncadd.s32 $0xFFFFFC00  }
.LBB2_1:
0x1a: {  	s0 =	rddreg [dreg:$0x4]  }
0x1b: {  	[tilespmem:s3], [sflag:$0x7] =	stream.linear.gather [hbm4b:s0+s3], $0x1400, $0x38;
	[tilespmem:$0x1E400] =	vst v63  }
0x1c: {  	_ =	swait.ge [sflag:s12], $0x1400  }
0x1d: {  	[sflag:s12] =	ssyncset.done $0x0  }
0x1e: {  	s16 =	rddreg [dreg:$0x5];
	[sflag:s12] =	ssyncadd.s32 $0xFFFFEC00  }
0x1f: {  	[spmem:s14], [sflag:s13] =	dma.local [hbm:s16], $0x2800  }
0x20: {  	_ =	swait.ge [sflag:s12], $0x2800  }
0x21: {  	[sflag:s12] =	ssyncset.done $0x0  }
0x22: {  	[sflag:s12] =	ssyncadd.s32 $0xFFFFD800  }
0x23: {  	s17 =	simm.s32 $0x1400;
	[bflag:$0x0] =	sbarrier.arrive $0xFFFF  }
0x24: {  	[tilespmem:s17], [sflag:$0x1] =	stream.indirect.gather [spmem:s2], $0x80, s3, s15, $0xb8;
	[tilespmem:$0x1E400] =	vst v63  }
0x25: {  	s31 =	simm.s32 $0x9400  }
0x26: {  	[tilespmem:s31], [sflag:$0x3] =	stream.linear.gather [spmem:s6], $0x400, $0x38;
	[tilespmem:$0x1E400] =	vst v63  }
0x27: {  	_ = 	snop  }
0x28: {  	[tilespmem:s18], [sflag:$0x2] =	stream.indirect.gather [spmem:s2], $0x80, s15, s15, $0xb8;
	[tilespmem:$0x1E400] =	vst v63  }
0x29: {  	s30 =	simm.s32 $0x0  }
0x2a: {  	[tilespmem:s19], [sflag:$0x4] =	stream.linear.gather [spmem:s8], $0x400, $0x38;
	[tilespmem:$0x1E400] =	vst v63  }
.LBB2_2:
0x2b: {  	_ =	swait.ge [sflag:s20], $0x4000  }
0x2c: {  	[sflag:s20] =	ssyncset.done $0x0  }
0x2d: {  	[sflag:s20] =	ssyncadd.s32 $0xFFFFC000  }
0x2e: {  	_ =	swait.ge [sflag:s21], $0x400  }
0x2f: {  	p0 =	seq.s32 s30, $0x0;
	[sflag:s21] =	ssyncset.done $0x0  }
0x30: {  	s0 =	simm.s32 @!p0 $0x5;
	[sflag:s21] =	ssyncadd.s32 $0xFFFFFC00  }
0x31: {  	_ =	swait.ge @!p0 [sflag:s0], $0x400  }
0x32: {  	s31 =	sshll.u32 s30, $0x1;
	[sflag:s0] =	ssyncset.done @!p0 $0x0  }
0x33: {  	s1 =	simm.s32 $0x0;
	[sflag:s0] =	ssyncadd.s32 @!p0 $0xFFFFFC00;
	s0 =	simm.s32 $0x0  }
.LBB2_3:
0x34: {  	s16 =	sshll.u32 s0, $0x4  }
0x35: {  	s17 =	sand.u32 $0x70, s1;
	s5 =	sshll.u32 s0, $0x8;
	s16 =	sand.u32 $0xFFFFFF80, s16  }
0x36: {  	s5 =	sand.u32 $0x3FFFF800, s5;
	s16 =	sor.u32 s17, s16  }
0x37: {  	s5 =	sor.u32 s17, s5;
	v0 =	vld [tilespmem:s16+$0x9400]  }
0x38: {  	v2 =	vld [tilespmem:s5+$0x1400]  }
0x39: {  	v3 =	vld [tilespmem:s5+$0x1480]  }
0x3a: {  	v4 =	vld [tilespmem:s5+$0x1500]  }
0x3b: {  	v5 =	vld [tilespmem:s5+$0x1580]  }
0x3c: {  	v6 =	vld [tilespmem:s5+$0x1600]  }
0x3d: {  	v7 =	vld [tilespmem:s5+$0x1680]  }
0x3e: {  	v8 =	vld [tilespmem:s5+$0x1700]  }
0x3f: {  	v9 =	vld [tilespmem:s5+$0x1780]  }
0x40: {  	v10 =	vld [tilespmem:s5+$0x1800]  }
0x41: {  	v11 =	vld [tilespmem:s5+$0x1880]  }
0x42: {  	v12 =	vld [tilespmem:s5+$0x1900]  }
0x43: {  	v13 =	vld [tilespmem:s5+$0x1980]  }
0x44: {  	v14 =	vld [tilespmem:s5+$0x1A00]  }
0x45: {  	v15 =	vld [tilespmem:s5+$0x1A80]  }
0x46: {  	v16 =	vld [tilespmem:s5+$0x1B00]  }
0x47: {  	v17 =	vld [tilespmem:s5+$0x1B80];
	v1 =	vshll.u32 v0, $0x10;
	v18 =	vshll.u32 v2, $0x10  }
0x48: {  	v19 =	vshll.u32 v3, $0x10;
	v20 =	vshll.u32 v4, $0x10;
	v21 =	vshll.u32 v5, $0x10  }
0x49: {  	v22 =	vshll.u32 v6, $0x10;
	v23 =	vshll.u32 v7, $0x10;
	v24 =	vshll.u32 v8, $0x10  }
0x4a: {  	v25 =	vshll.u32 v9, $0x10;
	v26 =	vshll.u32 v10, $0x10;
	v27 =	vshll.u32 v11, $0x10  }
0x4b: {  	v28 =	vshll.u32 v12, $0x10;
	v29 =	vshll.u32 v13, $0x10;
	v30 =	vshll.u32 v14, $0x10  }
0x4c: {  	v31 =	vshll.u32 v15, $0x10;
	v32 =	vshll.u32 v16, $0x10;
	v33 =	vshll.u32 v17, $0x10  }
0x4d: {  	v34 =	vmin.f32 v18, v19;
	v18 =	vmax.f32 v18, v19;
	v47 =	vmin.f32 v20, v21  }
0x4e: {  	v20 =	vmax.f32 v20, v21;
	v48 =	vmin.f32 v22, v23;
	v22 =	vmax.f32 v22, v23  }
0x4f: {  	v49 =	vmin.f32 v24, v25;
	v24 =	vmax.f32 v24, v25;
	v50 =	vmin.f32 v26, v27  }
0x50: {  	v26 =	vmax.f32 v26, v27;
	v51 =	vmin.f32 v28, v29;
	v28 =	vmax.f32 v28, v29  }
0x51: {  	v52 =	vmin.f32 v30, v31;
	v30 =	vmax.f32 v30, v31;
	v53 =	vmin.f32 v32, v33  }
0x52: {  	v32 =	vmax.f32 v32, v33;
	v54 =	vmin.f32 v34, v47;
	v19 =	vmax.f32 v34, v47  }
0x53: {  	v55 =	vmin.f32 v18, v20;
	v18 =	vmax.f32 v18, v20;
	v56 =	vmin.f32 v48, v49  }
0x54: {  	v21 =	vmax.f32 v48, v49;
	v57 =	vmin.f32 v22, v24;
	v22 =	vmax.f32 v22, v24  }
0x55: {  	v58 =	vmin.f32 v50, v51;
	v25 =	vmax.f32 v50, v51;
	v59 =	vmin.f32 v26, v28  }
0x56: {  	v26 =	vmax.f32 v26, v28;
	v60 =	vmin.f32 v52, v53;
	v29 =	vmax.f32 v52, v53  }
0x57: {  	v61 =	vmin.f32 v30, v32;
	v30 =	vmax.f32 v30, v32;
	v62 =	vmin.f32 v55, v19  }
0x58: {  	v19 =	vmax.f32 v55, v19;
	v63 =	vmin.f32 v57, v21;
	v21 =	vmax.f32 v57, v21  }
0x59: {  	v36 =	vmin.f32 v59, v25;
	v25 =	vmax.f32 v59, v25;
	v37 =	vmin.f32 v61, v29  }
0x5a: {  	v29 =	vmax.f32 v61, v29;
	v38 =	vmin.f32 v54, v56;
	v20 =	vmax.f32 v54, v56  }
0x5b: {  	v41 =	vmin.f32 v18, v22;
	v18 =	vmax.f32 v18, v22;
	v42 =	vmin.f32 v58, v60  }
0x5c: {  	v24 =	vmax.f32 v58, v60;
	v45 =	vmin.f32 v26, v30;
	v26 =	vmax.f32 v26, v30  }
0x5d: {  	v59 =	vmin.f32 v2, v3;
	v2 =	vmax.f32 v2, v3;
	v60 =	vmin.f32 v4, v5  }
0x5e: {  	v4 =	vmax.f32 v4, v5;
	v61 =	vmin.f32 v6, v7;
	v6 =	vmax.f32 v6, v7  }
0x5f: {  	v39 =	vmin.f32 v62, v63;
	v32 =	vmax.f32 v62, v63;
	v40 =	vmin.f32 v19, v21  }
0x60: {  	v19 =	vmax.f32 v19, v21;
	v43 =	vmin.f32 v36, v37;
	v23 =	vmax.f32 v36, v37  }
0x61: {  	v44 =	vmin.f32 v25, v29;
	v25 =	vmax.f32 v25, v29;
	v22 =	vmax.f32 v38, v42  }
0x62: {  	v18 =	vmin.f32 v18, v26;
	v62 =	vmin.f32 v8, v9;
	v8 =	vmax.f32 v8, v9  }
0x63: {  	v63 =	vmin.f32 v10, v11;
	v10 =	vmax.f32 v10, v11;
	v26 =	vmin.f32 v16, v17  }
0x64: {  	v16 =	vmax.f32 v16, v17;
	v27 =	vmin.f32 v59, v60;
	v3 =	vmax.f32 v59, v60  }
0x65: {  	v46 =	vmin.f32 v40, v20;
	v20 =	vmax.f32 v40, v20;
	v47 =	vmin.f32 v41, v32  }
0x66: {  	v21 =	vmax.f32 v41, v32;
	v48 =	vmin.f32 v44, v24;
	v24 =	vmax.f32 v44, v24  }
0x67: {  	v49 =	vmin.f32 v45, v23;
	v23 =	vmax.f32 v45, v23;
	v29 =	vmin.f32 v61, v62  }
0x68: {  	v5 =	vmax.f32 v61, v62;
	v50 =	vmin.f32 v39, v46;
	v30 =	vmax.f32 v39, v46  }
0x69: {  	v51 =	vmin.f32 v47, v20;
	v20 =	vmax.f32 v47, v20;
	v52 =	vmin.f32 v21, v19  }
0x6a: {  	v19 =	vmax.f32 v21, v19;
	v53 =	vmin.f32 v43, v48;
	v28 =	vmax.f32 v43, v48  }
0x6b: {  	v54 =	vmin.f32 v49, v24;
	v24 =	vmax.f32 v49, v24;
	v55 =	vmin.f32 v23, v25  }
0x6c: {  	v23 =	vmax.f32 v23, v25;
	v25 =	vmin.f32 v14, v15;
	v14 =	vmax.f32 v14, v15  }
0x6d: {  	v39 =	vmin.f32 v27, v29;
	v21 =	vmax.f32 v50, v53;
	v56 =	vmax.f32 v30, v28  }
0x6e: {  	v57 =	vmax.f32 v51, v54;
	v20 =	vmin.f32 v20, v24;
	v58 =	vmin.f32 v52, v55  }
0x6f: {  	v19 =	vmin.f32 v19, v23;
	v24 =	vmin.f32 v12, v13;
	v12 =	vmax.f32 v12, v13  }
0x70: {  	v28 =	vmin.f32 v2, v4;
	v2 =	vmax.f32 v2, v4;
	v30 =	vmin.f32 v6, v8  }
0x71: {  	v6 =	vmax.f32 v6, v8;
	v33 =	vmin.f32 v25, v26;
	v13 =	vmax.f32 v25, v26  }
0x72: {  	v34 =	vmin.f32 v14, v16;
	v14 =	vmax.f32 v14, v16;
	v4 =	vmax.f32 v27, v29  }
0x73: {  	v20 =	vmax.f32 v20, v22;
	v21 =	vmax.f32 v58, v21;
	v19 =	vmin.f32 v19, v56  }
0x74: {  	v18 =	vmin.f32 v18, v57;
	v31 =	vmin.f32 v63, v24;
	v9 =	vmax.f32 v63, v24  }
0x75: {  	v32 =	vmin.f32 v10, v12;
	v10 =	vmax.f32 v10, v12;
	v35 =	vmin.f32 v28, v3  }
0x76: {  	v3 =	vmax.f32 v28, v3;
	v36 =	vmin.f32 v30, v5;
	v5 =	vmax.f32 v30, v5  }
0x77: {  	v38 =	vmin.f32 v34, v13;
	v13 =	vmax.f32 v34, v13;
	v42 =	vmin.f32 v2, v6  }
0x78: {  	v2 =	vmax.f32 v2, v6;
	v19 =	vmax.f32 v19, v20;
	v37 =	vmin.f32 v32, v9  }
0x79: {  	v9 =	vmax.f32 v32, v9;
	v40 =	vmin.f32 v35, v36;
	v16 =	vmax.f32 v35, v36  }
0x7a: {  	v41 =	vmin.f32 v3, v5;
	v3 =	vmax.f32 v3, v5;
	v43 =	vmin.f32 v31, v33  }
0x7b: {  	v8 =	vmax.f32 v31, v33;
	v46 =	vmin.f32 v10, v14;
	v10 =	vmax.f32 v10, v14  }
0x7c: {  	v44 =	vmin.f32 v37, v38;
	v7 =	vmax.f32 v37, v38;
	v45 =	vmin.f32 v9, v13  }
0x7d: {  	v9 =	vmax.f32 v9, v13;
	v47 =	vmin.f32 v41, v4;
	v4 =	vmax.f32 v41, v4  }
0x7e: {  	v48 =	vmin.f32 v42, v16;
	v5 =	vmax.f32 v42, v16;
	v6 =	vmax.f32 v39, v43  }
0x7f: {  	v2 =	vmin.f32 v2, v10;
	v49 =	vmin.f32 v45, v8;
	v8 =	vmax.f32 v45, v8  }
0x80: {  	v50 =	vmin.f32 v46, v7;
	v7 =	vmax.f32 v46, v7;
	v51 =	vmin.f32 v40, v47  }
0x81: {  	v14 =	vmax.f32 v40, v47;
	v52 =	vmin.f32 v48, v4;
	v4 =	vmax.f32 v48, v4  }
0x82: {  	v53 =	vmin.f32 v5, v3;
	v3 =	vmax.f32 v5, v3;
	v54 =	vmin.f32 v44, v49  }
0x83: {  	v12 =	vmax.f32 v44, v49;
	v55 =	vmin.f32 v50, v8;
	v8 =	vmax.f32 v50, v8  }
0x84: {  	v56 =	vmin.f32 v7, v9;
	v7 =	vmax.f32 v7, v9;
	v5 =	vmax.f32 v51, v54  }
0x85: {  	v57 =	vmax.f32 v14, v12;
	v58 =	vmax.f32 v52, v55;
	v4 =	vmin.f32 v4, v8  }
0x86: {  	v59 =	vmin.f32 v53, v56;
	v3 =	vmin.f32 v3, v7;
	v4 =	vmax.f32 v4, v6  }
0x87: {  	v5 =	vmax.f32 v59, v5;
	v3 =	vmin.f32 v3, v57;
	v2 =	vmin.f32 v2, v58  }
0x88: {  	v60 =	vmin.f32 v18, v21;
	v3 =	vmax.f32 v3, v4;
	v2 =	vmin.f32 v2, v5  }
0x89: {  	p1 =	sne.s32 s0, $0x3F;
	v61 =	vmin.f32 v60, v19;
	v62 =	vmax.f32 v60, v19;
	v63 =	vmax.f32 v2, v3  }
.Ltmp2:
0x8a: {  	v1 =	vmin.f32 v1, v62;
	v2 =	vmin.f32 v2, v3;
	v0 =	vmin.f32 v0, v63;
	(pc) =	sbr.rel @p1 .LBB2_3-.Ltmp2, $4  }
0x8b: {  	v1 =	vmax.f32 v61, v1;
	v0 =	vmax.f32 v2, v0  }
0x8c: {  	v1 =	vshrl.u32 v1, $0x10;
	v0 =	vand.u32 $0xFFFF0000, v0  }
0x8d: {  	v0 =	vor.u32 v0, v1  }
0x8e: {  	s1 =	sadd.s32 $0x10, s1;
	s0 =	sadd.s32 $0x1, s0;
	[tilespmem:s16+$0x9C00] =	vst v0  }
0x8f: {  	s0 =	sshll.u32 s30, $0xB  }
0x90: {  	s0 =	sadd.s32 s9, s0  }
0x91: {  	s0 =	sshrl.u32 s0, $0x3  }
0x92: {  	p1 =	seq.s32 s30, $0x13;
	s0 =	sadd.s32 s4, s0  }
0x93: {  	[hbm4b:s0+s3] =	stream.linear.scatter [tilespmem:s22], [sflag:$0x5], $0x400, $0x38;
	[tilespmem:$0x1E400] =	vst v63  }
0x94: {  	s0 =	sadd.s32 @!p1 $0x2, s31  }
0x95: {  	s16 =	simm.s32 @!p1 $0x1400;
	s1 =	sshll.u32 @!p1 s0, $0x7;
	s0 =	sshll.u32 @!p1 s0, $0xA  }
0x96: {  	s5 =	simm.s32 @!p1 $0x80;
	s1 =	sand.u32 @!p1 $0x3FFFFF80, s1;
	s0 =	sand.u32 @!p1 $0x3FFFFC00, s0  }
0x97: {  	[tilespmem:s16], [sflag:$0x1] =	stream.indirect.gather @!p1 [spmem:s2], $0x80, s1, s5, $0xb8;
	[tilespmem:$0x1E400] =	vst v63  }
0x98: {  	s0 =	sadd.s32 @!p1 s0, s6;
	s1 =	simm.s32 @!p1 $0x9400  }
0x99: {  	[tilespmem:s1], [sflag:$0x3] =	stream.linear.gather @!p1 [spmem:s0], $0x400, $0x38;
	[tilespmem:$0x1E400] =	vst v63  }
0x9a: {  	_ =	swait.ge [sflag:s23], $0x4000  }
0x9b: {  	[sflag:s23] =	ssyncset.done $0x0  }
0x9c: {  	[sflag:s23] =	ssyncadd.s32 $0xFFFFC000  }
0x9d: {  	_ =	swait.ge [sflag:s24], $0x400  }
0x9e: {  	[sflag:s24] =	ssyncset.done $0x0  }
0x9f: {  	s0 =	simm.s32 @!p0 $0x6;
	[sflag:s24] =	ssyncadd.s32 $0xFFFFFC00  }
0xa0: {  	_ =	swait.ge @!p0 [sflag:s0], $0x400  }
0xa1: {  	[sflag:s0] =	ssyncset.done @!p0 $0x0  }
0xa2: {  	s1 =	simm.s32 $0x0;
	[sflag:s0] =	ssyncadd.s32 @!p0 $0xFFFFFC00;
	s0 =	simm.s32 $0x0  }
.LBB2_5:
0xa3: {  	s5 =	sshll.u32 s0, $0x4  }
0xa4: {  	s17 =	sand.u32 $0x70, s1;
	s7 =	sshll.u32 s0, $0x8;
	s5 =	sand.u32 $0xFFFFFF80, s5  }
0xa5: {  	s7 =	sand.u32 $0x3FFFF800, s7;
	s16 =	sor.u32 s17, s5  }
0xa6: {  	s5 =	sor.u32 s17, s7;
	v0 =	vld [tilespmem:s16+$0x9800]  }
0xa7: {  	v2 =	vld [tilespmem:s5+$0x5400]  }
0xa8: {  	v3 =	vld [tilespmem:s5+$0x5480]  }
0xa9: {  	v4 =	vld [tilespmem:s5+$0x5500]  }
0xaa: {  	v5 =	vld [tilespmem:s5+$0x5580]  }
0xab: {  	v6 =	vld [tilespmem:s5+$0x5600]  }
0xac: {  	v7 =	vld [tilespmem:s5+$0x5680]  }
0xad: {  	v8 =	vld [tilespmem:s5+$0x5700]  }
0xae: {  	v9 =	vld [tilespmem:s5+$0x5780]  }
0xaf: {  	v10 =	vld [tilespmem:s5+$0x5800]  }
0xb0: {  	v11 =	vld [tilespmem:s5+$0x5880]  }
0xb1: {  	v12 =	vld [tilespmem:s5+$0x5900]  }
0xb2: {  	v13 =	vld [tilespmem:s5+$0x5980]  }
0xb3: {  	v14 =	vld [tilespmem:s5+$0x5A00]  }
0xb4: {  	v15 =	vld [tilespmem:s5+$0x5A80]  }
0xb5: {  	v16 =	vld [tilespmem:s5+$0x5B00]  }
0xb6: {  	v17 =	vld [tilespmem:s5+$0x5B80];
	v1 =	vshll.u32 v0, $0x10;
	v18 =	vshll.u32 v2, $0x10  }
0xb7: {  	v19 =	vshll.u32 v3, $0x10;
	v20 =	vshll.u32 v4, $0x10;
	v21 =	vshll.u32 v5, $0x10  }
0xb8: {  	v22 =	vshll.u32 v6, $0x10;
	v23 =	vshll.u32 v7, $0x10;
	v24 =	vshll.u32 v8, $0x10  }
0xb9: {  	v25 =	vshll.u32 v9, $0x10;
	v26 =	vshll.u32 v10, $0x10;
	v27 =	vshll.u32 v11, $0x10  }
0xba: {  	v28 =	vshll.u32 v12, $0x10;
	v29 =	vshll.u32 v13, $0x10;
	v30 =	vshll.u32 v14, $0x10  }
0xbb: {  	v31 =	vshll.u32 v15, $0x10;
	v32 =	vshll.u32 v16, $0x10;
	v33 =	vshll.u32 v17, $0x10  }
0xbc: {  	v34 =	vmin.f32 v18, v19;
	v18 =	vmax.f32 v18, v19;
	v47 =	vmin.f32 v20, v21  }
0xbd: {  	v20 =	vmax.f32 v20, v21;
	v48 =	vmin.f32 v22, v23;
	v22 =	vmax.f32 v22, v23  }
0xbe: {  	v49 =	vmin.f32 v24, v25;
	v24 =	vmax.f32 v24, v25;
	v50 =	vmin.f32 v26, v27  }
0xbf: {  	v26 =	vmax.f32 v26, v27;
	v51 =	vmin.f32 v28, v29;
	v28 =	vmax.f32 v28, v29  }
0xc0: {  	v52 =	vmin.f32 v30, v31;
	v30 =	vmax.f32 v30, v31;
	v53 =	vmin.f32 v32, v33  }
0xc1: {  	v32 =	vmax.f32 v32, v33;
	v54 =	vmin.f32 v34, v47;
	v19 =	vmax.f32 v34, v47  }
0xc2: {  	v55 =	vmin.f32 v18, v20;
	v18 =	vmax.f32 v18, v20;
	v56 =	vmin.f32 v48, v49  }
0xc3: {  	v21 =	vmax.f32 v48, v49;
	v57 =	vmin.f32 v22, v24;
	v22 =	vmax.f32 v22, v24  }
0xc4: {  	v58 =	vmin.f32 v50, v51;
	v25 =	vmax.f32 v50, v51;
	v59 =	vmin.f32 v26, v28  }
0xc5: {  	v26 =	vmax.f32 v26, v28;
	v60 =	vmin.f32 v52, v53;
	v29 =	vmax.f32 v52, v53  }
0xc6: {  	v61 =	vmin.f32 v30, v32;
	v30 =	vmax.f32 v30, v32;
	v62 =	vmin.f32 v55, v19  }
0xc7: {  	v19 =	vmax.f32 v55, v19;
	v63 =	vmin.f32 v57, v21;
	v21 =	vmax.f32 v57, v21  }
0xc8: {  	v36 =	vmin.f32 v59, v25;
	v25 =	vmax.f32 v59, v25;
	v37 =	vmin.f32 v61, v29  }
0xc9: {  	v29 =	vmax.f32 v61, v29;
	v38 =	vmin.f32 v54, v56;
	v20 =	vmax.f32 v54, v56  }
0xca: {  	v41 =	vmin.f32 v18, v22;
	v18 =	vmax.f32 v18, v22;
	v42 =	vmin.f32 v58, v60  }
0xcb: {  	v24 =	vmax.f32 v58, v60;
	v45 =	vmin.f32 v26, v30;
	v26 =	vmax.f32 v26, v30  }
0xcc: {  	v59 =	vmin.f32 v2, v3;
	v2 =	vmax.f32 v2, v3;
	v60 =	vmin.f32 v4, v5  }
0xcd: {  	v4 =	vmax.f32 v4, v5;
	v61 =	vmin.f32 v6, v7;
	v6 =	vmax.f32 v6, v7  }
0xce: {  	v39 =	vmin.f32 v62, v63;
	v32 =	vmax.f32 v62, v63;
	v40 =	vmin.f32 v19, v21  }
0xcf: {  	v19 =	vmax.f32 v19, v21;
	v43 =	vmin.f32 v36, v37;
	v23 =	vmax.f32 v36, v37  }
0xd0: {  	v44 =	vmin.f32 v25, v29;
	v25 =	vmax.f32 v25, v29;
	v22 =	vmax.f32 v38, v42  }
0xd1: {  	v18 =	vmin.f32 v18, v26;
	v62 =	vmin.f32 v8, v9;
	v8 =	vmax.f32 v8, v9  }
0xd2: {  	v63 =	vmin.f32 v10, v11;
	v10 =	vmax.f32 v10, v11;
	v26 =	vmin.f32 v16, v17  }
0xd3: {  	v16 =	vmax.f32 v16, v17;
	v27 =	vmin.f32 v59, v60;
	v3 =	vmax.f32 v59, v60  }
0xd4: {  	v46 =	vmin.f32 v40, v20;
	v20 =	vmax.f32 v40, v20;
	v47 =	vmin.f32 v41, v32  }
0xd5: {  	v21 =	vmax.f32 v41, v32;
	v48 =	vmin.f32 v44, v24;
	v24 =	vmax.f32 v44, v24  }
0xd6: {  	v49 =	vmin.f32 v45, v23;
	v23 =	vmax.f32 v45, v23;
	v29 =	vmin.f32 v61, v62  }
0xd7: {  	v5 =	vmax.f32 v61, v62;
	v50 =	vmin.f32 v39, v46;
	v30 =	vmax.f32 v39, v46  }
0xd8: {  	v51 =	vmin.f32 v47, v20;
	v20 =	vmax.f32 v47, v20;
	v52 =	vmin.f32 v21, v19  }
0xd9: {  	v19 =	vmax.f32 v21, v19;
	v53 =	vmin.f32 v43, v48;
	v28 =	vmax.f32 v43, v48  }
0xda: {  	v54 =	vmin.f32 v49, v24;
	v24 =	vmax.f32 v49, v24;
	v55 =	vmin.f32 v23, v25  }
0xdb: {  	v23 =	vmax.f32 v23, v25;
	v25 =	vmin.f32 v14, v15;
	v14 =	vmax.f32 v14, v15  }
0xdc: {  	v39 =	vmin.f32 v27, v29;
	v21 =	vmax.f32 v50, v53;
	v56 =	vmax.f32 v30, v28  }
0xdd: {  	v57 =	vmax.f32 v51, v54;
	v20 =	vmin.f32 v20, v24;
	v58 =	vmin.f32 v52, v55  }
0xde: {  	v19 =	vmin.f32 v19, v23;
	v24 =	vmin.f32 v12, v13;
	v12 =	vmax.f32 v12, v13  }
0xdf: {  	v28 =	vmin.f32 v2, v4;
	v2 =	vmax.f32 v2, v4;
	v30 =	vmin.f32 v6, v8  }
0xe0: {  	v6 =	vmax.f32 v6, v8;
	v33 =	vmin.f32 v25, v26;
	v13 =	vmax.f32 v25, v26  }
0xe1: {  	v34 =	vmin.f32 v14, v16;
	v14 =	vmax.f32 v14, v16;
	v4 =	vmax.f32 v27, v29  }
0xe2: {  	v20 =	vmax.f32 v20, v22;
	v21 =	vmax.f32 v58, v21;
	v19 =	vmin.f32 v19, v56  }
0xe3: {  	v18 =	vmin.f32 v18, v57;
	v31 =	vmin.f32 v63, v24;
	v9 =	vmax.f32 v63, v24  }
0xe4: {  	v32 =	vmin.f32 v10, v12;
	v10 =	vmax.f32 v10, v12;
	v35 =	vmin.f32 v28, v3  }
0xe5: {  	v3 =	vmax.f32 v28, v3;
	v36 =	vmin.f32 v30, v5;
	v5 =	vmax.f32 v30, v5  }
0xe6: {  	v38 =	vmin.f32 v34, v13;
	v13 =	vmax.f32 v34, v13;
	v42 =	vmin.f32 v2, v6  }
0xe7: {  	v2 =	vmax.f32 v2, v6;
	v19 =	vmax.f32 v19, v20;
	v37 =	vmin.f32 v32, v9  }
0xe8: {  	v9 =	vmax.f32 v32, v9;
	v40 =	vmin.f32 v35, v36;
	v16 =	vmax.f32 v35, v36  }
0xe9: {  	v41 =	vmin.f32 v3, v5;
	v3 =	vmax.f32 v3, v5;
	v43 =	vmin.f32 v31, v33  }
0xea: {  	v8 =	vmax.f32 v31, v33;
	v46 =	vmin.f32 v10, v14;
	v10 =	vmax.f32 v10, v14  }
0xeb: {  	v44 =	vmin.f32 v37, v38;
	v7 =	vmax.f32 v37, v38;
	v45 =	vmin.f32 v9, v13  }
0xec: {  	v9 =	vmax.f32 v9, v13;
	v47 =	vmin.f32 v41, v4;
	v4 =	vmax.f32 v41, v4  }
0xed: {  	v48 =	vmin.f32 v42, v16;
	v5 =	vmax.f32 v42, v16;
	v6 =	vmax.f32 v39, v43  }
0xee: {  	v2 =	vmin.f32 v2, v10;
	v49 =	vmin.f32 v45, v8;
	v8 =	vmax.f32 v45, v8  }
0xef: {  	v50 =	vmin.f32 v46, v7;
	v7 =	vmax.f32 v46, v7;
	v51 =	vmin.f32 v40, v47  }
0xf0: {  	v14 =	vmax.f32 v40, v47;
	v52 =	vmin.f32 v48, v4;
	v4 =	vmax.f32 v48, v4  }
0xf1: {  	v53 =	vmin.f32 v5, v3;
	v3 =	vmax.f32 v5, v3;
	v54 =	vmin.f32 v44, v49  }
0xf2: {  	v12 =	vmax.f32 v44, v49;
	v55 =	vmin.f32 v50, v8;
	v8 =	vmax.f32 v50, v8  }
0xf3: {  	v56 =	vmin.f32 v7, v9;
	v7 =	vmax.f32 v7, v9;
	v5 =	vmax.f32 v51, v54  }
0xf4: {  	v57 =	vmax.f32 v14, v12;
	v58 =	vmax.f32 v52, v55;
	v4 =	vmin.f32 v4, v8  }
0xf5: {  	v59 =	vmin.f32 v53, v56;
	v3 =	vmin.f32 v3, v7;
	v4 =	vmax.f32 v4, v6  }
0xf6: {  	v5 =	vmax.f32 v59, v5;
	v3 =	vmin.f32 v3, v57;
	v2 =	vmin.f32 v2, v58  }
0xf7: {  	v60 =	vmin.f32 v18, v21;
	v3 =	vmax.f32 v3, v4;
	v2 =	vmin.f32 v2, v5  }
0xf8: {  	p0 =	sne.s32 s0, $0x3F;
	v61 =	vmin.f32 v60, v19;
	v62 =	vmax.f32 v60, v19;
	v63 =	vmax.f32 v2, v3  }
.Ltmp3:
0xf9: {  	v1 =	vmin.f32 v1, v62;
	v2 =	vmin.f32 v2, v3;
	v0 =	vmin.f32 v0, v63;
	(pc) =	sbr.rel @p0 .LBB2_5-.Ltmp3, $4  }
0xfa: {  	v1 =	vmax.f32 v61, v1;
	v0 =	vmax.f32 v2, v0  }
0xfb: {  	v1 =	vshrl.u32 v1, $0x10;
	v0 =	vand.u32 $0xFFFF0000, v0  }
0xfc: {  	v0 =	vor.u32 v0, v1  }
0xfd: {  	s1 =	sadd.s32 $0x10, s1;
	s0 =	sadd.s32 $0x1, s0;
	[tilespmem:s16+$0xA000] =	vst v0  }
.Ltmp4:
0xfe: {  	(pc) =	sbr.rel @p1 .LBB2_8-.Ltmp4, $4  }
0xff: {  	_ = 	snop  }
0x100: {  	s0 =	sshll.u32 s30, $0x8  }
0x101: {  	s0 =	sadd.s32 s11, s0  }
0x102: {  	[hbm4b:s0+s3] =	stream.linear.scatter [tilespmem:s25], [sflag:$0x6], $0x400, $0x38;
	[tilespmem:$0x1E400] =	vst v63  }
0x103: {  	s0 =	sadd.s32 $0x3, s31  }
.Ltmp5:
0x104: {  	s1 =	sshll.u32 s0, $0x7;
	s0 =	sshll.u32 s0, $0xA;
	(pc) =	sbr.rel .LBB2_2-.Ltmp5, $4  }
0x105: {  	s1 =	sand.u32 $0x3FFFFF80, s1;
	s0 =	sand.u32 $0x3FFFFC00, s0  }
0x106: {  	[tilespmem:s18], [sflag:$0x2] =	stream.indirect.gather [spmem:s2], $0x80, s1, s15, $0xb8;
	[tilespmem:$0x1E400] =	vst v63  }
0x107: {  	s30 =	sadd.s32 $0x1, s30;
	s0 =	sadd.s32 s0, s6  }
0x108: {  	[tilespmem:s19], [sflag:$0x4] =	stream.linear.gather [spmem:s0], $0x400, $0x38;
	[tilespmem:$0x1E400] =	vst v63  }
.LBB2_9:
0x109: {  	_ =	sfence.sel $0x180000  }
0x10a: {  	[bflag:$0x0] =	sbarrier.arrive $0xFFFF  }
0x10b: {  	_ =	strace $0x9000004A  }
0x10c: {  	s0 =	stileid.u32;
	[bflag:$0x2] =	sbarrier.arrive $0xFFFF  }
0x10d: {  	p0 =	sne.s32 s0, $0x0;
	s0 =	rddreg [dreg:$0x3]  }
0x10e: {  	s0 =	sadd.s32 @!p0 $0x100000, s0  }
0x10f: {  	[sflag:s0] =	ssyncadd.tile.s32 @!p0 $0x1;
	_ =	shalt  }
.Lfunc_end2:
_tile_overlayer_lowered:
.L_overlay_start_2:
0x110: {  	(tag) =	ssettag $0x2  }
0x111: {  	s0 =	rddreg [dreg:$0x0];
	s2 =	stileid.u32  }
0x112: {  	s1 =	rddreg [dreg:$0x1];
	p0 =	sne.s32 s2, $0x0  }
0x113: {  	s3 =	rddreg [dreg:$0x2];
	[bflag:$0x3] =	sbarrier.arrive $0xFFFF;
	s2 =	simm.s32 @!p0 $0x1C07  }
0x114: {  	[timem:s3], [sflag:s2] =	dma.local @!p0 [hbm:s0], s1  }
0x115: {  	s0 =	simm.s32 @!p0 $0x7  }
0x116: {  	_ =	swait.ge @!p0 [sflag:s0], s1  }
0x117: {  	s1 =	ssub.s32 @!p0 $0x0, s1;
	[sflag:s0] =	ssyncset.done @!p0 $0x0  }
0x118: {  	[sflag:s0] =	ssyncadd.s32 @!p0 s1  }
0x119: {  	[bflag:$0x3] =	sbarrier.arrive $0xFFFF  }
0x11a: {  	_ =	shalt  }

</sc_bundles>
